<compile_context>
chip_gen: v7x
topology: tpu7x:2x2x1
jax: 0.10.2.dev20260603
libtpu: 0.0.44.dev20260713+nightly
codegen_flags: <defaults>
</compile_context>

<pallas_src>
import functools

import jax
import jax.numpy as jnp
from jax import lax
from jax.experimental import pallas as pl
from jax.experimental.pallas import tpu as pltpu
from jax.experimental.pallas import tpu_sc as plsc

N = 10000
NP = 10240
D = 128
H = 64
K = 32
E = 320000
NTILES = 32
CHK = 512
NCH = 20
EPT = CHK * NCH
EP = EPT * NTILES
RPT = NP // 16

_f32 = jnp.float32


def _matmul_call(x, w):

    def body(x_ref, w_ref, o_ref):
        o_ref[...] = jnp.dot(x_ref[...], w_ref[...],
                             preferred_element_type=_f32)

    return pl.pallas_call(
        body,
        out_shape=jax.ShapeDtypeStruct((x.shape[0], w.shape[1]), _f32),
    )(x, w)


def _segsum_sc(g, src3, dst3, zblk):
    mesh = plsc.VectorSubcoreMesh(core_axis_name="c", subcore_axis_name="s")

    @functools.partial(
        pl.kernel,
        out_type=jax.ShapeDtypeStruct((2, NP, H), _f32),
        mesh=mesh,
        compiler_params=pltpu.CompilerParams(use_tc_tiling_on_sc=False),
        scratch_types=[
            pltpu.VMEM((CHK,), jnp.int32),
            pltpu.VMEM((CHK,), jnp.int32),
            pltpu.VMEM((CHK, H), _f32),
            pltpu.VMEM_SHARED((NP, H), _f32),
            pltpu.VMEM_SHARED((NP, H), _f32),
        ],
    )
    def ksc(g_hbm, src_hbm, dst_hbm, z_hbm, out_hbm,
            srcv, dstv, rows, acc, gsh):
        c = lax.axis_index("c")
        s = lax.axis_index("s")
        wid = s * 2 + c
        hrpt = RPT // 2

        for u in range(2):
            r0 = s * RPT + u * hrpt
            pltpu.sync_copy(g_hbm.at[pl.ds(r0, hrpt)], rows.at[pl.ds(0, hrpt)])
            pltpu.sync_copy(rows.at[pl.ds(0, hrpt)], gsh.at[pl.ds(r0, hrpt)])
            pltpu.sync_copy(z_hbm.at[pl.ds(0, hrpt)], rows.at[pl.ds(0, hrpt)])
            pltpu.sync_copy(rows.at[pl.ds(0, hrpt)], acc.at[pl.ds(r0, hrpt)])
        plsc.subcore_barrier()

        @pl.loop(0, NCH)
        def _(j):
            pltpu.sync_copy(src_hbm.at[wid, j], srcv)
            pltpu.sync_copy(dst_hbm.at[wid, j], dstv)
            pltpu.sync_copy(gsh.at[srcv], rows)
            pltpu.sync_copy(rows, acc.at[dstv], add=True)

        plsc.subcore_barrier()
        for u in range(2):
            r0 = s * RPT + u * hrpt
            pltpu.sync_copy(acc.at[pl.ds(r0, hrpt)], rows.at[pl.ds(0, hrpt)])
            pltpu.sync_copy(rows.at[pl.ds(0, hrpt)],
                            out_hbm.at[c, pl.ds(r0, hrpt)])

    return ksc(g, src3, dst3, zblk)


def _topk_pool(s80, hs_ref, r_ref):
    ia = lax.broadcasted_iota(jnp.int32, (80, 128), 0)
    ib = lax.broadcasted_iota(jnp.int32, (80, 128), 1)
    fiota = ia * 128 + ib
    s = jnp.where(fiota < N, s80, _f32(-3e38))

    def step(k, sv):
        m = jnp.max(sv)
        fi = jnp.min(jnp.where(sv == m, fiota, jnp.int32(1 << 30)))
        row = hs_ref[pl.ds(fi, 1), :]
        r_ref[pl.ds(k, 1), :] = row * m
        return jnp.where(fiota == fi, _f32(-3e38), sv)

    lax.fori_loop(0, K, step, s)


def _combine_call(g, p, scal, b, aw, wn):

    def body(scal_ref, g_ref, p_ref, b_ref, aw_ref, wn_ref,
             gn_ref, r_ref, hs_ref):
        one_eps = scal_ref[0]
        ab = scal_ref[1]
        h = jnp.maximum(
            one_eps * g_ref[...] + p_ref[0] + p_ref[1] + b_ref[...], 0.0)
        hs_ref[...] = h
        gn_ref[...] = jnp.dot(h, wn_ref[...], preferred_element_type=_f32)
        z = jnp.dot(h, aw_ref[...], preferred_element_type=_f32)
        s80 = jnp.tanh(z + ab).reshape(80, 128)
        _topk_pool(s80, hs_ref, r_ref)

    return pl.pallas_call(
        body,
        in_specs=[
            pl.BlockSpec(memory_space=pltpu.SMEM),
            pl.BlockSpec(memory_space=pltpu.VMEM),
            pl.BlockSpec(memory_space=pltpu.VMEM),
            pl.BlockSpec(memory_space=pltpu.VMEM),
            pl.BlockSpec(memory_space=pltpu.VMEM),
            pl.BlockSpec(memory_space=pltpu.VMEM),
        ],
        out_shape=[
            jax.ShapeDtypeStruct((NP, H), _f32),
            jax.ShapeDtypeStruct((K, H), _f32),
        ],
        scratch_shapes=[pltpu.VMEM((NP, H), _f32)],
    )(scal, g, p, b, aw, wn)


def _combine_last_call(g, p, scal, b, aw):

    def body(scal_ref, g_ref, p_ref, b_ref, aw_ref, r_ref, hs_ref):
        one_eps = scal_ref[0]
        ab = scal_ref[1]
        h = jnp.maximum(
            one_eps * g_ref[...] + p_ref[0] + p_ref[1] + b_ref[...], 0.0)
        hs_ref[...] = h
        z = jnp.dot(h, aw_ref[...], preferred_element_type=_f32)
        s80 = jnp.tanh(z + ab).reshape(80, 128)
        _topk_pool(s80, hs_ref, r_ref)

    return pl.pallas_call(
        body,
        in_specs=[
            pl.BlockSpec(memory_space=pltpu.SMEM),
            pl.BlockSpec(memory_space=pltpu.VMEM),
            pl.BlockSpec(memory_space=pltpu.VMEM),
            pl.BlockSpec(memory_space=pltpu.VMEM),
            pl.BlockSpec(memory_space=pltpu.VMEM),
        ],
        out_shape=jax.ShapeDtypeStruct((K, H), _f32),
        scratch_shapes=[pltpu.VMEM((NP, H), _f32)],
    )(scal, g, p, b, aw)


def _head_call(r0, r1, r2, cwt, cb, w1r, b1, w2, b2):

    def body(r0_ref, r1_ref, r2_ref, cwt_ref, cb_ref, w1_ref, b1_ref,
             w2_ref, b2_ref, o_ref):
        conv = (jnp.dot(r0_ref[...], cwt_ref[0:H, :],
                        preferred_element_type=_f32)
                + jnp.dot(r1_ref[...], cwt_ref[H:2 * H, :],
                          preferred_element_type=_f32)
                + jnp.dot(r2_ref[...], cwt_ref[2 * H:3 * H, :],
                          preferred_element_type=_f32)
                + cb_ref[...])
        conv = jnp.where(conv >= 0, conv, conv * _f32(0.01))
        acc = jnp.zeros((1, 128), _f32)
        for i in range(K):
            acc = acc + jnp.dot(conv[i:i + 1, :],
                                w1_ref[i * 16:(i + 1) * 16, :],
                                preferred_element_type=_f32)
        f1 = acc + b1_ref[...]
        f1 = jnp.where(f1 >= 0, f1, f1 * _f32(0.01))
        o = jnp.dot(f1, w2_ref[...], preferred_element_type=_f32) + b2_ref[...]
        o_ref[...] = jax.nn.sigmoid(o)

    return pl.pallas_call(
        body,
        out_shape=jax.ShapeDtypeStruct((1, 2), _f32),
    )(r0, r1, r2, cwt, cb, w1r, b1, w2, b2)


def kernel(x, edge_index, eps0, eps1, eps2, W0, b0, W1, b1, W2, b2,
           aw0, ab0, aw1, ab1, aw2, ab2, convW, convb, fc1W, fc1b, fc2W, fc2b):
    xp = jnp.pad(x, ((0, NP - N), (0, 0)))
    src = edge_index[0]
    dst = edge_index[1]
    npad = EP - E
    src3 = jnp.concatenate(
        [src, jnp.zeros((npad,), jnp.int32)]).reshape(NTILES, NCH, CHK)
    dst3 = jnp.concatenate(
        [dst, jnp.full((npad,), N, jnp.int32)]).reshape(NTILES, NCH, CHK)

    zblk = jnp.zeros((RPT, H), _f32)

    b0r = b0.reshape(1, H)
    b1r = b1.reshape(1, H)
    b2r = b2.reshape(1, H)
    aw0r = aw0.reshape(H, 1)
    aw1r = aw1.reshape(H, 1)
    aw2r = aw2.reshape(H, 1)
    sc0 = jnp.stack([1.0 + eps0, ab0]).astype(_f32)
    sc1 = jnp.stack([1.0 + eps1, ab1]).astype(_f32)
    sc2 = jnp.stack([1.0 + eps2, ab2]).astype(_f32)
    cwt = convW.T
    w1r = fc1W.reshape(16, K, 128).transpose(1, 0, 2).reshape(16 * K, 128)
    cb = convb.reshape(1, 16)
    fb1 = fc1b.reshape(1, 128)
    fb2 = fc2b.reshape(1, 2)

    g0 = _matmul_call(xp, W0)
    p0 = _segsum_sc(g0, src3, dst3, zblk)
    g1, r0 = _combine_call(g0, p0, sc0, b0r, aw0r, W1)
    p1 = _segsum_sc(g1, src3, dst3, zblk)
    g2, r1 = _combine_call(g1, p1, sc1, b1r, aw1r, W2)
    p2 = _segsum_sc(g2, src3, dst3, zblk)
    r2 = _combine_last_call(g2, p2, sc2, b2r, aw2r)

    return _head_call(r0, r1, r2, cwt, cb, w1r, fb1, fc2W, fb2)

# --- scband reference (transcript-rebuilt; emitter-appended) ---
"""Pipeline reference for scband-soft-attention-model-32452772888588 (READ-ONLY COPY).

The authoritative reference and input builder live on the scoring server;
editing this copy changes nothing except your own understanding.
"""

import jax, jax.numpy as jnp
import numpy as np

N = 10000
E = 320000
D = 128
HID = [64, 64, 64]
K = 32            # activate_nodes
CH = 16           # conv channels
CONV = sum(HID)   # 192


def setup_inputs(seed: int = 0) -> dict:
    key = jax.random.key(seed)
    ks = jax.random.split(key, 32)
    inp = {}
    inp["x"] = jax.random.normal(ks[0], (N, D), dtype=jnp.float32)
    inp["edge_index"] = jax.random.randint(ks[1], (2, E), 0, N, dtype=jnp.int32)
    # GIN eps (learn_eps=True, init 0.1)
    inp["eps0"] = jnp.asarray(0.1, dtype=jnp.float32)
    inp["eps1"] = jnp.asarray(0.1, dtype=jnp.float32)
    inp["eps2"] = jnp.asarray(0.1, dtype=jnp.float32)
    # GIN apply_func linear layers
    inp["W0"] = jax.random.normal(ks[2], (D, HID[0]), dtype=jnp.float32) * 0.05
    inp["b0"] = jnp.zeros((HID[0],), dtype=jnp.float32)
    inp["W1"] = jax.random.normal(ks[3], (HID[0], HID[1]), dtype=jnp.float32) * 0.05
    inp["b1"] = jnp.zeros((HID[1],), dtype=jnp.float32)
    inp["W2"] = jax.random.normal(ks[4], (HID[1], HID[2]), dtype=jnp.float32) * 0.05
    inp["b2"] = jnp.zeros((HID[2],), dtype=jnp.float32)
    # soft attention pooling score projections (one per layer)
    inp["aw0"] = jax.random.normal(ks[5], (HID[0],), dtype=jnp.float32) * 0.05
    inp["ab0"] = jnp.zeros((), dtype=jnp.float32)
    inp["aw1"] = jax.random.normal(ks[6], (HID[1],), dtype=jnp.float32) * 0.05
    inp["ab1"] = jnp.zeros((), dtype=jnp.float32)
    inp["aw2"] = jax.random.normal(ks[7], (HID[2],), dtype=jnp.float32) * 0.05
    inp["ab2"] = jnp.zeros((), dtype=jnp.float32)
    # conv1d (in_ch=1, out_ch=CH, kernel=CONV, stride=CONV)
    inp["convW"] = jax.random.normal(ks[8], (CH, CONV), dtype=jnp.float32) * 0.05
    inp["convb"] = jnp.zeros((CH,), dtype=jnp.float32)
    # fc layers
    inp["fc1W"] = jax.random.normal(ks[9], (CH * K, 128), dtype=jnp.float32) * 0.05
    inp["fc1b"] = jnp.zeros((128,), dtype=jnp.float32)
    inp["fc2W"] = jax.random.normal(ks[10], (128, 2), dtype=jnp.float32) * 0.05
    inp["fc2b"] = jnp.zeros((2,), dtype=jnp.float32)
    return inp


def reference(x, edge_index, eps0, eps1, eps2, W0, b0, W1, b1, W2, b2,
              aw0, ab0, aw1, ab1, aw2, ab2, convW, convb, fc1W, fc1b, fc2W, fc2b):
    src = edge_index[0]
    dst = edge_index[1]

    def gin(h, eps, W, b):
        # sum aggregation: scatter-add of source features into destination nodes
        agg = jax.ops.segment_sum(h[src], dst, num_segments=h.shape[0])
        return ((1.0 + eps) * h + agg) @ W + b

    def soft_att_pool(h, aw, ab):
        # per-node attention score, select top activate_nodes nodes,
        # weight their features by the (soft) attention score
        s = jnp.tanh(h @ aw + ab)              # [N]
        ts, ti = jax.lax.top_k(s, K)           # [K], [K]
        return (h[ti] * ts[:, None])[None]     # [1, K, d]

    h = jax.nn.relu(gin(x, eps0, W0, b0))
    r0 = soft_att_pool(h, aw0, ab0)
    h = jax.nn.relu(gin(h, eps1, W1, b1))
    r1 = soft_att_pool(h, aw1, ab1)
    h = jax.nn.relu(gin(h, eps2, W2, b2))
    r2 = soft_att_pool(h, aw2, ab2)

    merged = jnp.concatenate([r0, r1, r2], axis=2)   # [1, K, CONV]
    # Conv1d(1, CH, CONV, stride=CONV) over flattened [1, 1, K*CONV]
    # equivalent to per-window contraction with kernel of length CONV
    conv = jnp.einsum('bik,ck->bci', merged, convW) + convb[None, :, None]  # [1, CH, K]
    conv = jax.nn.leaky_relu(conv, negative_slope=0.01)
    flat = conv.reshape(conv.shape[0], -1)           # [1, CH*K]
    # dropout p=0.0 -> identity (eval)
    f1 = jax.nn.leaky_relu(flat @ fc1W + fc1b, negative_slope=0.01)
    out = jax.nn.sigmoid(f1 @ fc2W + fc2b)           # [1, 2]
    return out

if __name__ == "__main__":
    import jax
    _d = setup_inputs()
    print(jax.jit(kernel)(*tuple(_d.values())))

</pallas_src>

<mosaic_0001>
#map = affine_map<(d0, d1) -> (0, 0)>
#map1 = affine_map<(d0, d1) -> (0, 0, 0)>
module attributes {stable_mosaic.version = 14 : i64} {
  func.func @ksc(%arg0: i32, %arg1: i32, %arg2: memref<10240x64xf32, #tpu.memory_space<hbm>>, %arg3: memref<32x20x512xi32, #tpu.memory_space<hbm>>, %arg4: memref<32x20x512xi32, #tpu.memory_space<hbm>>, %arg5: memref<640x64xf32, #tpu.memory_space<hbm>>, %arg6: memref<2x10240x64xf32, #tpu.memory_space<hbm>>, %arg7: memref<512xi32, #tpu.memory_space<vmem>>, %arg8: memref<512xi32, #tpu.memory_space<vmem>>, %arg9: memref<512x64xf32, #tpu.memory_space<vmem>>, %arg10: memref<10240x64xf32, #tpu.memory_space<vmem_shared>>, %arg11: memref<10240x64xf32, #tpu.memory_space<vmem_shared>>) attributes {dimension_semantics = [#tpu.dimension_semantics<core_parallel>, #tpu.dimension_semantics<subcore_parallel>], iteration_bounds = array<i64: 2, 16>, scalar_prefetch = 0 : i64, scratch_operands = 5 : i64, tpu.core_type = #tpu.core_type<sc_vector_subcore>, window_params = [{transform_indices = #map}, {transform_indices = #map1}, {transform_indices = #map1}, {transform_indices = #map}, {transform_indices = #map1}]} {
    %mul3A = arith.constant 2 : i32
    %mul3A_0 = arith.muli %arg1, %mul3A : i32
    %add3A = arith.addi %mul3A_0, %arg0 : i32
    %mul3A_1 = arith.constant 640 : i32
    %mul3A_2 = arith.muli %arg1, %mul3A_1 : i32
    %add3A_3 = arith.constant 0 : i32
    %add3A_4 = arith.addi %mul3A_2, %add3A_3 : i32
    "tpu.region"() ({
      %run_scoped3A = tpu.sem_alloc : memref<!tpu.dma_semaphore, #tpu.memory_space<semaphore_mem>>
      %dma_start3A = arith.constant 0 : i32
      %dma_start3A_22 = arith.constant 0 : i32
      %dma_start3A_23 = tpu.memref_slice %arg9[%dma_start3A, %dma_start3A_22] : memref<512x64xf32, #tpu.memory_space<vmem>> -> memref<320x64xf32, #tpu.memory_space<vmem>>
      %dma_start3A_24 = arith.constant 0 : i32
      %dma_start3A_25 = tpu.memref_slice %arg2[%add3A_4, %dma_start3A_24] : memref<10240x64xf32, #tpu.memory_space<hbm>> -> memref<320x64xf32, #tpu.memory_space<hbm>>
      %dma_start3A_26 = arith.constant 0 : i32
      %dma_start3A_27 = arith.constant 0 : i32
      %dma_start3A_28 = tpu.memref_slice %arg9[%dma_start3A_26, %dma_start3A_27] : memref<512x64xf32, #tpu.memory_space<vmem>> -> memref<320x64xf32, #tpu.memory_space<vmem>>
      %dma_start3A_29 = arith.constant 0 : i32
      %dma_start3A_30 = tpu.memref_slice %arg2[%add3A_4, %dma_start3A_29] : memref<10240x64xf32, #tpu.memory_space<hbm>> -> memref<320x64xf32, #tpu.memory_space<hbm>>
      tpu.enqueue_dma source(%dma_start3A_30 : memref<320x64xf32, #tpu.memory_space<hbm>>) target(%dma_start3A_28 : memref<320x64xf32, #tpu.memory_space<vmem>>) target_semaphore(%run_scoped3A : memref<!tpu.dma_semaphore, #tpu.memory_space<semaphore_mem>>)
      %dma_wait3A = arith.constant 0 : i32
      %dma_wait3A_31 = arith.constant 0 : i32
      %dma_wait3A_32 = tpu.memref_slice %arg9[%dma_wait3A, %dma_wait3A_31] : memref<512x64xf32, #tpu.memory_space<vmem>> -> memref<320x64xf32, #tpu.memory_space<vmem>>
      %dma_wait3A_33 = arith.constant 0 : i32
      %dma_wait3A_34 = tpu.memref_slice %arg2[%add3A_4, %dma_wait3A_33] : memref<10240x64xf32, #tpu.memory_space<hbm>> -> memref<320x64xf32, #tpu.memory_space<hbm>>
      %dma_wait3A_35 = arith.constant 0 : i32
      %dma_wait3A_36 = arith.constant 0 : i32
      %dma_wait3A_37 = tpu.memref_slice %arg9[%dma_wait3A_35, %dma_wait3A_36] : memref<512x64xf32, #tpu.memory_space<vmem>> -> memref<320x64xf32, #tpu.memory_space<vmem>>
      %dma_wait3A_38 = arith.constant 0 : i32
      %dma_wait3A_39 = tpu.memref_slice %arg2[%add3A_4, %dma_wait3A_38] : memref<10240x64xf32, #tpu.memory_space<hbm>> -> memref<320x64xf32, #tpu.memory_space<hbm>>
      tpu.wait_dma2 semaphore(%run_scoped3A : memref<!tpu.dma_semaphore, #tpu.memory_space<semaphore_mem>>) src(%dma_wait3A_39 : memref<320x64xf32, #tpu.memory_space<hbm>>) dst(%dma_wait3A_37 : memref<320x64xf32, #tpu.memory_space<vmem>>)
      tpu.yield
    }) : () -> ()
    "tpu.region"() ({
      %run_scoped3A = tpu.sem_alloc : memref<!tpu.dma_semaphore, #tpu.memory_space<semaphore_mem>>
      %dma_start3A = arith.constant 0 : i32
      %dma_start3A_22 = arith.constant 0 : i32
      %dma_start3A_23 = tpu.memref_slice %arg9[%dma_start3A, %dma_start3A_22] : memref<512x64xf32, #tpu.memory_space<vmem>> -> memref<320x64xf32, #tpu.memory_space<vmem>>
      %dma_start3A_24 = arith.constant 0 : i32
      %dma_start3A_25 = tpu.memref_slice %arg11[%add3A_4, %dma_start3A_24] : memref<10240x64xf32, #tpu.memory_space<vmem_shared>> -> memref<320x64xf32, #tpu.memory_space<vmem_shared>>
      %dma_start3A_26 = arith.constant 0 : i32
      %dma_start3A_27 = tpu.memref_slice %arg11[%add3A_4, %dma_start3A_26] : memref<10240x64xf32, #tpu.memory_space<vmem_shared>> -> memref<320x64xf32, #tpu.memory_space<vmem_shared>>
      %dma_start3A_28 = arith.constant 0 : i32
      %dma_start3A_29 = arith.constant 0 : i32
      %dma_start3A_30 = tpu.memref_slice %arg9[%dma_start3A_28, %dma_start3A_29] : memref<512x64xf32, #tpu.memory_space<vmem>> -> memref<320x64xf32, #tpu.memory_space<vmem>>
      tpu.enqueue_dma source(%dma_start3A_30 : memref<320x64xf32, #tpu.memory_space<vmem>>) target(%dma_start3A_27 : memref<320x64xf32, #tpu.memory_space<vmem_shared>>) target_semaphore(%run_scoped3A : memref<!tpu.dma_semaphore, #tpu.memory_space<semaphore_mem>>)
      %dma_wait3A = arith.constant 0 : i32
      %dma_wait3A_31 = arith.constant 0 : i32
      %dma_wait3A_32 = tpu.memref_slice %arg9[%dma_wait3A, %dma_wait3A_31] : memref<512x64xf32, #tpu.memory_space<vmem>> -> memref<320x64xf32, #tpu.memory_space<vmem>>
      %dma_wait3A_33 = arith.constant 0 : i32
      %dma_wait3A_34 = tpu.memref_slice %arg11[%add3A_4, %dma_wait3A_33] : memref<10240x64xf32, #tpu.memory_space<vmem_shared>> -> memref<320x64xf32, #tpu.memory_space<vmem_shared>>
      %dma_wait3A_35 = arith.constant 0 : i32
      %dma_wait3A_36 = tpu.memref_slice %arg11[%add3A_4, %dma_wait3A_35] : memref<10240x64xf32, #tpu.memory_space<vmem_shared>> -> memref<320x64xf32, #tpu.memory_space<vmem_shared>>
      %dma_wait3A_37 = arith.constant 0 : i32
      %dma_wait3A_38 = arith.constant 0 : i32
      %dma_wait3A_39 = tpu.memref_slice %arg9[%dma_wait3A_37, %dma_wait3A_38] : memref<512x64xf32, #tpu.memory_space<vmem>> -> memref<320x64xf32, #tpu.memory_space<vmem>>
      tpu.wait_dma2 semaphore(%run_scoped3A : memref<!tpu.dma_semaphore, #tpu.memory_space<semaphore_mem>>) src(%dma_wait3A_39 : memref<320x64xf32, #tpu.memory_space<vmem>>) dst(%dma_wait3A_36 : memref<320x64xf32, #tpu.memory_space<vmem_shared>>)
      tpu.yield
    }) : () -> ()
    "tpu.region"() ({
      %run_scoped3A = tpu.sem_alloc : memref<!tpu.dma_semaphore, #tpu.memory_space<semaphore_mem>>
      %dma_start3A = arith.constant 0 : i32
      %dma_start3A_22 = arith.constant 0 : i32
      %dma_start3A_23 = tpu.memref_slice %arg9[%dma_start3A, %dma_start3A_22] : memref<512x64xf32, #tpu.memory_space<vmem>> -> memref<320x64xf32, #tpu.memory_space<vmem>>
      %dma_start3A_24 = arith.constant 0 : i32
      %dma_start3A_25 = arith.constant 0 : i32
      %dma_start3A_26 = tpu.memref_slice %arg5[%dma_start3A_24, %dma_start3A_25] : memref<640x64xf32, #tpu.memory_space<hbm>> -> memref<320x64xf32, #tpu.memory_space<hbm>>
      %dma_start3A_27 = arith.constant 0 : i32
      %dma_start3A_28 = arith.constant 0 : i32
      %dma_start3A_29 = tpu.memref_slice %arg9[%dma_start3A_27, %dma_start3A_28] : memref<512x64xf32, #tpu.memory_space<vmem>> -> memref<320x64xf32, #tpu.memory_space<vmem>>
      %dma_start3A_30 = arith.constant 0 : i32
      %dma_start3A_31 = arith.constant 0 : i32
      %dma_start3A_32 = tpu.memref_slice %arg5[%dma_start3A_30, %dma_start3A_31] : memref<640x64xf32, #tpu.memory_space<hbm>> -> memref<320x64xf32, #tpu.memory_space<hbm>>
      tpu.enqueue_dma source(%dma_start3A_32 : memref<320x64xf32, #tpu.memory_space<hbm>>) target(%dma_start3A_29 : memref<320x64xf32, #tpu.memory_space<vmem>>) target_semaphore(%run_scoped3A : memref<!tpu.dma_semaphore, #tpu.memory_space<semaphore_mem>>)
      %dma_wait3A = arith.constant 0 : i32
      %dma_wait3A_33 = arith.constant 0 : i32
      %dma_wait3A_34 = tpu.memref_slice %arg9[%dma_wait3A, %dma_wait3A_33] : memref<512x64xf32, #tpu.memory_space<vmem>> -> memref<320x64xf32, #tpu.memory_space<vmem>>
      %dma_wait3A_35 = arith.constant 0 : i32
      %dma_wait3A_36 = arith.constant 0 : i32
      %dma_wait3A_37 = tpu.memref_slice %arg5[%dma_wait3A_35, %dma_wait3A_36] : memref<640x64xf32, #tpu.memory_space<hbm>> -> memref<320x64xf32, #tpu.memory_space<hbm>>
      %dma_wait3A_38 = arith.constant 0 : i32
      %dma_wait3A_39 = arith.constant 0 : i32
      %dma_wait3A_40 = tpu.memref_slice %arg9[%dma_wait3A_38, %dma_wait3A_39] : memref<512x64xf32, #tpu.memory_space<vmem>> -> memref<320x64xf32, #tpu.memory_space<vmem>>
      %dma_wait3A_41 = arith.constant 0 : i32
      %dma_wait3A_42 = arith.constant 0 : i32
      %dma_wait3A_43 = tpu.memref_slice %arg5[%dma_wait3A_41, %dma_wait3A_42] : memref<640x64xf32, #tpu.memory_space<hbm>> -> memref<320x64xf32, #tpu.memory_space<hbm>>
      tpu.wait_dma2 semaphore(%run_scoped3A : memref<!tpu.dma_semaphore, #tpu.memory_space<semaphore_mem>>) src(%dma_wait3A_43 : memref<320x64xf32, #tpu.memory_space<hbm>>) dst(%dma_wait3A_40 : memref<320x64xf32, #tpu.memory_space<vmem>>)
      tpu.yield
    }) : () -> ()
    "tpu.region"() ({
      %run_scoped3A = tpu.sem_alloc : memref<!tpu.dma_semaphore, #tpu.memory_space<semaphore_mem>>
      %dma_start3A = arith.constant 0 : i32
      %dma_start3A_22 = arith.constant 0 : i32
      %dma_start3A_23 = tpu.memref_slice %arg9[%dma_start3A, %dma_start3A_22] : memref<512x64xf32, #tpu.memory_space<vmem>> -> memref<320x64xf32, #tpu.memory_space<vmem>>
      %dma_start3A_24 = arith.constant 0 : i32
      %dma_start3A_25 = tpu.memref_slice %arg10[%add3A_4, %dma_start3A_24] : memref<10240x64xf32, #tpu.memory_space<vmem_shared>> -> memref<320x64xf32, #tpu.memory_space<vmem_shared>>
      %dma_start3A_26 = arith.constant 0 : i32
      %dma_start3A_27 = tpu.memref_slice %arg10[%add3A_4, %dma_start3A_26] : memref<10240x64xf32, #tpu.memory_space<vmem_shared>> -> memref<320x64xf32, #tpu.memory_space<vmem_shared>>
      %dma_start3A_28 = arith.constant 0 : i32
      %dma_start3A_29 = arith.constant 0 : i32
      %dma_start3A_30 = tpu.memref_slice %arg9[%dma_start3A_28, %dma_start3A_29] : memref<512x64xf32, #tpu.memory_space<vmem>> -> memref<320x64xf32, #tpu.memory_space<vmem>>
      tpu.enqueue_dma source(%dma_start3A_30 : memref<320x64xf32, #tpu.memory_space<vmem>>) target(%dma_start3A_27 : memref<320x64xf32, #tpu.memory_space<vmem_shared>>) target_semaphore(%run_scoped3A : memref<!tpu.dma_semaphore, #tpu.memory_space<semaphore_mem>>)
      %dma_wait3A = arith.constant 0 : i32
      %dma_wait3A_31 = arith.constant 0 : i32
      %dma_wait3A_32 = tpu.memref_slice %arg9[%dma_wait3A, %dma_wait3A_31] : memref<512x64xf32, #tpu.memory_space<vmem>> -> memref<320x64xf32, #tpu.memory_space<vmem>>
      %dma_wait3A_33 = arith.constant 0 : i32
      %dma_wait3A_34 = tpu.memref_slice %arg10[%add3A_4, %dma_wait3A_33] : memref<10240x64xf32, #tpu.memory_space<vmem_shared>> -> memref<320x64xf32, #tpu.memory_space<vmem_shared>>
      %dma_wait3A_35 = arith.constant 0 : i32
      %dma_wait3A_36 = tpu.memref_slice %arg10[%add3A_4, %dma_wait3A_35] : memref<10240x64xf32, #tpu.memory_space<vmem_shared>> -> memref<320x64xf32, #tpu.memory_space<vmem_shared>>
      %dma_wait3A_37 = arith.constant 0 : i32
      %dma_wait3A_38 = arith.constant 0 : i32
      %dma_wait3A_39 = tpu.memref_slice %arg9[%dma_wait3A_37, %dma_wait3A_38] : memref<512x64xf32, #tpu.memory_space<vmem>> -> memref<320x64xf32, #tpu.memory_space<vmem>>
      tpu.wait_dma2 semaphore(%run_scoped3A : memref<!tpu.dma_semaphore, #tpu.memory_space<semaphore_mem>>) src(%dma_wait3A_39 : memref<320x64xf32, #tpu.memory_space<vmem>>) dst(%dma_wait3A_36 : memref<320x64xf32, #tpu.memory_space<vmem_shared>>)
      tpu.yield
    }) : () -> ()
    %mul3A_5 = arith.constant 640 : i32
    %mul3A_6 = arith.muli %arg1, %mul3A_5 : i32
    %add3A_7 = arith.constant 320 : i32
    %add3A_8 = arith.addi %mul3A_6, %add3A_7 : i32
    "tpu.region"() ({
      %run_scoped3A = tpu.sem_alloc : memref<!tpu.dma_semaphore, #tpu.memory_space<semaphore_mem>>
      %dma_start3A = arith.constant 0 : i32
      %dma_start3A_22 = arith.constant 0 : i32
      %dma_start3A_23 = tpu.memref_slice %arg9[%dma_start3A, %dma_start3A_22] : memref<512x64xf32, #tpu.memory_space<vmem>> -> memref<320x64xf32, #tpu.memory_space<vmem>>
      %dma_start3A_24 = arith.constant 0 : i32
      %dma_start3A_25 = tpu.memref_slice %arg2[%add3A_8, %dma_start3A_24] : memref<10240x64xf32, #tpu.memory_space<hbm>> -> memref<320x64xf32, #tpu.memory_space<hbm>>
      %dma_start3A_26 = arith.constant 0 : i32
      %dma_start3A_27 = arith.constant 0 : i32
      %dma_start3A_28 = tpu.memref_slice %arg9[%dma_start3A_26, %dma_start3A_27] : memref<512x64xf32, #tpu.memory_space<vmem>> -> memref<320x64xf32, #tpu.memory_space<vmem>>
      %dma_start3A_29 = arith.constant 0 : i32
      %dma_start3A_30 = tpu.memref_slice %arg2[%add3A_8, %dma_start3A_29] : memref<10240x64xf32, #tpu.memory_space<hbm>> -> memref<320x64xf32, #tpu.memory_space<hbm>>
      tpu.enqueue_dma source(%dma_start3A_30 : memref<320x64xf32, #tpu.memory_space<hbm>>) target(%dma_start3A_28 : memref<320x64xf32, #tpu.memory_space<vmem>>) target_semaphore(%run_scoped3A : memref<!tpu.dma_semaphore, #tpu.memory_space<semaphore_mem>>)
      %dma_wait3A = arith.constant 0 : i32
      %dma_wait3A_31 = arith.constant 0 : i32
      %dma_wait3A_32 = tpu.memref_slice %arg9[%dma_wait3A, %dma_wait3A_31] : memref<512x64xf32, #tpu.memory_space<vmem>> -> memref<320x64xf32, #tpu.memory_space<vmem>>
      %dma_wait3A_33 = arith.constant 0 : i32
      %dma_wait3A_34 = tpu.memref_slice %arg2[%add3A_8, %dma_wait3A_33] : memref<10240x64xf32, #tpu.memory_space<hbm>> -> memref<320x64xf32, #tpu.memory_space<hbm>>
      %dma_wait3A_35 = arith.constant 0 : i32
      %dma_wait3A_36 = arith.constant 0 : i32
      %dma_wait3A_37 = tpu.memref_slice %arg9[%dma_wait3A_35, %dma_wait3A_36] : memref<512x64xf32, #tpu.memory_space<vmem>> -> memref<320x64xf32, #tpu.memory_space<vmem>>
      %dma_wait3A_38 = arith.constant 0 : i32
      %dma_wait3A_39 = tpu.memref_slice %arg2[%add3A_8, %dma_wait3A_38] : memref<10240x64xf32, #tpu.memory_space<hbm>> -> memref<320x64xf32, #tpu.memory_space<hbm>>
      tpu.wait_dma2 semaphore(%run_scoped3A : memref<!tpu.dma_semaphore, #tpu.memory_space<semaphore_mem>>) src(%dma_wait3A_39 : memref<320x64xf32, #tpu.memory_space<hbm>>) dst(%dma_wait3A_37 : memref<320x64xf32, #tpu.memory_space<vmem>>)
      tpu.yield
    }) : () -> ()
    "tpu.region"() ({
      %run_scoped3A = tpu.sem_alloc : memref<!tpu.dma_semaphore, #tpu.memory_space<semaphore_mem>>
      %dma_start3A = arith.constant 0 : i32
      %dma_start3A_22 = arith.constant 0 : i32
      %dma_start3A_23 = tpu.memref_slice %arg9[%dma_start3A, %dma_start3A_22] : memref<512x64xf32, #tpu.memory_space<vmem>> -> memref<320x64xf32, #tpu.memory_space<vmem>>
      %dma_start3A_24 = arith.constant 0 : i32
      %dma_start3A_25 = tpu.memref_slice %arg11[%add3A_8, %dma_start3A_24] : memref<10240x64xf32, #tpu.memory_space<vmem_shared>> -> memref<320x64xf32, #tpu.memory_space<vmem_shared>>
      %dma_start3A_26 = arith.constant 0 : i32
      %dma_start3A_27 = tpu.memref_slice %arg11[%add3A_8, %dma_start3A_26] : memref<10240x64xf32, #tpu.memory_space<vmem_shared>> -> memref<320x64xf32, #tpu.memory_space<vmem_shared>>
      %dma_start3A_28 = arith.constant 0 : i32
      %dma_start3A_29 = arith.constant 0 : i32
      %dma_start3A_30 = tpu.memref_slice %arg9[%dma_start3A_28, %dma_start3A_29] : memref<512x64xf32, #tpu.memory_space<vmem>> -> memref<320x64xf32, #tpu.memory_space<vmem>>
      tpu.enqueue_dma source(%dma_start3A_30 : memref<320x64xf32, #tpu.memory_space<vmem>>) target(%dma_start3A_27 : memref<320x64xf32, #tpu.memory_space<vmem_shared>>) target_semaphore(%run_scoped3A : memref<!tpu.dma_semaphore, #tpu.memory_space<semaphore_mem>>)
      %dma_wait3A = arith.constant 0 : i32
      %dma_wait3A_31 = arith.constant 0 : i32
      %dma_wait3A_32 = tpu.memref_slice %arg9[%dma_wait3A, %dma_wait3A_31] : memref<512x64xf32, #tpu.memory_space<vmem>> -> memref<320x64xf32, #tpu.memory_space<vmem>>
      %dma_wait3A_33 = arith.constant 0 : i32
      %dma_wait3A_34 = tpu.memref_slice %arg11[%add3A_8, %dma_wait3A_33] : memref<10240x64xf32, #tpu.memory_space<vmem_shared>> -> memref<320x64xf32, #tpu.memory_space<vmem_shared>>
      %dma_wait3A_35 = arith.constant 0 : i32
      %dma_wait3A_36 = tpu.memref_slice %arg11[%add3A_8, %dma_wait3A_35] : memref<10240x64xf32, #tpu.memory_space<vmem_shared>> -> memref<320x64xf32, #tpu.memory_space<vmem_shared>>
      %dma_wait3A_37 = arith.constant 0 : i32
      %dma_wait3A_38 = arith.constant 0 : i32
      %dma_wait3A_39 = tpu.memref_slice %arg9[%dma_wait3A_37, %dma_wait3A_38] : memref<512x64xf32, #tpu.memory_space<vmem>> -> memref<320x64xf32, #tpu.memory_space<vmem>>
      tpu.wait_dma2 semaphore(%run_scoped3A : memref<!tpu.dma_semaphore, #tpu.memory_space<semaphore_mem>>) src(%dma_wait3A_39 : memref<320x64xf32, #tpu.memory_space<vmem>>) dst(%dma_wait3A_36 : memref<320x64xf32, #tpu.memory_space<vmem_shared>>)
      tpu.yield
    }) : () -> ()
    "tpu.region"() ({
      %run_scoped3A = tpu.sem_alloc : memref<!tpu.dma_semaphore, #tpu.memory_space<semaphore_mem>>
      %dma_start3A = arith.constant 0 : i32
      %dma_start3A_22 = arith.constant 0 : i32
      %dma_start3A_23 = tpu.memref_slice %arg9[%dma_start3A, %dma_start3A_22] : memref<512x64xf32, #tpu.memory_space<vmem>> -> memref<320x64xf32, #tpu.memory_space<vmem>>
      %dma_start3A_24 = arith.constant 0 : i32
      %dma_start3A_25 = arith.constant 0 : i32
      %dma_start3A_26 = tpu.memref_slice %arg5[%dma_start3A_24, %dma_start3A_25] : memref<640x64xf32, #tpu.memory_space<hbm>> -> memref<320x64xf32, #tpu.memory_space<hbm>>
      %dma_start3A_27 = arith.constant 0 : i32
      %dma_start3A_28 = arith.constant 0 : i32
      %dma_start3A_29 = tpu.memref_slice %arg9[%dma_start3A_27, %dma_start3A_28] : memref<512x64xf32, #tpu.memory_space<vmem>> -> memref<320x64xf32, #tpu.memory_space<vmem>>
      %dma_start3A_30 = arith.constant 0 : i32
      %dma_start3A_31 = arith.constant 0 : i32
      %dma_start3A_32 = tpu.memref_slice %arg5[%dma_start3A_30, %dma_start3A_31] : memref<640x64xf32, #tpu.memory_space<hbm>> -> memref<320x64xf32, #tpu.memory_space<hbm>>
      tpu.enqueue_dma source(%dma_start3A_32 : memref<320x64xf32, #tpu.memory_space<hbm>>) target(%dma_start3A_29 : memref<320x64xf32, #tpu.memory_space<vmem>>) target_semaphore(%run_scoped3A : memref<!tpu.dma_semaphore, #tpu.memory_space<semaphore_mem>>)
      %dma_wait3A = arith.constant 0 : i32
      %dma_wait3A_33 = arith.constant 0 : i32
      %dma_wait3A_34 = tpu.memref_slice %arg9[%dma_wait3A, %dma_wait3A_33] : memref<512x64xf32, #tpu.memory_space<vmem>> -> memref<320x64xf32, #tpu.memory_space<vmem>>
      %dma_wait3A_35 = arith.constant 0 : i32
      %dma_wait3A_36 = arith.constant 0 : i32
      %dma_wait3A_37 = tpu.memref_slice %arg5[%dma_wait3A_35, %dma_wait3A_36] : memref<640x64xf32, #tpu.memory_space<hbm>> -> memref<320x64xf32, #tpu.memory_space<hbm>>
      %dma_wait3A_38 = arith.constant 0 : i32
      %dma_wait3A_39 = arith.constant 0 : i32
      %dma_wait3A_40 = tpu.memref_slice %arg9[%dma_wait3A_38, %dma_wait3A_39] : memref<512x64xf32, #tpu.memory_space<vmem>> -> memref<320x64xf32, #tpu.memory_space<vmem>>
      %dma_wait3A_41 = arith.constant 0 : i32
      %dma_wait3A_42 = arith.constant 0 : i32
      %dma_wait3A_43 = tpu.memref_slice %arg5[%dma_wait3A_41, %dma_wait3A_42] : memref<640x64xf32, #tpu.memory_space<hbm>> -> memref<320x64xf32, #tpu.memory_space<hbm>>
      tpu.wait_dma2 semaphore(%run_scoped3A : memref<!tpu.dma_semaphore, #tpu.memory_space<semaphore_mem>>) src(%dma_wait3A_43 : memref<320x64xf32, #tpu.memory_space<hbm>>) dst(%dma_wait3A_40 : memref<320x64xf32, #tpu.memory_space<vmem>>)
      tpu.yield
    }) : () -> ()
    "tpu.region"() ({
      %run_scoped3A = tpu.sem_alloc : memref<!tpu.dma_semaphore, #tpu.memory_space<semaphore_mem>>
      %dma_start3A = arith.constant 0 : i32
      %dma_start3A_22 = arith.constant 0 : i32
      %dma_start3A_23 = tpu.memref_slice %arg9[%dma_start3A, %dma_start3A_22] : memref<512x64xf32, #tpu.memory_space<vmem>> -> memref<320x64xf32, #tpu.memory_space<vmem>>
      %dma_start3A_24 = arith.constant 0 : i32
      %dma_start3A_25 = tpu.memref_slice %arg10[%add3A_8, %dma_start3A_24] : memref<10240x64xf32, #tpu.memory_space<vmem_shared>> -> memref<320x64xf32, #tpu.memory_space<vmem_shared>>
      %dma_start3A_26 = arith.constant 0 : i32
      %dma_start3A_27 = tpu.memref_slice %arg10[%add3A_8, %dma_start3A_26] : memref<10240x64xf32, #tpu.memory_space<vmem_shared>> -> memref<320x64xf32, #tpu.memory_space<vmem_shared>>
      %dma_start3A_28 = arith.constant 0 : i32
      %dma_start3A_29 = arith.constant 0 : i32
      %dma_start3A_30 = tpu.memref_slice %arg9[%dma_start3A_28, %dma_start3A_29] : memref<512x64xf32, #tpu.memory_space<vmem>> -> memref<320x64xf32, #tpu.memory_space<vmem>>
      tpu.enqueue_dma source(%dma_start3A_30 : memref<320x64xf32, #tpu.memory_space<vmem>>) target(%dma_start3A_27 : memref<320x64xf32, #tpu.memory_space<vmem_shared>>) target_semaphore(%run_scoped3A : memref<!tpu.dma_semaphore, #tpu.memory_space<semaphore_mem>>)
      %dma_wait3A = arith.constant 0 : i32
      %dma_wait3A_31 = arith.constant 0 : i32
      %dma_wait3A_32 = tpu.memref_slice %arg9[%dma_wait3A, %dma_wait3A_31] : memref<512x64xf32, #tpu.memory_space<vmem>> -> memref<320x64xf32, #tpu.memory_space<vmem>>
      %dma_wait3A_33 = arith.constant 0 : i32
      %dma_wait3A_34 = tpu.memref_slice %arg10[%add3A_8, %dma_wait3A_33] : memref<10240x64xf32, #tpu.memory_space<vmem_shared>> -> memref<320x64xf32, #tpu.memory_space<vmem_shared>>
      %dma_wait3A_35 = arith.constant 0 : i32
      %dma_wait3A_36 = tpu.memref_slice %arg10[%add3A_8, %dma_wait3A_35] : memref<10240x64xf32, #tpu.memory_space<vmem_shared>> -> memref<320x64xf32, #tpu.memory_space<vmem_shared>>
      %dma_wait3A_37 = arith.constant 0 : i32
      %dma_wait3A_38 = arith.constant 0 : i32
      %dma_wait3A_39 = tpu.memref_slice %arg9[%dma_wait3A_37, %dma_wait3A_38] : memref<512x64xf32, #tpu.memory_space<vmem>> -> memref<320x64xf32, #tpu.memory_space<vmem>>
      tpu.wait_dma2 semaphore(%run_scoped3A : memref<!tpu.dma_semaphore, #tpu.memory_space<semaphore_mem>>) src(%dma_wait3A_39 : memref<320x64xf32, #tpu.memory_space<vmem>>) dst(%dma_wait3A_36 : memref<320x64xf32, #tpu.memory_space<vmem_shared>>)
      tpu.yield
    }) : () -> ()
    %barrier3A = arith.constant 0 : index
    tpu.barrier barrier_id(%barrier3A)
    %scan3A = arith.constant 0 : i32
    %scan3A_9 = arith.constant 20 : i32
    %scan3A_10 = arith.addi %scan3A, %scan3A_9 : i32
    %scan3A_11 = arith.constant 1 : i32
    scf.for %scan3A_22 = %scan3A to %scan3A_10 step %scan3A_11  : i32 {
      %mul3A_23 = arith.constant 1 : i32
      %mul3A_24 = arith.muli %scan3A_22, %mul3A_23 : i32
      %add3A_25 = arith.constant 0 : i32
      %add3A_26 = arith.addi %add3A_25, %mul3A_24 : i32
      "tpu.region"() ({
        %run_scoped3A = tpu.sem_alloc : memref<!tpu.dma_semaphore, #tpu.memory_space<semaphore_mem>>
        %dma_start3A = arith.constant 0 : i32
        %dma_start3A_27 = tpu.memref_slice %arg3[%add3A, %add3A_26, %dma_start3A] : memref<32x20x512xi32, #tpu.memory_space<hbm>> -> memref<1x1x512xi32, #tpu.memory_space<hbm>>
        %dma_start3A_28 = tpu.memref_squeeze %dma_start3A_27 : memref<1x1x512xi32, #tpu.memory_space<hbm>> -> memref<512xi32, #tpu.memory_space<hbm>>
        %dma_start3A_29 = arith.constant 0 : i32
        %dma_start3A_30 = tpu.memref_slice %arg3[%add3A, %add3A_26, %dma_start3A_29] : memref<32x20x512xi32, #tpu.memory_space<hbm>> -> memref<1x1x512xi32, #tpu.memory_space<hbm>>
        %dma_start3A_31 = tpu.memref_squeeze %dma_start3A_30 : memref<1x1x512xi32, #tpu.memory_space<hbm>> -> memref<512xi32, #tpu.memory_space<hbm>>
        tpu.enqueue_dma source(%dma_start3A_31 : memref<512xi32, #tpu.memory_space<hbm>>) target(%arg7 : memref<512xi32, #tpu.memory_space<vmem>>) target_semaphore(%run_scoped3A : memref<!tpu.dma_semaphore, #tpu.memory_space<semaphore_mem>>)
        %dma_wait3A = arith.constant 0 : i32
        %dma_wait3A_32 = tpu.memref_slice %arg3[%add3A, %add3A_26, %dma_wait3A] : memref<32x20x512xi32, #tpu.memory_space<hbm>> -> memref<1x1x512xi32, #tpu.memory_space<hbm>>
        %dma_wait3A_33 = tpu.memref_squeeze %dma_wait3A_32 : memref<1x1x512xi32, #tpu.memory_space<hbm>> -> memref<512xi32, #tpu.memory_space<hbm>>
        %dma_wait3A_34 = arith.constant 0 : i32
        %dma_wait3A_35 = tpu.memref_slice %arg3[%add3A, %add3A_26, %dma_wait3A_34] : memref<32x20x512xi32, #tpu.memory_space<hbm>> -> memref<1x1x512xi32, #tpu.memory_space<hbm>>
        %dma_wait3A_36 = tpu.memref_squeeze %dma_wait3A_35 : memref<1x1x512xi32, #tpu.memory_space<hbm>> -> memref<512xi32, #tpu.memory_space<hbm>>
        tpu.wait_dma2 semaphore(%run_scoped3A : memref<!tpu.dma_semaphore, #tpu.memory_space<semaphore_mem>>) src(%dma_wait3A_36 : memref<512xi32, #tpu.memory_space<hbm>>) dst(%arg7 : memref<512xi32, #tpu.memory_space<vmem>>)
        tpu.yield
      }) : () -> ()
      "tpu.region"() ({
        %run_scoped3A = tpu.sem_alloc : memref<!tpu.dma_semaphore, #tpu.memory_space<semaphore_mem>>
        %dma_start3A = arith.constant 0 : i32
        %dma_start3A_27 = tpu.memref_slice %arg4[%add3A, %add3A_26, %dma_start3A] : memref<32x20x512xi32, #tpu.memory_space<hbm>> -> memref<1x1x512xi32, #tpu.memory_space<hbm>>
        %dma_start3A_28 = tpu.memref_squeeze %dma_start3A_27 : memref<1x1x512xi32, #tpu.memory_space<hbm>> -> memref<512xi32, #tpu.memory_space<hbm>>
        %dma_start3A_29 = arith.constant 0 : i32
        %dma_start3A_30 = tpu.memref_slice %arg4[%add3A, %add3A_26, %dma_start3A_29] : memref<32x20x512xi32, #tpu.memory_space<hbm>> -> memref<1x1x512xi32, #tpu.memory_space<hbm>>
        %dma_start3A_31 = tpu.memref_squeeze %dma_start3A_30 : memref<1x1x512xi32, #tpu.memory_space<hbm>> -> memref<512xi32, #tpu.memory_space<hbm>>
        tpu.enqueue_dma source(%dma_start3A_31 : memref<512xi32, #tpu.memory_space<hbm>>) target(%arg8 : memref<512xi32, #tpu.memory_space<vmem>>) target_semaphore(%run_scoped3A : memref<!tpu.dma_semaphore, #tpu.memory_space<semaphore_mem>>)
        %dma_wait3A = arith.constant 0 : i32
        %dma_wait3A_32 = tpu.memref_slice %arg4[%add3A, %add3A_26, %dma_wait3A] : memref<32x20x512xi32, #tpu.memory_space<hbm>> -> memref<1x1x512xi32, #tpu.memory_space<hbm>>
        %dma_wait3A_33 = tpu.memref_squeeze %dma_wait3A_32 : memref<1x1x512xi32, #tpu.memory_space<hbm>> -> memref<512xi32, #tpu.memory_space<hbm>>
        %dma_wait3A_34 = arith.constant 0 : i32
        %dma_wait3A_35 = tpu.memref_slice %arg4[%add3A, %add3A_26, %dma_wait3A_34] : memref<32x20x512xi32, #tpu.memory_space<hbm>> -> memref<1x1x512xi32, #tpu.memory_space<hbm>>
        %dma_wait3A_36 = tpu.memref_squeeze %dma_wait3A_35 : memref<1x1x512xi32, #tpu.memory_space<hbm>> -> memref<512xi32, #tpu.memory_space<hbm>>
        tpu.wait_dma2 semaphore(%run_scoped3A : memref<!tpu.dma_semaphore, #tpu.memory_space<semaphore_mem>>) src(%dma_wait3A_36 : memref<512xi32, #tpu.memory_space<hbm>>) dst(%arg8 : memref<512xi32, #tpu.memory_space<vmem>>)
        tpu.yield
      }) : () -> ()
      "tpu.region"() ({
        %run_scoped3A = tpu.sem_alloc : memref<!tpu.dma_semaphore, #tpu.memory_space<semaphore_mem>>
        %dma_start3A = arith.constant 0 : i32
        %dma_start3A_27 = arith.constant 0 : i32
        %dma_start3A_28 = tpu.memref_slice %arg11[%dma_start3A, %dma_start3A_27] : memref<10240x64xf32, #tpu.memory_space<vmem_shared>> -> memref<10240x64xf32, #tpu.memory_space<vmem_shared>>
        tpu.enqueue_indirect_dma source(%dma_start3A_28 : memref<10240x64xf32, #tpu.memory_space<vmem_shared>>) target(%arg9 : memref<512x64xf32, #tpu.memory_space<vmem>>) offsets(%arg7 : memref<512xi32, #tpu.memory_space<vmem>>) semaphore(%run_scoped3A : memref<!tpu.dma_semaphore, #tpu.memory_space<semaphore_mem>>)
        %dma_wait3A = arith.constant 0 : i32
        %dma_wait3A_29 = arith.constant 0 : i32
        %dma_wait3A_30 = tpu.memref_slice %arg11[%dma_wait3A, %dma_wait3A_29] : memref<10240x64xf32, #tpu.memory_space<vmem_shared>> -> memref<10240x64xf32, #tpu.memory_space<vmem_shared>>
        tpu.wait_indirect_dma semaphore(%run_scoped3A : memref<!tpu.dma_semaphore, #tpu.memory_space<semaphore_mem>>) src(%dma_wait3A_30 : memref<10240x64xf32, #tpu.memory_space<vmem_shared>>) dst(%arg9 : memref<512x64xf32, #tpu.memory_space<vmem>>)
        tpu.yield
      }) : () -> ()
      "tpu.region"() ({
        %run_scoped3A = tpu.sem_alloc : memref<!tpu.dma_semaphore, #tpu.memory_space<semaphore_mem>>
        %dma_start3A = arith.constant 0 : i32
        %dma_start3A_27 = arith.constant 0 : i32
        %dma_start3A_28 = tpu.memref_slice %arg10[%dma_start3A, %dma_start3A_27] : memref<10240x64xf32, #tpu.memory_space<vmem_shared>> -> memref<10240x64xf32, #tpu.memory_space<vmem_shared>>
        tpu.enqueue_indirect_dma source(%arg9 : memref<512x64xf32, #tpu.memory_space<vmem>>) target(%dma_start3A_28 : memref<10240x64xf32, #tpu.memory_space<vmem_shared>>) offsets(%arg8 : memref<512xi32, #tpu.memory_space<vmem>>) semaphore(%run_scoped3A : memref<!tpu.dma_semaphore, #tpu.memory_space<semaphore_mem>>) {add = true}
        %dma_wait3A = arith.constant 0 : i32
        %dma_wait3A_29 = arith.constant 0 : i32
        %dma_wait3A_30 = tpu.memref_slice %arg10[%dma_wait3A, %dma_wait3A_29] : memref<10240x64xf32, #tpu.memory_space<vmem_shared>> -> memref<10240x64xf32, #tpu.memory_space<vmem_shared>>
        tpu.wait_indirect_dma semaphore(%run_scoped3A : memref<!tpu.dma_semaphore, #tpu.memory_space<semaphore_mem>>) src(%arg9 : memref<512x64xf32, #tpu.memory_space<vmem>>) dst(%dma_wait3A_30 : memref<10240x64xf32, #tpu.memory_space<vmem_shared>>)
        tpu.yield
      }) : () -> ()
    }
    %scan3A_12 = arith.constant 20 : i32
    %barrier3A_13 = arith.constant 0 : index
    tpu.barrier barrier_id(%barrier3A_13)
    %mul3A_14 = arith.constant 640 : i32
    %mul3A_15 = arith.muli %arg1, %mul3A_14 : i32
    %add3A_16 = arith.constant 0 : i32
    %add3A_17 = arith.addi %mul3A_15, %add3A_16 : i32
    "tpu.region"() ({
      %run_scoped3A = tpu.sem_alloc : memref<!tpu.dma_semaphore, #tpu.memory_space<semaphore_mem>>
      %dma_start3A = arith.constant 0 : i32
      %dma_start3A_22 = arith.constant 0 : i32
      %dma_start3A_23 = tpu.memref_slice %arg9[%dma_start3A, %dma_start3A_22] : memref<512x64xf32, #tpu.memory_space<vmem>> -> memref<320x64xf32, #tpu.memory_space<vmem>>
      %dma_start3A_24 = arith.constant 0 : i32
      %dma_start3A_25 = tpu.memref_slice %arg10[%add3A_17, %dma_start3A_24] : memref<10240x64xf32, #tpu.memory_space<vmem_shared>> -> memref<320x64xf32, #tpu.memory_space<vmem_shared>>
      %dma_start3A_26 = arith.constant 0 : i32
      %dma_start3A_27 = arith.constant 0 : i32
      %dma_start3A_28 = tpu.memref_slice %arg9[%dma_start3A_26, %dma_start3A_27] : memref<512x64xf32, #tpu.memory_space<vmem>> -> memref<320x64xf32, #tpu.memory_space<vmem>>
      %dma_start3A_29 = arith.constant 0 : i32
      %dma_start3A_30 = tpu.memref_slice %arg10[%add3A_17, %dma_start3A_29] : memref<10240x64xf32, #tpu.memory_space<vmem_shared>> -> memref<320x64xf32, #tpu.memory_space<vmem_shared>>
      tpu.enqueue_dma source(%dma_start3A_30 : memref<320x64xf32, #tpu.memory_space<vmem_shared>>) target(%dma_start3A_28 : memref<320x64xf32, #tpu.memory_space<vmem>>) target_semaphore(%run_scoped3A : memref<!tpu.dma_semaphore, #tpu.memory_space<semaphore_mem>>)
      %dma_wait3A = arith.constant 0 : i32
      %dma_wait3A_31 = arith.constant 0 : i32
      %dma_wait3A_32 = tpu.memref_slice %arg9[%dma_wait3A, %dma_wait3A_31] : memref<512x64xf32, #tpu.memory_space<vmem>> -> memref<320x64xf32, #tpu.memory_space<vmem>>
      %dma_wait3A_33 = arith.constant 0 : i32
      %dma_wait3A_34 = tpu.memref_slice %arg10[%add3A_17, %dma_wait3A_33] : memref<10240x64xf32, #tpu.memory_space<vmem_shared>> -> memref<320x64xf32, #tpu.memory_space<vmem_shared>>
      %dma_wait3A_35 = arith.constant 0 : i32
      %dma_wait3A_36 = arith.constant 0 : i32
      %dma_wait3A_37 = tpu.memref_slice %arg9[%dma_wait3A_35, %dma_wait3A_36] : memref<512x64xf32, #tpu.memory_space<vmem>> -> memref<320x64xf32, #tpu.memory_space<vmem>>
      %dma_wait3A_38 = arith.constant 0 : i32
      %dma_wait3A_39 = tpu.memref_slice %arg10[%add3A_17, %dma_wait3A_38] : memref<10240x64xf32, #tpu.memory_space<vmem_shared>> -> memref<320x64xf32, #tpu.memory_space<vmem_shared>>
      tpu.wait_dma2 semaphore(%run_scoped3A : memref<!tpu.dma_semaphore, #tpu.memory_space<semaphore_mem>>) src(%dma_wait3A_39 : memref<320x64xf32, #tpu.memory_space<vmem_shared>>) dst(%dma_wait3A_37 : memref<320x64xf32, #tpu.memory_space<vmem>>)
      tpu.yield
    }) : () -> ()
    "tpu.region"() ({
      %run_scoped3A = tpu.sem_alloc : memref<!tpu.dma_semaphore, #tpu.memory_space<semaphore_mem>>
      %dma_start3A = arith.constant 0 : i32
      %dma_start3A_22 = arith.constant 0 : i32
      %dma_start3A_23 = tpu.memref_slice %arg9[%dma_start3A, %dma_start3A_22] : memref<512x64xf32, #tpu.memory_space<vmem>> -> memref<320x64xf32, #tpu.memory_space<vmem>>
      %dma_start3A_24 = arith.constant 0 : i32
      %dma_start3A_25 = tpu.memref_slice %arg6[%arg0, %add3A_17, %dma_start3A_24] : memref<2x10240x64xf32, #tpu.memory_space<hbm>> -> memref<1x320x64xf32, #tpu.memory_space<hbm>>
      %dma_start3A_26 = tpu.memref_squeeze %dma_start3A_25 : memref<1x320x64xf32, #tpu.memory_space<hbm>> -> memref<320x64xf32, #tpu.memory_space<hbm>>
      %dma_start3A_27 = arith.constant 0 : i32
      %dma_start3A_28 = tpu.memref_slice %arg6[%arg0, %add3A_17, %dma_start3A_27] : memref<2x10240x64xf32, #tpu.memory_space<hbm>> -> memref<1x320x64xf32, #tpu.memory_space<hbm>>
      %dma_start3A_29 = tpu.memref_squeeze %dma_start3A_28 : memref<1x320x64xf32, #tpu.memory_space<hbm>> -> memref<320x64xf32, #tpu.memory_space<hbm>>
      %dma_start3A_30 = arith.constant 0 : i32
      %dma_start3A_31 = arith.constant 0 : i32
      %dma_start3A_32 = tpu.memref_slice %arg9[%dma_start3A_30, %dma_start3A_31] : memref<512x64xf32, #tpu.memory_space<vmem>> -> memref<320x64xf32, #tpu.memory_space<vmem>>
      tpu.enqueue_dma source(%dma_start3A_32 : memref<320x64xf32, #tpu.memory_space<vmem>>) target(%dma_start3A_29 : memref<320x64xf32, #tpu.memory_space<hbm>>) target_semaphore(%run_scoped3A : memref<!tpu.dma_semaphore, #tpu.memory_space<semaphore_mem>>)
      %dma_wait3A = arith.constant 0 : i32
      %dma_wait3A_33 = arith.constant 0 : i32
      %dma_wait3A_34 = tpu.memref_slice %arg9[%dma_wait3A, %dma_wait3A_33] : memref<512x64xf32, #tpu.memory_space<vmem>> -> memref<320x64xf32, #tpu.memory_space<vmem>>
      %dma_wait3A_35 = arith.constant 0 : i32
      %dma_wait3A_36 = tpu.memref_slice %arg6[%arg0, %add3A_17, %dma_wait3A_35] : memref<2x10240x64xf32, #tpu.memory_space<hbm>> -> memref<1x320x64xf32, #tpu.memory_space<hbm>>
      %dma_wait3A_37 = tpu.memref_squeeze %dma_wait3A_36 : memref<1x320x64xf32, #tpu.memory_space<hbm>> -> memref<320x64xf32, #tpu.memory_space<hbm>>
      %dma_wait3A_38 = arith.constant 0 : i32
      %dma_wait3A_39 = tpu.memref_slice %arg6[%arg0, %add3A_17, %dma_wait3A_38] : memref<2x10240x64xf32, #tpu.memory_space<hbm>> -> memref<1x320x64xf32, #tpu.memory_space<hbm>>
      %dma_wait3A_40 = tpu.memref_squeeze %dma_wait3A_39 : memref<1x320x64xf32, #tpu.memory_space<hbm>> -> memref<320x64xf32, #tpu.memory_space<hbm>>
      %dma_wait3A_41 = arith.constant 0 : i32
      %dma_wait3A_42 = arith.constant 0 : i32
      %dma_wait3A_43 = tpu.memref_slice %arg9[%dma_wait3A_41, %dma_wait3A_42] : memref<512x64xf32, #tpu.memory_space<vmem>> -> memref<320x64xf32, #tpu.memory_space<vmem>>
      tpu.wait_dma2 semaphore(%run_scoped3A : memref<!tpu.dma_semaphore, #tpu.memory_space<semaphore_mem>>) src(%dma_wait3A_43 : memref<320x64xf32, #tpu.memory_space<vmem>>) dst(%dma_wait3A_40 : memref<320x64xf32, #tpu.memory_space<hbm>>)
      tpu.yield
    }) : () -> ()
    %mul3A_18 = arith.constant 640 : i32
    %mul3A_19 = arith.muli %arg1, %mul3A_18 : i32
    %add3A_20 = arith.constant 320 : i32
    %add3A_21 = arith.addi %mul3A_19, %add3A_20 : i32
    "tpu.region"() ({
      %run_scoped3A = tpu.sem_alloc : memref<!tpu.dma_semaphore, #tpu.memory_space<semaphore_mem>>
      %dma_start3A = arith.constant 0 : i32
      %dma_start3A_22 = arith.constant 0 : i32
      %dma_start3A_23 = tpu.memref_slice %arg9[%dma_start3A, %dma_start3A_22] : memref<512x64xf32, #tpu.memory_space<vmem>> -> memref<320x64xf32, #tpu.memory_space<vmem>>
      %dma_start3A_24 = arith.constant 0 : i32
      %dma_start3A_25 = tpu.memref_slice %arg10[%add3A_21, %dma_start3A_24] : memref<10240x64xf32, #tpu.memory_space<vmem_shared>> -> memref<320x64xf32, #tpu.memory_space<vmem_shared>>
      %dma_start3A_26 = arith.constant 0 : i32
      %dma_start3A_27 = arith.constant 0 : i32
      %dma_start3A_28 = tpu.memref_slice %arg9[%dma_start3A_26, %dma_start3A_27] : memref<512x64xf32, #tpu.memory_space<vmem>> -> memref<320x64xf32, #tpu.memory_space<vmem>>
      %dma_start3A_29 = arith.constant 0 : i32
      %dma_start3A_30 = tpu.memref_slice %arg10[%add3A_21, %dma_start3A_29] : memref<10240x64xf32, #tpu.memory_space<vmem_shared>> -> memref<320x64xf32, #tpu.memory_space<vmem_shared>>
      tpu.enqueue_dma source(%dma_start3A_30 : memref<320x64xf32, #tpu.memory_space<vmem_shared>>) target(%dma_start3A_28 : memref<320x64xf32, #tpu.memory_space<vmem>>) target_semaphore(%run_scoped3A : memref<!tpu.dma_semaphore, #tpu.memory_space<semaphore_mem>>)
      %dma_wait3A = arith.constant 0 : i32
      %dma_wait3A_31 = arith.constant 0 : i32
      %dma_wait3A_32 = tpu.memref_slice %arg9[%dma_wait3A, %dma_wait3A_31] : memref<512x64xf32, #tpu.memory_space<vmem>> -> memref<320x64xf32, #tpu.memory_space<vmem>>
      %dma_wait3A_33 = arith.constant 0 : i32
      %dma_wait3A_34 = tpu.memref_slice %arg10[%add3A_21, %dma_wait3A_33] : memref<10240x64xf32, #tpu.memory_space<vmem_shared>> -> memref<320x64xf32, #tpu.memory_space<vmem_shared>>
      %dma_wait3A_35 = arith.constant 0 : i32
      %dma_wait3A_36 = arith.constant 0 : i32
      %dma_wait3A_37 = tpu.memref_slice %arg9[%dma_wait3A_35, %dma_wait3A_36] : memref<512x64xf32, #tpu.memory_space<vmem>> -> memref<320x64xf32, #tpu.memory_space<vmem>>
      %dma_wait3A_38 = arith.constant 0 : i32
      %dma_wait3A_39 = tpu.memref_slice %arg10[%add3A_21, %dma_wait3A_38] : memref<10240x64xf32, #tpu.memory_space<vmem_shared>> -> memref<320x64xf32, #tpu.memory_space<vmem_shared>>
      tpu.wait_dma2 semaphore(%run_scoped3A : memref<!tpu.dma_semaphore, #tpu.memory_space<semaphore_mem>>) src(%dma_wait3A_39 : memref<320x64xf32, #tpu.memory_space<vmem_shared>>) dst(%dma_wait3A_37 : memref<320x64xf32, #tpu.memory_space<vmem>>)
      tpu.yield
    }) : () -> ()
    "tpu.region"() ({
      %run_scoped3A = tpu.sem_alloc : memref<!tpu.dma_semaphore, #tpu.memory_space<semaphore_mem>>
      %dma_start3A = arith.constant 0 : i32
      %dma_start3A_22 = arith.constant 0 : i32
      %dma_start3A_23 = tpu.memref_slice %arg9[%dma_start3A, %dma_start3A_22] : memref<512x64xf32, #tpu.memory_space<vmem>> -> memref<320x64xf32, #tpu.memory_space<vmem>>
      %dma_start3A_24 = arith.constant 0 : i32
      %dma_start3A_25 = tpu.memref_slice %arg6[%arg0, %add3A_21, %dma_start3A_24] : memref<2x10240x64xf32, #tpu.memory_space<hbm>> -> memref<1x320x64xf32, #tpu.memory_space<hbm>>
      %dma_start3A_26 = tpu.memref_squeeze %dma_start3A_25 : memref<1x320x64xf32, #tpu.memory_space<hbm>> -> memref<320x64xf32, #tpu.memory_space<hbm>>
      %dma_start3A_27 = arith.constant 0 : i32
      %dma_start3A_28 = tpu.memref_slice %arg6[%arg0, %add3A_21, %dma_start3A_27] : memref<2x10240x64xf32, #tpu.memory_space<hbm>> -> memref<1x320x64xf32, #tpu.memory_space<hbm>>
      %dma_start3A_29 = tpu.memref_squeeze %dma_start3A_28 : memref<1x320x64xf32, #tpu.memory_space<hbm>> -> memref<320x64xf32, #tpu.memory_space<hbm>>
      %dma_start3A_30 = arith.constant 0 : i32
      %dma_start3A_31 = arith.constant 0 : i32
      %dma_start3A_32 = tpu.memref_slice %arg9[%dma_start3A_30, %dma_start3A_31] : memref<512x64xf32, #tpu.memory_space<vmem>> -> memref<320x64xf32, #tpu.memory_space<vmem>>
      tpu.enqueue_dma source(%dma_start3A_32 : memref<320x64xf32, #tpu.memory_space<vmem>>) target(%dma_start3A_29 : memref<320x64xf32, #tpu.memory_space<hbm>>) target_semaphore(%run_scoped3A : memref<!tpu.dma_semaphore, #tpu.memory_space<semaphore_mem>>)
      %dma_wait3A = arith.constant 0 : i32
      %dma_wait3A_33 = arith.constant 0 : i32
      %dma_wait3A_34 = tpu.memref_slice %arg9[%dma_wait3A, %dma_wait3A_33] : memref<512x64xf32, #tpu.memory_space<vmem>> -> memref<320x64xf32, #tpu.memory_space<vmem>>
      %dma_wait3A_35 = arith.constant 0 : i32
      %dma_wait3A_36 = tpu.memref_slice %arg6[%arg0, %add3A_21, %dma_wait3A_35] : memref<2x10240x64xf32, #tpu.memory_space<hbm>> -> memref<1x320x64xf32, #tpu.memory_space<hbm>>
      %dma_wait3A_37 = tpu.memref_squeeze %dma_wait3A_36 : memref<1x320x64xf32, #tpu.memory_space<hbm>> -> memref<320x64xf32, #tpu.memory_space<hbm>>
      %dma_wait3A_38 = arith.constant 0 : i32
      %dma_wait3A_39 = tpu.memref_slice %arg6[%arg0, %add3A_21, %dma_wait3A_38] : memref<2x10240x64xf32, #tpu.memory_space<hbm>> -> memref<1x320x64xf32, #tpu.memory_space<hbm>>
      %dma_wait3A_40 = tpu.memref_squeeze %dma_wait3A_39 : memref<1x320x64xf32, #tpu.memory_space<hbm>> -> memref<320x64xf32, #tpu.memory_space<hbm>>
      %dma_wait3A_41 = arith.constant 0 : i32
      %dma_wait3A_42 = arith.constant 0 : i32
      %dma_wait3A_43 = tpu.memref_slice %arg9[%dma_wait3A_41, %dma_wait3A_42] : memref<512x64xf32, #tpu.memory_space<vmem>> -> memref<320x64xf32, #tpu.memory_space<vmem>>
      tpu.wait_dma2 semaphore(%run_scoped3A : memref<!tpu.dma_semaphore, #tpu.memory_space<semaphore_mem>>) src(%dma_wait3A_43 : memref<320x64xf32, #tpu.memory_space<vmem>>) dst(%dma_wait3A_40 : memref<320x64xf32, #tpu.memory_space<hbm>>)
      tpu.yield
    }) : () -> ()
    return
  }
}

#map = affine_map<(d0, d1) -> (0, 0)>
#map1 = affine_map<(d0, d1) -> (0, 0, 0)>
module attributes {stable_mosaic.version = 14 : i64} {
  func.func @ksc(%arg0: i32, %arg1: i32, %arg2: memref<10240x64xf32, #tpu.memory_space<hbm>>, %arg3: memref<32x20x512xi32, #tpu.memory_space<hbm>>, %arg4: memref<32x20x512xi32, #tpu.memory_space<hbm>>, %arg5: memref<640x64xf32, #tpu.memory_space<hbm>>, %arg6: memref<2x10240x64xf32, #tpu.memory_space<hbm>>, %arg7: memref<512xi32, #tpu.memory_space<vmem>>, %arg8: memref<512xi32, #tpu.memory_space<vmem>>, %arg9: memref<512x64xf32, #tpu.memory_space<vmem>>, %arg10: memref<10240x64xf32, #tpu.memory_space<vmem_shared>>, %arg11: memref<10240x64xf32, #tpu.memory_space<vmem_shared>>) attributes {dimension_semantics = [#tpu.dimension_semantics<core_parallel>, #tpu.dimension_semantics<subcore_parallel>], iteration_bounds = array<i64: 2, 16>, scalar_prefetch = 0 : i64, scratch_operands = 5 : i64, tpu.core_type = #tpu.core_type<sc_vector_subcore>, window_params = [{transform_indices = #map}, {transform_indices = #map1}, {transform_indices = #map1}, {transform_indices = #map}, {transform_indices = #map1}]} {
    %mul3A = arith.constant 2 : i32
    %mul3A_0 = arith.muli %arg1, %mul3A : i32
    %add3A = arith.addi %mul3A_0, %arg0 : i32
    %mul3A_1 = arith.constant 640 : i32
    %mul3A_2 = arith.muli %arg1, %mul3A_1 : i32
    %add3A_3 = arith.constant 0 : i32
    %add3A_4 = arith.addi %mul3A_2, %add3A_3 : i32
    "tpu.region"() ({
      %run_scoped3A = tpu.sem_alloc : memref<!tpu.dma_semaphore, #tpu.memory_space<semaphore_mem>>
      %dma_start3A = arith.constant 0 : i32
      %dma_start3A_22 = arith.constant 0 : i32
      %dma_start3A_23 = tpu.memref_slice %arg9[%dma_start3A, %dma_start3A_22] : memref<512x64xf32, #tpu.memory_space<vmem>> -> memref<320x64xf32, #tpu.memory_space<vmem>>
      %dma_start3A_24 = arith.constant 0 : i32
      %dma_start3A_25 = tpu.memref_slice %arg2[%add3A_4, %dma_start3A_24] : memref<10240x64xf32, #tpu.memory_space<hbm>> -> memref<320x64xf32, #tpu.memory_space<hbm>>
      %dma_start3A_26 = arith.constant 0 : i32
      %dma_start3A_27 = arith.constant 0 : i32
      %dma_start3A_28 = tpu.memref_slice %arg9[%dma_start3A_26, %dma_start3A_27] : memref<512x64xf32, #tpu.memory_space<vmem>> -> memref<320x64xf32, #tpu.memory_space<vmem>>
      %dma_start3A_29 = arith.constant 0 : i32
      %dma_start3A_30 = tpu.memref_slice %arg2[%add3A_4, %dma_start3A_29] : memref<10240x64xf32, #tpu.memory_space<hbm>> -> memref<320x64xf32, #tpu.memory_space<hbm>>
      tpu.enqueue_dma source(%dma_start3A_30 : memref<320x64xf32, #tpu.memory_space<hbm>>) target(%dma_start3A_28 : memref<320x64xf32, #tpu.memory_space<vmem>>) target_semaphore(%run_scoped3A : memref<!tpu.dma_semaphore, #tpu.memory_space<semaphore_mem>>)
      %dma_wait3A = arith.constant 0 : i32
      %dma_wait3A_31 = arith.constant 0 : i32
      %dma_wait3A_32 = tpu.memref_slice %arg9[%dma_wait3A, %dma_wait3A_31] : memref<512x64xf32, #tpu.memory_space<vmem>> -> memref<320x64xf32, #tpu.memory_space<vmem>>
      %dma_wait3A_33 = arith.constant 0 : i32
      %dma_wait3A_34 = tpu.memref_slice %arg2[%add3A_4, %dma_wait3A_33] : memref<10240x64xf32, #tpu.memory_space<hbm>> -> memref<320x64xf32, #tpu.memory_space<hbm>>
      %dma_wait3A_35 = arith.constant 0 : i32
      %dma_wait3A_36 = arith.constant 0 : i32
      %dma_wait3A_37 = tpu.memref_slice %arg9[%dma_wait3A_35, %dma_wait3A_36] : memref<512x64xf32, #tpu.memory_space<vmem>> -> memref<320x64xf32, #tpu.memory_space<vmem>>
      %dma_wait3A_38 = arith.constant 0 : i32
      %dma_wait3A_39 = tpu.memref_slice %arg2[%add3A_4, %dma_wait3A_38] : memref<10240x64xf32, #tpu.memory_space<hbm>> -> memref<320x64xf32, #tpu.memory_space<hbm>>
      tpu.wait_dma2 semaphore(%run_scoped3A : memref<!tpu.dma_semaphore, #tpu.memory_space<semaphore_mem>>) src(%dma_wait3A_39 : memref<320x64xf32, #tpu.memory_space<hbm>>) dst(%dma_wait3A_37 : memref<320x64xf32, #tpu.memory_space<vmem>>)
      tpu.yield
    }) : () -> ()
    "tpu.region"() ({
      %run_scoped3A = tpu.sem_alloc : memref<!tpu.dma_semaphore, #tpu.memory_space<semaphore_mem>>
      %dma_start3A = arith.constant 0 : i32
      %dma_start3A_22 = arith.constant 0 : i32
      %dma_start3A_23 = tpu.memref_slice %arg9[%dma_start3A, %dma_start3A_22] : memref<512x64xf32, #tpu.memory_space<vmem>> -> memref<320x64xf32, #tpu.memory_space<vmem>>
      %dma_start3A_24 = arith.constant 0 : i32
      %dma_start3A_25 = tpu.memref_slice %arg11[%add3A_4, %dma_start3A_24] : memref<10240x64xf32, #tpu.memory_space<vmem_shared>> -> memref<320x64xf32, #tpu.memory_space<vmem_shared>>
      %dma_start3A_26 = arith.constant 0 : i32
      %dma_start3A_27 = tpu.memref_slice %arg11[%add3A_4, %dma_start3A_26] : memref<10240x64xf32, #tpu.memory_space<vmem_shared>> -> memref<320x64xf32, #tpu.memory_space<vmem_shared>>
      %dma_start3A_28 = arith.constant 0 : i32
      %dma_start3A_29 = arith.constant 0 : i32
      %dma_start3A_30 = tpu.memref_slice %arg9[%dma_start3A_28, %dma_start3A_29] : memref<512x64xf32, #tpu.memory_space<vmem>> -> memref<320x64xf32, #tpu.memory_space<vmem>>
      tpu.enqueue_dma source(%dma_start3A_30 : memref<320x64xf32, #tpu.memory_space<vmem>>) target(%dma_start3A_27 : memref<320x64xf32, #tpu.memory_space<vmem_shared>>) target_semaphore(%run_scoped3A : memref<!tpu.dma_semaphore, #tpu.memory_space<semaphore_mem>>)
      %dma_wait3A = arith.constant 0 : i32
      %dma_wait3A_31 = arith.constant 0 : i32
      %dma_wait3A_32 = tpu.memref_slice %arg9[%dma_wait3A, %dma_wait3A_31] : memref<512x64xf32, #tpu.memory_space<vmem>> -> memref<320x64xf32, #tpu.memory_space<vmem>>
      %dma_wait3A_33 = arith.constant 0 : i32
      %dma_wait3A_34 = tpu.memref_slice %arg11[%add3A_4, %dma_wait3A_33] : memref<10240x64xf32, #tpu.memory_space<vmem_shared>> -> memref<320x64xf32, #tpu.memory_space<vmem_shared>>
      %dma_wait3A_35 = arith.constant 0 : i32
      %dma_wait3A_36 = tpu.memref_slice %arg11[%add3A_4, %dma_wait3A_35] : memref<10240x64xf32, #tpu.memory_space<vmem_shared>> -> memref<320x64xf32, #tpu.memory_space<vmem_shared>>
      %dma_wait3A_37 = arith.constant 0 : i32
      %dma_wait3A_38 = arith.constant 0 : i32
      %dma_wait3A_39 = tpu.memref_slice %arg9[%dma_wait3A_37, %dma_wait3A_38] : memref<512x64xf32, #tpu.memory_space<vmem>> -> memref<320x64xf32, #tpu.memory_space<vmem>>
      tpu.wait_dma2 semaphore(%run_scoped3A : memref<!tpu.dma_semaphore, #tpu.memory_space<semaphore_mem>>) src(%dma_wait3A_39 : memref<320x64xf32, #tpu.memory_space<vmem>>) dst(%dma_wait3A_36 : memref<320x64xf32, #tpu.memory_space<vmem_shared>>)
      tpu.yield
    }) : () -> ()
    "tpu.region"() ({
      %run_scoped3A = tpu.sem_alloc : memref<!tpu.dma_semaphore, #tpu.memory_space<semaphore_mem>>
      %dma_start3A = arith.constant 0 : i32
      %dma_start3A_22 = arith.constant 0 : i32
      %dma_start3A_23 = tpu.memref_slice %arg9[%dma_start3A, %dma_start3A_22] : memref<512x64xf32, #tpu.memory_space<vmem>> -> memref<320x64xf32, #tpu.memory_space<vmem>>
      %dma_start3A_24 = arith.constant 0 : i32
      %dma_start3A_25 = arith.constant 0 : i32
      %dma_start3A_26 = tpu.memref_slice %arg5[%dma_start3A_24, %dma_start3A_25] : memref<640x64xf32, #tpu.memory_space<hbm>> -> memref<320x64xf32, #tpu.memory_space<hbm>>
      %dma_start3A_27 = arith.constant 0 : i32
      %dma_start3A_28 = arith.constant 0 : i32
      %dma_start3A_29 = tpu.memref_slice %arg9[%dma_start3A_27, %dma_start3A_28] : memref<512x64xf32, #tpu.memory_space<vmem>> -> memref<320x64xf32, #tpu.memory_space<vmem>>
      %dma_start3A_30 = arith.constant 0 : i32
      %dma_start3A_31 = arith.constant 0 : i32
      %dma_start3A_32 = tpu.memref_slice %arg5[%dma_start3A_30, %dma_start3A_31] : memref<640x64xf32, #tpu.memory_space<hbm>> -> memref<320x64xf32, #tpu.memory_space<hbm>>
      tpu.enqueue_dma source(%dma_start3A_32 : memref<320x64xf32, #tpu.memory_space<hbm>>) target(%dma_start3A_29 : memref<320x64xf32, #tpu.memory_space<vmem>>) target_semaphore(%run_scoped3A : memref<!tpu.dma_semaphore, #tpu.memory_space<semaphore_mem>>)
      %dma_wait3A = arith.constant 0 : i32
      %dma_wait3A_33 = arith.constant 0 : i32
      %dma_wait3A_34 = tpu.memref_slice %arg9[%dma_wait3A, %dma_wait3A_33] : memref<512x64xf32, #tpu.memory_space<vmem>> -> memref<320x64xf32, #tpu.memory_space<vmem>>
      %dma_wait3A_35 = arith.constant 0 : i32
      %dma_wait3A_36 = arith.constant 0 : i32
      %dma_wait3A_37 = tpu.memref_slice %arg5[%dma_wait3A_35, %dma_wait3A_36] : memref<640x64xf32, #tpu.memory_space<hbm>> -> memref<320x64xf32, #tpu.memory_space<hbm>>
      %dma_wait3A_38 = arith.constant 0 : i32
      %dma_wait3A_39 = arith.constant 0 : i32
      %dma_wait3A_40 = tpu.memref_slice %arg9[%dma_wait3A_38, %dma_wait3A_39] : memref<512x64xf32, #tpu.memory_space<vmem>> -> memref<320x64xf32, #tpu.memory_space<vmem>>
      %dma_wait3A_41 = arith.constant 0 : i32
      %dma_wait3A_42 = arith.constant 0 : i32
      %dma_wait3A_43 = tpu.memref_slice %arg5[%dma_wait3A_41, %dma_wait3A_42] : memref<640x64xf32, #tpu.memory_space<hbm>> -> memref<320x64xf32, #tpu.memory_space<hbm>>
      tpu.wait_dma2 semaphore(%run_scoped3A : memref<!tpu.dma_semaphore, #tpu.memory_space<semaphore_mem>>) src(%dma_wait3A_43 : memref<320x64xf32, #tpu.memory_space<hbm>>) dst(%dma_wait3A_40 : memref<320x64xf32, #tpu.memory_space<vmem>>)
      tpu.yield
    }) : () -> ()
    "tpu.region"() ({
      %run_scoped3A = tpu.sem_alloc : memref<!tpu.dma_semaphore, #tpu.memory_space<semaphore_mem>>
      %dma_start3A = arith.constant 0 : i32
      %dma_start3A_22 = arith.constant 0 : i32
      %dma_start3A_23 = tpu.memref_slice %arg9[%dma_start3A, %dma_start3A_22] : memref<512x64xf32, #tpu.memory_space<vmem>> -> memref<320x64xf32, #tpu.memory_space<vmem>>
      %dma_start3A_24 = arith.constant 0 : i32
      %dma_start3A_25 = tpu.memref_slice %arg10[%add3A_4, %dma_start3A_24] : memref<10240x64xf32, #tpu.memory_space<vmem_shared>> -> memref<320x64xf32, #tpu.memory_space<vmem_shared>>
      %dma_start3A_26 = arith.constant 0 : i32
      %dma_start3A_27 = tpu.memref_slice %arg10[%add3A_4, %dma_start3A_26] : memref<10240x64xf32, #tpu.memory_space<vmem_shared>> -> memref<320x64xf32, #tpu.memory_space<vmem_shared>>
      %dma_start3A_28 = arith.constant 0 : i32
      %dma_start3A_29 = arith.constant 0 : i32
      %dma_start3A_30 = tpu.memref_slice %arg9[%dma_start3A_28, %dma_start3A_29] : memref<512x64xf32, #tpu.memory_space<vmem>> -> memref<320x64xf32, #tpu.memory_space<vmem>>
      tpu.enqueue_dma source(%dma_start3A_30 : memref<320x64xf32, #tpu.memory_space<vmem>>) target(%dma_start3A_27 : memref<320x64xf32, #tpu.memory_space<vmem_shared>>) target_semaphore(%run_scoped3A : memref<!tpu.dma_semaphore, #tpu.memory_space<semaphore_mem>>)
      %dma_wait3A = arith.constant 0 : i32
      %dma_wait3A_31 = arith.constant 0 : i32
      %dma_wait3A_32 = tpu.memref_slice %arg9[%dma_wait3A, %dma_wait3A_31] : memref<512x64xf32, #tpu.memory_space<vmem>> -> memref<320x64xf32, #tpu.memory_space<vmem>>
      %dma_wait3A_33 = arith.constant 0 : i32
      %dma_wait3A_34 = tpu.memref_slice %arg10[%add3A_4, %dma_wait3A_33] : memref<10240x64xf32, #tpu.memory_space<vmem_shared>> -> memref<320x64xf32, #tpu.memory_space<vmem_shared>>
      %dma_wait3A_35 = arith.constant 0 : i32
      %dma_wait3A_36 = tpu.memref_slice %arg10[%add3A_4, %dma_wait3A_35] : memref<10240x64xf32, #tpu.memory_space<vmem_shared>> -> memref<320x64xf32, #tpu.memory_space<vmem_shared>>
      %dma_wait3A_37 = arith.constant 0 : i32
      %dma_wait3A_38 = arith.constant 0 : i32
      %dma_wait3A_39 = tpu.memref_slice %arg9[%dma_wait3A_37, %dma_wait3A_38] : memref<512x64xf32, #tpu.memory_space<vmem>> -> memref<320x64xf32, #tpu.memory_space<vmem>>
      tpu.wait_dma2 semaphore(%run_scoped3A : memref<!tpu.dma_semaphore, #tpu.memory_space<semaphore_mem>>) src(%dma_wait3A_39 : memref<320x64xf32, #tpu.memory_space<vmem>>) dst(%dma_wait3A_36 : memref<320x64xf32, #tpu.memory_space<vmem_shared>>)
      tpu.yield
    }) : () -> ()
    %mul3A_5 = arith.constant 640 : i32
    %mul3A_6 = arith.muli %arg1, %mul3A_5 : i32
    %add3A_7 = arith.constant 320 : i32
    %add3A_8 = arith.addi %mul3A_6, %add3A_7 : i32
    "tpu.region"() ({
      %run_scoped3A = tpu.sem_alloc : memref<!tpu.dma_semaphore, #tpu.memory_space<semaphore_mem>>
      %dma_start3A = arith.constant 0 : i32
      %dma_start3A_22 = arith.constant 0 : i32
      %dma_start3A_23 = tpu.memref_slice %arg9[%dma_start3A, %dma_start3A_22] : memref<512x64xf32, #tpu.memory_space<vmem>> -> memref<320x64xf32, #tpu.memory_space<vmem>>
      %dma_start3A_24 = arith.constant 0 : i32
      %dma_start3A_25 = tpu.memref_slice %arg2[%add3A_8, %dma_start3A_24] : memref<10240x64xf32, #tpu.memory_space<hbm>> -> memref<320x64xf32, #tpu.memory_space<hbm>>
      %dma_start3A_26 = arith.constant 0 : i32
      %dma_start3A_27 = arith.constant 0 : i32
      %dma_start3A_28 = tpu.memref_slice %arg9[%dma_start3A_26, %dma_start3A_27] : memref<512x64xf32, #tpu.memory_space<vmem>> -> memref<320x64xf32, #tpu.memory_space<vmem>>
      %dma_start3A_29 = arith.constant 0 : i32
      %dma_start3A_30 = tpu.memref_slice %arg2[%add3A_8, %dma_start3A_29] : memref<10240x64xf32, #tpu.memory_space<hbm>> -> memref<320x64xf32, #tpu.memory_space<hbm>>
      tpu.enqueue_dma source(%dma_start3A_30 : memref<320x64xf32, #tpu.memory_space<hbm>>) target(%dma_start3A_28 : memref<320x64xf32, #tpu.memory_space<vmem>>) target_semaphore(%run_scoped3A : memref<!tpu.dma_semaphore, #tpu.memory_space<semaphore_mem>>)
      %dma_wait3A = arith.constant 0 : i32
      %dma_wait3A_31 = arith.constant 0 : i32
      %dma_wait3A_32 = tpu.memref_slice %arg9[%dma_wait3A, %dma_wait3A_31] : memref<512x64xf32, #tpu.memory_space<vmem>> -> memref<320x64xf32, #tpu.memory_space<vmem>>
      %dma_wait3A_33 = arith.constant 0 : i32
      %dma_wait3A_34 = tpu.memref_slice %arg2[%add3A_8, %dma_wait3A_33] : memref<10240x64xf32, #tpu.memory_space<hbm>> -> memref<320x64xf32, #tpu.memory_space<hbm>>
      %dma_wait3A_35 = arith.constant 0 : i32
      %dma_wait3A_36 = arith.constant 0 : i32
      %dma_wait3A_37 = tpu.memref_slice %arg9[%dma_wait3A_35, %dma_wait3A_36] : memref<512x64xf32, #tpu.memory_space<vmem>> -> memref<320x64xf32, #tpu.memory_space<vmem>>
      %dma_wait3A_38 = arith.constant 0 : i32
      %dma_wait3A_39 = tpu.memref_slice %arg2[%add3A_8, %dma_wait3A_38] : memref<10240x64xf32, #tpu.memory_space<hbm>> -> memref<320x64xf32, #tpu.memory_space<hbm>>
      tpu.wait_dma2 semaphore(%run_scoped3A : memref<!tpu.dma_semaphore, #tpu.memory_space<semaphore_mem>>) src(%dma_wait3A_39 : memref<320x64xf32, #tpu.memory_space<hbm>>) dst(%dma_wait3A_37 : memref<320x64xf32, #tpu.memory_space<vmem>>)
      tpu.yield
    }) : () -> ()
    "tpu.region"() ({
      %run_scoped3A = tpu.sem_alloc : memref<!tpu.dma_semaphore, #tpu.memory_space<semaphore_mem>>
      %dma_start3A = arith.constant 0 : i32
      %dma_start3A_22 = arith.constant 0 : i32
      %dma_start3A_23 = tpu.memref_slice %arg9[%dma_start3A, %dma_start3A_22] : memref<512x64xf32, #tpu.memory_space<vmem>> -> memref<320x64xf32, #tpu.memory_space<vmem>>
      %dma_start3A_24 = arith.constant 0 : i32
      %dma_start3A_25 = tpu.memref_slice %arg11[%add3A_8, %dma_start3A_24] : memref<10240x64xf32, #tpu.memory_space<vmem_shared>> -> memref<320x64xf32, #tpu.memory_space<vmem_shared>>
      %dma_start3A_26 = arith.constant 0 : i32
      %dma_start3A_27 = tpu.memref_slice %arg11[%add3A_8, %dma_start3A_26] : memref<10240x64xf32, #tpu.memory_space<vmem_shared>> -> memref<320x64xf32, #tpu.memory_space<vmem_shared>>
      %dma_start3A_28 = arith.constant 0 : i32
      %dma_start3A_29 = arith.constant 0 : i32
      %dma_start3A_30 = tpu.memref_slice %arg9[%dma_start3A_28, %dma_start3A_29] : memref<512x64xf32, #tpu.memory_space<vmem>> -> memref<320x64xf32, #tpu.memory_space<vmem>>
      tpu.enqueue_dma source(%dma_start3A_30 : memref<320x64xf32, #tpu.memory_space<vmem>>) target(%dma_start3A_27 : memref<320x64xf32, #tpu.memory_space<vmem_shared>>) target_semaphore(%run_scoped3A : memref<!tpu.dma_semaphore, #tpu.memory_space<semaphore_mem>>)
      %dma_wait3A = arith.constant 0 : i32
      %dma_wait3A_31 = arith.constant 0 : i32
      %dma_wait3A_32 = tpu.memref_slice %arg9[%dma_wait3A, %dma_wait3A_31] : memref<512x64xf32, #tpu.memory_space<vmem>> -> memref<320x64xf32, #tpu.memory_space<vmem>>
      %dma_wait3A_33 = arith.constant 0 : i32
      %dma_wait3A_34 = tpu.memref_slice %arg11[%add3A_8, %dma_wait3A_33] : memref<10240x64xf32, #tpu.memory_space<vmem_shared>> -> memref<320x64xf32, #tpu.memory_space<vmem_shared>>
      %dma_wait3A_35 = arith.constant 0 : i32
      %dma_wait3A_36 = tpu.memref_slice %arg11[%add3A_8, %dma_wait3A_35] : memref<10240x64xf32, #tpu.memory_space<vmem_shared>> -> memref<320x64xf32, #tpu.memory_space<vmem_shared>>
      %dma_wait3A_37 = arith.constant 0 : i32
      %dma_wait3A_38 = arith.constant 0 : i32
      %dma_wait3A_39 = tpu.memref_slice %arg9[%dma_wait3A_37, %dma_wait3A_38] : memref<512x64xf32, #tpu.memory_space<vmem>> -> memref<320x64xf32, #tpu.memory_space<vmem>>
      tpu.wait_dma2 semaphore(%run_scoped3A : memref<!tpu.dma_semaphore, #tpu.memory_space<semaphore_mem>>) src(%dma_wait3A_39 : memref<320x64xf32, #tpu.memory_space<vmem>>) dst(%dma_wait3A_36 : memref<320x64xf32, #tpu.memory_space<vmem_shared>>)
      tpu.yield
    }) : () -> ()
    "tpu.region"() ({
      %run_scoped3A = tpu.sem_alloc : memref<!tpu.dma_semaphore, #tpu.memory_space<semaphore_mem>>
      %dma_start3A = arith.constant 0 : i32
      %dma_start3A_22 = arith.constant 0 : i32
      %dma_start3A_23 = tpu.memref_slice %arg9[%dma_start3A, %dma_start3A_22] : memref<512x64xf32, #tpu.memory_space<vmem>> -> memref<320x64xf32, #tpu.memory_space<vmem>>
      %dma_start3A_24 = arith.constant 0 : i32
      %dma_start3A_25 = arith.constant 0 : i32
      %dma_start3A_26 = tpu.memref_slice %arg5[%dma_start3A_24, %dma_start3A_25] : memref<640x64xf32, #tpu.memory_space<hbm>> -> memref<320x64xf32, #tpu.memory_space<hbm>>
      %dma_start3A_27 = arith.constant 0 : i32
      %dma_start3A_28 = arith.constant 0 : i32
      %dma_start3A_29 = tpu.memref_slice %arg9[%dma_start3A_27, %dma_start3A_28] : memref<512x64xf32, #tpu.memory_space<vmem>> -> memref<320x64xf32, #tpu.memory_space<vmem>>
      %dma_start3A_30 = arith.constant 0 : i32
      %dma_start3A_31 = arith.constant 0 : i32
      %dma_start3A_32 = tpu.memref_slice %arg5[%dma_start3A_30, %dma_start3A_31] : memref<640x64xf32, #tpu.memory_space<hbm>> -> memref<320x64xf32, #tpu.memory_space<hbm>>
      tpu.enqueue_dma source(%dma_start3A_32 : memref<320x64xf32, #tpu.memory_space<hbm>>) target(%dma_start3A_29 : memref<320x64xf32, #tpu.memory_space<vmem>>) target_semaphore(%run_scoped3A : memref<!tpu.dma_semaphore, #tpu.memory_space<semaphore_mem>>)
      %dma_wait3A = arith.constant 0 : i32
      %dma_wait3A_33 = arith.constant 0 : i32
      %dma_wait3A_34 = tpu.memref_slice %arg9[%dma_wait3A, %dma_wait3A_33] : memref<512x64xf32, #tpu.memory_space<vmem>> -> memref<320x64xf32, #tpu.memory_space<vmem>>
      %dma_wait3A_35 = arith.constant 0 : i32
      %dma_wait3A_36 = arith.constant 0 : i32
      %dma_wait3A_37 = tpu.memref_slice %arg5[%dma_wait3A_35, %dma_wait3A_36] : memref<640x64xf32, #tpu.memory_space<hbm>> -> memref<320x64xf32, #tpu.memory_space<hbm>>
      %dma_wait3A_38 = arith.constant 0 : i32
      %dma_wait3A_39 = arith.constant 0 : i32
      %dma_wait3A_40 = tpu.memref_slice %arg9[%dma_wait3A_38, %dma_wait3A_39] : memref<512x64xf32, #tpu.memory_space<vmem>> -> memref<320x64xf32, #tpu.memory_space<vmem>>
      %dma_wait3A_41 = arith.constant 0 : i32
      %dma_wait3A_42 = arith.constant 0 : i32
      %dma_wait3A_43 = tpu.memref_slice %arg5[%dma_wait3A_41, %dma_wait3A_42] : memref<640x64xf32, #tpu.memory_space<hbm>> -> memref<320x64xf32, #tpu.memory_space<hbm>>
      tpu.wait_dma2 semaphore(%run_scoped3A : memref<!tpu.dma_semaphore, #tpu.memory_space<semaphore_mem>>) src(%dma_wait3A_43 : memref<320x64xf32, #tpu.memory_space<hbm>>) dst(%dma_wait3A_40 : memref<320x64xf32, #tpu.memory_space<vmem>>)
      tpu.yield
    }) : () -> ()
    "tpu.region"() ({
      %run_scoped3A = tpu.sem_alloc : memref<!tpu.dma_semaphore, #tpu.memory_space<semaphore_mem>>
      %dma_start3A = arith.constant 0 : i32
      %dma_start3A_22 = arith.constant 0 : i32
      %dma_start3A_23 = tpu.memref_slice %arg9[%dma_start3A, %dma_start3A_22] : memref<512x64xf32, #tpu.memory_space<vmem>> -> memref<320x64xf32, #tpu.memory_space<vmem>>
      %dma_start3A_24 = arith.constant 0 : i32
      %dma_start3A_25 = tpu.memref_slice %arg10[%add3A_8, %dma_start3A_24] : memref<10240x64xf32, #tpu.memory_space<vmem_shared>> -> memref<320x64xf32, #tpu.memory_space<vmem_shared>>
      %dma_start3A_26 = arith.constant 0 : i32
      %dma_start3A_27 = tpu.memref_slice %arg10[%add3A_8, %dma_start3A_26] : memref<10240x64xf32, #tpu.memory_space<vmem_shared>> -> memref<320x64xf32, #tpu.memory_space<vmem_shared>>
      %dma_start3A_28 = arith.constant 0 : i32
      %dma_start3A_29 = arith.constant 0 : i32
      %dma_start3A_30 = tpu.memref_slice %arg9[%dma_start3A_28, %dma_start3A_29] : memref<512x64xf32, #tpu.memory_space<vmem>> -> memref<320x64xf32, #tpu.memory_space<vmem>>
      tpu.enqueue_dma source(%dma_start3A_30 : memref<320x64xf32, #tpu.memory_space<vmem>>) target(%dma_start3A_27 : memref<320x64xf32, #tpu.memory_space<vmem_shared>>) target_semaphore(%run_scoped3A : memref<!tpu.dma_semaphore, #tpu.memory_space<semaphore_mem>>)
      %dma_wait3A = arith.constant 0 : i32
      %dma_wait3A_31 = arith.constant 0 : i32
      %dma_wait3A_32 = tpu.memref_slice %arg9[%dma_wait3A, %dma_wait3A_31] : memref<512x64xf32, #tpu.memory_space<vmem>> -> memref<320x64xf32, #tpu.memory_space<vmem>>
      %dma_wait3A_33 = arith.constant 0 : i32
      %dma_wait3A_34 = tpu.memref_slice %arg10[%add3A_8, %dma_wait3A_33] : memref<10240x64xf32, #tpu.memory_space<vmem_shared>> -> memref<320x64xf32, #tpu.memory_space<vmem_shared>>
      %dma_wait3A_35 = arith.constant 0 : i32
      %dma_wait3A_36 = tpu.memref_slice %arg10[%add3A_8, %dma_wait3A_35] : memref<10240x64xf32, #tpu.memory_space<vmem_shared>> -> memref<320x64xf32, #tpu.memory_space<vmem_shared>>
      %dma_wait3A_37 = arith.constant 0 : i32
      %dma_wait3A_38 = arith.constant 0 : i32
      %dma_wait3A_39 = tpu.memref_slice %arg9[%dma_wait3A_37, %dma_wait3A_38] : memref<512x64xf32, #tpu.memory_space<vmem>> -> memref<320x64xf32, #tpu.memory_space<vmem>>
      tpu.wait_dma2 semaphore(%run_scoped3A : memref<!tpu.dma_semaphore, #tpu.memory_space<semaphore_mem>>) src(%dma_wait3A_39 : memref<320x64xf32, #tpu.memory_space<vmem>>) dst(%dma_wait3A_36 : memref<320x64xf32, #tpu.memory_space<vmem_shared>>)
      tpu.yield
    }) : () -> ()
    %barrier3A = arith.constant 0 : index
    tpu.barrier barrier_id(%barrier3A)
    %scan3A = arith.constant 0 : i32
    %scan3A_9 = arith.constant 20 : i32
    %scan3A_10 = arith.addi %scan3A, %scan3A_9 : i32
    %scan3A_11 = arith.constant 1 : i32
    scf.for %scan3A_22 = %scan3A to %scan3A_10 step %scan3A_11  : i32 {
      %mul3A_23 = arith.constant 1 : i32
      %mul3A_24 = arith.muli %scan3A_22, %mul3A_23 : i32
      %add3A_25 = arith.constant 0 : i32
      %add3A_26 = arith.addi %add3A_25, %mul3A_24 : i32
      "tpu.region"() ({
        %run_scoped3A = tpu.sem_alloc : memref<!tpu.dma_semaphore, #tpu.memory_space<semaphore_mem>>
        %dma_start3A = arith.constant 0 : i32
        %dma_start3A_27 = tpu.memref_slice %arg3[%add3A, %add3A_26, %dma_start3A] : memref<32x20x512xi32, #tpu.memory_space<hbm>> -> memref<1x1x512xi32, #tpu.memory_space<hbm>>
        %dma_start3A_28 = tpu.memref_squeeze %dma_start3A_27 : memref<1x1x512xi32, #tpu.memory_space<hbm>> -> memref<512xi32, #tpu.memory_space<hbm>>
        %dma_start3A_29 = arith.constant 0 : i32
        %dma_start3A_30 = tpu.memref_slice %arg3[%add3A, %add3A_26, %dma_start3A_29] : memref<32x20x512xi32, #tpu.memory_space<hbm>> -> memref<1x1x512xi32, #tpu.memory_space<hbm>>
        %dma_start3A_31 = tpu.memref_squeeze %dma_start3A_30 : memref<1x1x512xi32, #tpu.memory_space<hbm>> -> memref<512xi32, #tpu.memory_space<hbm>>
        tpu.enqueue_dma source(%dma_start3A_31 : memref<512xi32, #tpu.memory_space<hbm>>) target(%arg7 : memref<512xi32, #tpu.memory_space<vmem>>) target_semaphore(%run_scoped3A : memref<!tpu.dma_semaphore, #tpu.memory_space<semaphore_mem>>)
        %dma_wait3A = arith.constant 0 : i32
        %dma_wait3A_32 = tpu.memref_slice %arg3[%add3A, %add3A_26, %dma_wait3A] : memref<32x20x512xi32, #tpu.memory_space<hbm>> -> memref<1x1x512xi32, #tpu.memory_space<hbm>>
        %dma_wait3A_33 = tpu.memref_squeeze %dma_wait3A_32 : memref<1x1x512xi32, #tpu.memory_space<hbm>> -> memref<512xi32, #tpu.memory_space<hbm>>
        %dma_wait3A_34 = arith.constant 0 : i32
        %dma_wait3A_35 = tpu.memref_slice %arg3[%add3A, %add3A_26, %dma_wait3A_34] : memref<32x20x512xi32, #tpu.memory_space<hbm>> -> memref<1x1x512xi32, #tpu.memory_space<hbm>>
        %dma_wait3A_36 = tpu.memref_squeeze %dma_wait3A_35 : memref<1x1x512xi32, #tpu.memory_space<hbm>> -> memref<512xi32, #tpu.memory_space<hbm>>
        tpu.wait_dma2 semaphore(%run_scoped3A : memref<!tpu.dma_semaphore, #tpu.memory_space<semaphore_mem>>) src(%dma_wait3A_36 : memref<512xi32, #tpu.memory_space<hbm>>) dst(%arg7 : memref<512xi32, #tpu.memory_space<vmem>>)
        tpu.yield
      }) : () -> ()
      "tpu.region"() ({
        %run_scoped3A = tpu.sem_alloc : memref<!tpu.dma_semaphore, #tpu.memory_space<semaphore_mem>>
        %dma_start3A = arith.constant 0 : i32
        %dma_start3A_27 = tpu.memref_slice %arg4[%add3A, %add3A_26, %dma_start3A] : memref<32x20x512xi32, #tpu.memory_space<hbm>> -> memref<1x1x512xi32, #tpu.memory_space<hbm>>
        %dma_start3A_28 = tpu.memref_squeeze %dma_start3A_27 : memref<1x1x512xi32, #tpu.memory_space<hbm>> -> memref<512xi32, #tpu.memory_space<hbm>>
        %dma_start3A_29 = arith.constant 0 : i32
        %dma_start3A_30 = tpu.memref_slice %arg4[%add3A, %add3A_26, %dma_start3A_29] : memref<32x20x512xi32, #tpu.memory_space<hbm>> -> memref<1x1x512xi32, #tpu.memory_space<hbm>>
        %dma_start3A_31 = tpu.memref_squeeze %dma_start3A_30 : memref<1x1x512xi32, #tpu.memory_space<hbm>> -> memref<512xi32, #tpu.memory_space<hbm>>
        tpu.enqueue_dma source(%dma_start3A_31 : memref<512xi32, #tpu.memory_space<hbm>>) target(%arg8 : memref<512xi32, #tpu.memory_space<vmem>>) target_semaphore(%run_scoped3A : memref<!tpu.dma_semaphore, #tpu.memory_space<semaphore_mem>>)
        %dma_wait3A = arith.constant 0 : i32
        %dma_wait3A_32 = tpu.memref_slice %arg4[%add3A, %add3A_26, %dma_wait3A] : memref<32x20x512xi32, #tpu.memory_space<hbm>> -> memref<1x1x512xi32, #tpu.memory_space<hbm>>
        %dma_wait3A_33 = tpu.memref_squeeze %dma_wait3A_32 : memref<1x1x512xi32, #tpu.memory_space<hbm>> -> memref<512xi32, #tpu.memory_space<hbm>>
        %dma_wait3A_34 = arith.constant 0 : i32
        %dma_wait3A_35 = tpu.memref_slice %arg4[%add3A, %add3A_26, %dma_wait3A_34] : memref<32x20x512xi32, #tpu.memory_space<hbm>> -> memref<1x1x512xi32, #tpu.memory_space<hbm>>
        %dma_wait3A_36 = tpu.memref_squeeze %dma_wait3A_35 : memref<1x1x512xi32, #tpu.memory_space<hbm>> -> memref<512xi32, #tpu.memory_space<hbm>>
        tpu.wait_dma2 semaphore(%run_scoped3A : memref<!tpu.dma_semaphore, #tpu.memory_space<semaphore_mem>>) src(%dma_wait3A_36 : memref<512xi32, #tpu.memory_space<hbm>>) dst(%arg8 : memref<512xi32, #tpu.memory_space<vmem>>)
        tpu.yield
      }) : () -> ()
      "tpu.region"() ({
        %run_scoped3A = tpu.sem_alloc : memref<!tpu.dma_semaphore, #tpu.memory_space<semaphore_mem>>
        %dma_start3A = arith.constant 0 : i32
        %dma_start3A_27 = arith.constant 0 : i32
        %dma_start3A_28 = tpu.memref_slice %arg11[%dma_start3A, %dma_start3A_27] : memref<10240x64xf32, #tpu.memory_space<vmem_shared>> -> memref<10240x64xf32, #tpu.memory_space<vmem_shared>>
        tpu.enqueue_indirect_dma source(%dma_start3A_28 : memref<10240x64xf32, #tpu.memory_space<vmem_shared>>) target(%arg9 : memref<512x64xf32, #tpu.memory_space<vmem>>) offsets(%arg7 : memref<512xi32, #tpu.memory_space<vmem>>) semaphore(%run_scoped3A : memref<!tpu.dma_semaphore, #tpu.memory_space<semaphore_mem>>)
        %dma_wait3A = arith.constant 0 : i32
        %dma_wait3A_29 = arith.constant 0 : i32
        %dma_wait3A_30 = tpu.memref_slice %arg11[%dma_wait3A, %dma_wait3A_29] : memref<10240x64xf32, #tpu.memory_space<vmem_shared>> -> memref<10240x64xf32, #tpu.memory_space<vmem_shared>>
        tpu.wait_indirect_dma semaphore(%run_scoped3A : memref<!tpu.dma_semaphore, #tpu.memory_space<semaphore_mem>>) src(%dma_wait3A_30 : memref<10240x64xf32, #tpu.memory_space<vmem_shared>>) dst(%arg9 : memref<512x64xf32, #tpu.memory_space<vmem>>)
        tpu.yield
      }) : () -> ()
      "tpu.region"() ({
        %run_scoped3A = tpu.sem_alloc : memref<!tpu.dma_semaphore, #tpu.memory_space<semaphore_mem>>
        %dma_start3A = arith.constant 0 : i32
        %dma_start3A_27 = arith.constant 0 : i32
        %dma_start3A_28 = tpu.memref_slice %arg10[%dma_start3A, %dma_start3A_27] : memref<10240x64xf32, #tpu.memory_space<vmem_shared>> -> memref<10240x64xf32, #tpu.memory_space<vmem_shared>>
        tpu.enqueue_indirect_dma source(%arg9 : memref<512x64xf32, #tpu.memory_space<vmem>>) target(%dma_start3A_28 : memref<10240x64xf32, #tpu.memory_space<vmem_shared>>) offsets(%arg8 : memref<512xi32, #tpu.memory_space<vmem>>) semaphore(%run_scoped3A : memref<!tpu.dma_semaphore, #tpu.memory_space<semaphore_mem>>) {add = true}
        %dma_wait3A = arith.constant 0 : i32
        %dma_wait3A_29 = arith.constant 0 : i32
        %dma_wait3A_30 = tpu.memref_slice %arg10[%dma_wait3A, %dma_wait3A_29] : memref<10240x64xf32, #tpu.memory_space<vmem_shared>> -> memref<10240x64xf32, #tpu.memory_space<vmem_shared>>
        tpu.wait_indirect_dma semaphore(%run_scoped3A : memref<!tpu.dma_semaphore, #tpu.memory_space<semaphore_mem>>) src(%arg9 : memref<512x64xf32, #tpu.memory_space<vmem>>) dst(%dma_wait3A_30 : memref<10240x64xf32, #tpu.memory_space<vmem_shared>>)
        tpu.yield
      }) : () -> ()
    }
    %scan3A_12 = arith.constant 20 : i32
    %barrier3A_13 = arith.constant 0 : index
    tpu.barrier barrier_id(%barrier3A_13)
    %mul3A_14 = arith.constant 640 : i32
    %mul3A_15 = arith.muli %arg1, %mul3A_14 : i32
    %add3A_16 = arith.constant 0 : i32
    %add3A_17 = arith.addi %mul3A_15, %add3A_16 : i32
    "tpu.region"() ({
      %run_scoped3A = tpu.sem_alloc : memref<!tpu.dma_semaphore, #tpu.memory_space<semaphore_mem>>
      %dma_start3A = arith.constant 0 : i32
      %dma_start3A_22 = arith.constant 0 : i32
      %dma_start3A_23 = tpu.memref_slice %arg9[%dma_start3A, %dma_start3A_22] : memref<512x64xf32, #tpu.memory_space<vmem>> -> memref<320x64xf32, #tpu.memory_space<vmem>>
      %dma_start3A_24 = arith.constant 0 : i32
      %dma_start3A_25 = tpu.memref_slice %arg10[%add3A_17, %dma_start3A_24] : memref<10240x64xf32, #tpu.memory_space<vmem_shared>> -> memref<320x64xf32, #tpu.memory_space<vmem_shared>>
      %dma_start3A_26 = arith.constant 0 : i32
      %dma_start3A_27 = arith.constant 0 : i32
      %dma_start3A_28 = tpu.memref_slice %arg9[%dma_start3A_26, %dma_start3A_27] : memref<512x64xf32, #tpu.memory_space<vmem>> -> memref<320x64xf32, #tpu.memory_space<vmem>>
      %dma_start3A_29 = arith.constant 0 : i32
      %dma_start3A_30 = tpu.memref_slice %arg10[%add3A_17, %dma_start3A_29] : memref<10240x64xf32, #tpu.memory_space<vmem_shared>> -> memref<320x64xf32, #tpu.memory_space<vmem_shared>>
      tpu.enqueue_dma source(%dma_start3A_30 : memref<320x64xf32, #tpu.memory_space<vmem_shared>>) target(%dma_start3A_28 : memref<320x64xf32, #tpu.memory_space<vmem>>) target_semaphore(%run_scoped3A : memref<!tpu.dma_semaphore, #tpu.memory_space<semaphore_mem>>)
      %dma_wait3A = arith.constant 0 : i32
      %dma_wait3A_31 = arith.constant 0 : i32
      %dma_wait3A_32 = tpu.memref_slice %arg9[%dma_wait3A, %dma_wait3A_31] : memref<512x64xf32, #tpu.memory_space<vmem>> -> memref<320x64xf32, #tpu.memory_space<vmem>>
      %dma_wait3A_33 = arith.constant 0 : i32
      %dma_wait3A_34 = tpu.memref_slice %arg10[%add3A_17, %dma_wait3A_33] : memref<10240x64xf32, #tpu.memory_space<vmem_shared>> -> memref<320x64xf32, #tpu.memory_space<vmem_shared>>
      %dma_wait3A_35 = arith.constant 0 : i32
      %dma_wait3A_36 = arith.constant 0 : i32
      %dma_wait3A_37 = tpu.memref_slice %arg9[%dma_wait3A_35, %dma_wait3A_36] : memref<512x64xf32, #tpu.memory_space<vmem>> -> memref<320x64xf32, #tpu.memory_space<vmem>>
      %dma_wait3A_38 = arith.constant 0 : i32
      %dma_wait3A_39 = tpu.memref_slice %arg10[%add3A_17, %dma_wait3A_38] : memref<10240x64xf32, #tpu.memory_space<vmem_shared>> -> memref<320x64xf32, #tpu.memory_space<vmem_shared>>
      tpu.wait_dma2 semaphore(%run_scoped3A : memref<!tpu.dma_semaphore, #tpu.memory_space<semaphore_mem>>) src(%dma_wait3A_39 : memref<320x64xf32, #tpu.memory_space<vmem_shared>>) dst(%dma_wait3A_37 : memref<320x64xf32, #tpu.memory_space<vmem>>)
      tpu.yield
    }) : () -> ()
    "tpu.region"() ({
      %run_scoped3A = tpu.sem_alloc : memref<!tpu.dma_semaphore, #tpu.memory_space<semaphore_mem>>
      %dma_start3A = arith.constant 0 : i32
      %dma_start3A_22 = arith.constant 0 : i32
      %dma_start3A_23 = tpu.memref_slice %arg9[%dma_start3A, %dma_start3A_22] : memref<512x64xf32, #tpu.memory_space<vmem>> -> memref<320x64xf32, #tpu.memory_space<vmem>>
      %dma_start3A_24 = arith.constant 0 : i32
      %dma_start3A_25 = tpu.memref_slice %arg6[%arg0, %add3A_17, %dma_start3A_24] : memref<2x10240x64xf32, #tpu.memory_space<hbm>> -> memref<1x320x64xf32, #tpu.memory_space<hbm>>
      %dma_start3A_26 = tpu.memref_squeeze %dma_start3A_25 : memref<1x320x64xf32, #tpu.memory_space<hbm>> -> memref<320x64xf32, #tpu.memory_space<hbm>>
      %dma_start3A_27 = arith.constant 0 : i32
      %dma_start3A_28 = tpu.memref_slice %arg6[%arg0, %add3A_17, %dma_start3A_27] : memref<2x10240x64xf32, #tpu.memory_space<hbm>> -> memref<1x320x64xf32, #tpu.memory_space<hbm>>
      %dma_start3A_29 = tpu.memref_squeeze %dma_start3A_28 : memref<1x320x64xf32, #tpu.memory_space<hbm>> -> memref<320x64xf32, #tpu.memory_space<hbm>>
      %dma_start3A_30 = arith.constant 0 : i32
      %dma_start3A_31 = arith.constant 0 : i32
      %dma_start3A_32 = tpu.memref_slice %arg9[%dma_start3A_30, %dma_start3A_31] : memref<512x64xf32, #tpu.memory_space<vmem>> -> memref<320x64xf32, #tpu.memory_space<vmem>>
      tpu.enqueue_dma source(%dma_start3A_32 : memref<320x64xf32, #tpu.memory_space<vmem>>) target(%dma_start3A_29 : memref<320x64xf32, #tpu.memory_space<hbm>>) target_semaphore(%run_scoped3A : memref<!tpu.dma_semaphore, #tpu.memory_space<semaphore_mem>>)
      %dma_wait3A = arith.constant 0 : i32
      %dma_wait3A_33 = arith.constant 0 : i32
      %dma_wait3A_34 = tpu.memref_slice %arg9[%dma_wait3A, %dma_wait3A_33] : memref<512x64xf32, #tpu.memory_space<vmem>> -> memref<320x64xf32, #tpu.memory_space<vmem>>
      %dma_wait3A_35 = arith.constant 0 : i32
      %dma_wait3A_36 = tpu.memref_slice %arg6[%arg0, %add3A_17, %dma_wait3A_35] : memref<2x10240x64xf32, #tpu.memory_space<hbm>> -> memref<1x320x64xf32, #tpu.memory_space<hbm>>
      %dma_wait3A_37 = tpu.memref_squeeze %dma_wait3A_36 : memref<1x320x64xf32, #tpu.memory_space<hbm>> -> memref<320x64xf32, #tpu.memory_space<hbm>>
      %dma_wait3A_38 = arith.constant 0 : i32
      %dma_wait3A_39 = tpu.memref_slice %arg6[%arg0, %add3A_17, %dma_wait3A_38] : memref<2x10240x64xf32, #tpu.memory_space<hbm>> -> memref<1x320x64xf32, #tpu.memory_space<hbm>>
      %dma_wait3A_40 = tpu.memref_squeeze %dma_wait3A_39 : memref<1x320x64xf32, #tpu.memory_space<hbm>> -> memref<320x64xf32, #tpu.memory_space<hbm>>
      %dma_wait3A_41 = arith.constant 0 : i32
      %dma_wait3A_42 = arith.constant 0 : i32
      %dma_wait3A_43 = tpu.memref_slice %arg9[%dma_wait3A_41, %dma_wait3A_42] : memref<512x64xf32, #tpu.memory_space<vmem>> -> memref<320x64xf32, #tpu.memory_space<vmem>>
      tpu.wait_dma2 semaphore(%run_scoped3A : memref<!tpu.dma_semaphore, #tpu.memory_space<semaphore_mem>>) src(%dma_wait3A_43 : memref<320x64xf32, #tpu.memory_space<vmem>>) dst(%dma_wait3A_40 : memref<320x64xf32, #tpu.memory_space<hbm>>)
      tpu.yield
    }) : () -> ()
    %mul3A_18 = arith.constant 640 : i32
    %mul3A_19 = arith.muli %arg1, %mul3A_18 : i32
    %add3A_20 = arith.constant 320 : i32
    %add3A_21 = arith.addi %mul3A_19, %add3A_20 : i32
    "tpu.region"() ({
      %run_scoped3A = tpu.sem_alloc : memref<!tpu.dma_semaphore, #tpu.memory_space<semaphore_mem>>
      %dma_start3A = arith.constant 0 : i32
      %dma_start3A_22 = arith.constant 0 : i32
      %dma_start3A_23 = tpu.memref_slice %arg9[%dma_start3A, %dma_start3A_22] : memref<512x64xf32, #tpu.memory_space<vmem>> -> memref<320x64xf32, #tpu.memory_space<vmem>>
      %dma_start3A_24 = arith.constant 0 : i32
      %dma_start3A_25 = tpu.memref_slice %arg10[%add3A_21, %dma_start3A_24] : memref<10240x64xf32, #tpu.memory_space<vmem_shared>> -> memref<320x64xf32, #tpu.memory_space<vmem_shared>>
      %dma_start3A_26 = arith.constant 0 : i32
      %dma_start3A_27 = arith.constant 0 : i32
      %dma_start3A_28 = tpu.memref_slice %arg9[%dma_start3A_26, %dma_start3A_27] : memref<512x64xf32, #tpu.memory_space<vmem>> -> memref<320x64xf32, #tpu.memory_space<vmem>>
      %dma_start3A_29 = arith.constant 0 : i32
      %dma_start3A_30 = tpu.memref_slice %arg10[%add3A_21, %dma_start3A_29] : memref<10240x64xf32, #tpu.memory_space<vmem_shared>> -> memref<320x64xf32, #tpu.memory_space<vmem_shared>>
      tpu.enqueue_dma source(%dma_start3A_30 : memref<320x64xf32, #tpu.memory_space<vmem_shared>>) target(%dma_start3A_28 : memref<320x64xf32, #tpu.memory_space<vmem>>) target_semaphore(%run_scoped3A : memref<!tpu.dma_semaphore, #tpu.memory_space<semaphore_mem>>)
      %dma_wait3A = arith.constant 0 : i32
      %dma_wait3A_31 = arith.constant 0 : i32
      %dma_wait3A_32 = tpu.memref_slice %arg9[%dma_wait3A, %dma_wait3A_31] : memref<512x64xf32, #tpu.memory_space<vmem>> -> memref<320x64xf32, #tpu.memory_space<vmem>>
      %dma_wait3A_33 = arith.constant 0 : i32
      %dma_wait3A_34 = tpu.memref_slice %arg10[%add3A_21, %dma_wait3A_33] : memref<10240x64xf32, #tpu.memory_space<vmem_shared>> -> memref<320x64xf32, #tpu.memory_space<vmem_shared>>
      %dma_wait3A_35 = arith.constant 0 : i32
      %dma_wait3A_36 = arith.constant 0 : i32
      %dma_wait3A_37 = tpu.memref_slice %arg9[%dma_wait3A_35, %dma_wait3A_36] : memref<512x64xf32, #tpu.memory_space<vmem>> -> memref<320x64xf32, #tpu.memory_space<vmem>>
      %dma_wait3A_38 = arith.constant 0 : i32
      %dma_wait3A_39 = tpu.memref_slice %arg10[%add3A_21, %dma_wait3A_38] : memref<10240x64xf32, #tpu.memory_space<vmem_shared>> -> memref<320x64xf32, #tpu.memory_space<vmem_shared>>
      tpu.wait_dma2 semaphore(%run_scoped3A : memref<!tpu.dma_semaphore, #tpu.memory_space<semaphore_mem>>) src(%dma_wait3A_39 : memref<320x64xf32, #tpu.memory_space<vmem_shared>>) dst(%dma_wait3A_37 : memref<320x64xf32, #tpu.memory_space<vmem>>)
      tpu.yield
    }) : () -> ()
    "tpu.region"() ({
      %run_scoped3A = tpu.sem_alloc : memref<!tpu.dma_semaphore, #tpu.memory_space<semaphore_mem>>
      %dma_start3A = arith.constant 0 : i32
      %dma_start3A_22 = arith.constant 0 : i32
      %dma_start3A_23 = tpu.memref_slice %arg9[%dma_start3A, %dma_start3A_22] : memref<512x64xf32, #tpu.memory_space<vmem>> -> memref<320x64xf32, #tpu.memory_space<vmem>>
      %dma_start3A_24 = arith.constant 0 : i32
      %dma_start3A_25 = tpu.memref_slice %arg6[%arg0, %add3A_21, %dma_start3A_24] : memref<2x10240x64xf32, #tpu.memory_space<hbm>> -> memref<1x320x64xf32, #tpu.memory_space<hbm>>
      %dma_start3A_26 = tpu.memref_squeeze %dma_start3A_25 : memref<1x320x64xf32, #tpu.memory_space<hbm>> -> memref<320x64xf32, #tpu.memory_space<hbm>>
      %dma_start3A_27 = arith.constant 0 : i32
      %dma_start3A_28 = tpu.memref_slice %arg6[%arg0, %add3A_21, %dma_start3A_27] : memref<2x10240x64xf32, #tpu.memory_space<hbm>> -> memref<1x320x64xf32, #tpu.memory_space<hbm>>
      %dma_start3A_29 = tpu.memref_squeeze %dma_start3A_28 : memref<1x320x64xf32, #tpu.memory_space<hbm>> -> memref<320x64xf32, #tpu.memory_space<hbm>>
      %dma_start3A_30 = arith.constant 0 : i32
      %dma_start3A_31 = arith.constant 0 : i32
      %dma_start3A_32 = tpu.memref_slice %arg9[%dma_start3A_30, %dma_start3A_31] : memref<512x64xf32, #tpu.memory_space<vmem>> -> memref<320x64xf32, #tpu.memory_space<vmem>>
      tpu.enqueue_dma source(%dma_start3A_32 : memref<320x64xf32, #tpu.memory_space<vmem>>) target(%dma_start3A_29 : memref<320x64xf32, #tpu.memory_space<hbm>>) target_semaphore(%run_scoped3A : memref<!tpu.dma_semaphore, #tpu.memory_space<semaphore_mem>>)
      %dma_wait3A = arith.constant 0 : i32
      %dma_wait3A_33 = arith.constant 0 : i32
      %dma_wait3A_34 = tpu.memref_slice %arg9[%dma_wait3A, %dma_wait3A_33] : memref<512x64xf32, #tpu.memory_space<vmem>> -> memref<320x64xf32, #tpu.memory_space<vmem>>
      %dma_wait3A_35 = arith.constant 0 : i32
      %dma_wait3A_36 = tpu.memref_slice %arg6[%arg0, %add3A_21, %dma_wait3A_35] : memref<2x10240x64xf32, #tpu.memory_space<hbm>> -> memref<1x320x64xf32, #tpu.memory_space<hbm>>
      %dma_wait3A_37 = tpu.memref_squeeze %dma_wait3A_36 : memref<1x320x64xf32, #tpu.memory_space<hbm>> -> memref<320x64xf32, #tpu.memory_space<hbm>>
      %dma_wait3A_38 = arith.constant 0 : i32
      %dma_wait3A_39 = tpu.memref_slice %arg6[%arg0, %add3A_21, %dma_wait3A_38] : memref<2x10240x64xf32, #tpu.memory_space<hbm>> -> memref<1x320x64xf32, #tpu.memory_space<hbm>>
      %dma_wait3A_40 = tpu.memref_squeeze %dma_wait3A_39 : memref<1x320x64xf32, #tpu.memory_space<hbm>> -> memref<320x64xf32, #tpu.memory_space<hbm>>
      %dma_wait3A_41 = arith.constant 0 : i32
      %dma_wait3A_42 = arith.constant 0 : i32
      %dma_wait3A_43 = tpu.memref_slice %arg9[%dma_wait3A_41, %dma_wait3A_42] : memref<512x64xf32, #tpu.memory_space<vmem>> -> memref<320x64xf32, #tpu.memory_space<vmem>>
      tpu.wait_dma2 semaphore(%run_scoped3A : memref<!tpu.dma_semaphore, #tpu.memory_space<semaphore_mem>>) src(%dma_wait3A_43 : memref<320x64xf32, #tpu.memory_space<vmem>>) dst(%dma_wait3A_40 : memref<320x64xf32, #tpu.memory_space<hbm>>)
      tpu.yield
    }) : () -> ()
    return
  }
}

#map = affine_map<(d0, d1) -> (0, 0)>
#map1 = affine_map<(d0, d1) -> (0, 0, 0)>
module attributes {stable_mosaic.version = 14 : i64} {
  func.func @ksc(%arg0: i32, %arg1: i32, %arg2: memref<10240x64xf32, #tpu.memory_space<hbm>>, %arg3: memref<32x20x512xi32, #tpu.memory_space<hbm>>, %arg4: memref<32x20x512xi32, #tpu.memory_space<hbm>>, %arg5: memref<640x64xf32, #tpu.memory_space<hbm>>, %arg6: memref<2x10240x64xf32, #tpu.memory_space<hbm>>, %arg7: memref<512xi32, #tpu.memory_space<vmem>>, %arg8: memref<512xi32, #tpu.memory_space<vmem>>, %arg9: memref<512x64xf32, #tpu.memory_space<vmem>>, %arg10: memref<10240x64xf32, #tpu.memory_space<vmem_shared>>, %arg11: memref<10240x64xf32, #tpu.memory_space<vmem_shared>>) attributes {dimension_semantics = [#tpu.dimension_semantics<core_parallel>, #tpu.dimension_semantics<subcore_parallel>], iteration_bounds = array<i64: 2, 16>, scalar_prefetch = 0 : i64, scratch_operands = 5 : i64, tpu.core_type = #tpu.core_type<sc_vector_subcore>, window_params = [{transform_indices = #map}, {transform_indices = #map1}, {transform_indices = #map1}, {transform_indices = #map}, {transform_indices = #map1}]} {
    %mul3A = arith.constant 2 : i32
    %mul3A_0 = arith.muli %arg1, %mul3A : i32
    %add3A = arith.addi %mul3A_0, %arg0 : i32
    %mul3A_1 = arith.constant 640 : i32
    %mul3A_2 = arith.muli %arg1, %mul3A_1 : i32
    %add3A_3 = arith.constant 0 : i32
    %add3A_4 = arith.addi %mul3A_2, %add3A_3 : i32
    "tpu.region"() ({
      %run_scoped3A = tpu.sem_alloc : memref<!tpu.dma_semaphore, #tpu.memory_space<semaphore_mem>>
      %dma_start3A = arith.constant 0 : i32
      %dma_start3A_22 = arith.constant 0 : i32
      %dma_start3A_23 = tpu.memref_slice %arg9[%dma_start3A, %dma_start3A_22] : memref<512x64xf32, #tpu.memory_space<vmem>> -> memref<320x64xf32, #tpu.memory_space<vmem>>
      %dma_start3A_24 = arith.constant 0 : i32
      %dma_start3A_25 = tpu.memref_slice %arg2[%add3A_4, %dma_start3A_24] : memref<10240x64xf32, #tpu.memory_space<hbm>> -> memref<320x64xf32, #tpu.memory_space<hbm>>
      %dma_start3A_26 = arith.constant 0 : i32
      %dma_start3A_27 = arith.constant 0 : i32
      %dma_start3A_28 = tpu.memref_slice %arg9[%dma_start3A_26, %dma_start3A_27] : memref<512x64xf32, #tpu.memory_space<vmem>> -> memref<320x64xf32, #tpu.memory_space<vmem>>
      %dma_start3A_29 = arith.constant 0 : i32
      %dma_start3A_30 = tpu.memref_slice %arg2[%add3A_4, %dma_start3A_29] : memref<10240x64xf32, #tpu.memory_space<hbm>> -> memref<320x64xf32, #tpu.memory_space<hbm>>
      tpu.enqueue_dma source(%dma_start3A_30 : memref<320x64xf32, #tpu.memory_space<hbm>>) target(%dma_start3A_28 : memref<320x64xf32, #tpu.memory_space<vmem>>) target_semaphore(%run_scoped3A : memref<!tpu.dma_semaphore, #tpu.memory_space<semaphore_mem>>)
      %dma_wait3A = arith.constant 0 : i32
      %dma_wait3A_31 = arith.constant 0 : i32
      %dma_wait3A_32 = tpu.memref_slice %arg9[%dma_wait3A, %dma_wait3A_31] : memref<512x64xf32, #tpu.memory_space<vmem>> -> memref<320x64xf32, #tpu.memory_space<vmem>>
      %dma_wait3A_33 = arith.constant 0 : i32
      %dma_wait3A_34 = tpu.memref_slice %arg2[%add3A_4, %dma_wait3A_33] : memref<10240x64xf32, #tpu.memory_space<hbm>> -> memref<320x64xf32, #tpu.memory_space<hbm>>
      %dma_wait3A_35 = arith.constant 0 : i32
      %dma_wait3A_36 = arith.constant 0 : i32
      %dma_wait3A_37 = tpu.memref_slice %arg9[%dma_wait3A_35, %dma_wait3A_36] : memref<512x64xf32, #tpu.memory_space<vmem>> -> memref<320x64xf32, #tpu.memory_space<vmem>>
      %dma_wait3A_38 = arith.constant 0 : i32
      %dma_wait3A_39 = tpu.memref_slice %arg2[%add3A_4, %dma_wait3A_38] : memref<10240x64xf32, #tpu.memory_space<hbm>> -> memref<320x64xf32, #tpu.memory_space<hbm>>
      tpu.wait_dma2 semaphore(%run_scoped3A : memref<!tpu.dma_semaphore, #tpu.memory_space<semaphore_mem>>) src(%dma_wait3A_39 : memref<320x64xf32, #tpu.memory_space<hbm>>) dst(%dma_wait3A_37 : memref<320x64xf32, #tpu.memory_space<vmem>>)
      tpu.yield
    }) : () -> ()
    "tpu.region"() ({
      %run_scoped3A = tpu.sem_alloc : memref<!tpu.dma_semaphore, #tpu.memory_space<semaphore_mem>>
      %dma_start3A = arith.constant 0 : i32
      %dma_start3A_22 = arith.constant 0 : i32
      %dma_start3A_23 = tpu.memref_slice %arg9[%dma_start3A, %dma_start3A_22] : memref<512x64xf32, #tpu.memory_space<vmem>> -> memref<320x64xf32, #tpu.memory_space<vmem>>
      %dma_start3A_24 = arith.constant 0 : i32
      %dma_start3A_25 = tpu.memref_slice %arg11[%add3A_4, %dma_start3A_24] : memref<10240x64xf32, #tpu.memory_space<vmem_shared>> -> memref<320x64xf32, #tpu.memory_space<vmem_shared>>
      %dma_start3A_26 = arith.constant 0 : i32
      %dma_start3A_27 = tpu.memref_slice %arg11[%add3A_4, %dma_start3A_26] : memref<10240x64xf32, #tpu.memory_space<vmem_shared>> -> memref<320x64xf32, #tpu.memory_space<vmem_shared>>
      %dma_start3A_28 = arith.constant 0 : i32
      %dma_start3A_29 = arith.constant 0 : i32
      %dma_start3A_30 = tpu.memref_slice %arg9[%dma_start3A_28, %dma_start3A_29] : memref<512x64xf32, #tpu.memory_space<vmem>> -> memref<320x64xf32, #tpu.memory_space<vmem>>
      tpu.enqueue_dma source(%dma_start3A_30 : memref<320x64xf32, #tpu.memory_space<vmem>>) target(%dma_start3A_27 : memref<320x64xf32, #tpu.memory_space<vmem_shared>>) target_semaphore(%run_scoped3A : memref<!tpu.dma_semaphore, #tpu.memory_space<semaphore_mem>>)
      %dma_wait3A = arith.constant 0 : i32
      %dma_wait3A_31 = arith.constant 0 : i32
      %dma_wait3A_32 = tpu.memref_slice %arg9[%dma_wait3A, %dma_wait3A_31] : memref<512x64xf32, #tpu.memory_space<vmem>> -> memref<320x64xf32, #tpu.memory_space<vmem>>
      %dma_wait3A_33 = arith.constant 0 : i32
      %dma_wait3A_34 = tpu.memref_slice %arg11[%add3A_4, %dma_wait3A_33] : memref<10240x64xf32, #tpu.memory_space<vmem_shared>> -> memref<320x64xf32, #tpu.memory_space<vmem_shared>>
      %dma_wait3A_35 = arith.constant 0 : i32
      %dma_wait3A_36 = tpu.memref_slice %arg11[%add3A_4, %dma_wait3A_35] : memref<10240x64xf32, #tpu.memory_space<vmem_shared>> -> memref<320x64xf32, #tpu.memory_space<vmem_shared>>
      %dma_wait3A_37 = arith.constant 0 : i32
      %dma_wait3A_38 = arith.constant 0 : i32
      %dma_wait3A_39 = tpu.memref_slice %arg9[%dma_wait3A_37, %dma_wait3A_38] : memref<512x64xf32, #tpu.memory_space<vmem>> -> memref<320x64xf32, #tpu.memory_space<vmem>>
      tpu.wait_dma2 semaphore(%run_scoped3A : memref<!tpu.dma_semaphore, #tpu.memory_space<semaphore_mem>>) src(%dma_wait3A_39 : memref<320x64xf32, #tpu.memory_space<vmem>>) dst(%dma_wait3A_36 : memref<320x64xf32, #tpu.memory_space<vmem_shared>>)
      tpu.yield
    }) : () -> ()
    "tpu.region"() ({
      %run_scoped3A = tpu.sem_alloc : memref<!tpu.dma_semaphore, #tpu.memory_space<semaphore_mem>>
      %dma_start3A = arith.constant 0 : i32
      %dma_start3A_22 = arith.constant 0 : i32
      %dma_start3A_23 = tpu.memref_slice %arg9[%dma_start3A, %dma_start3A_22] : memref<512x64xf32, #tpu.memory_space<vmem>> -> memref<320x64xf32, #tpu.memory_space<vmem>>
      %dma_start3A_24 = arith.constant 0 : i32
      %dma_start3A_25 = arith.constant 0 : i32
      %dma_start3A_26 = tpu.memref_slice %arg5[%dma_start3A_24, %dma_start3A_25] : memref<640x64xf32, #tpu.memory_space<hbm>> -> memref<320x64xf32, #tpu.memory_space<hbm>>
      %dma_start3A_27 = arith.constant 0 : i32
      %dma_start3A_28 = arith.constant 0 : i32
      %dma_start3A_29 = tpu.memref_slice %arg9[%dma_start3A_27, %dma_start3A_28] : memref<512x64xf32, #tpu.memory_space<vmem>> -> memref<320x64xf32, #tpu.memory_space<vmem>>
      %dma_start3A_30 = arith.constant 0 : i32
      %dma_start3A_31 = arith.constant 0 : i32
      %dma_start3A_32 = tpu.memref_slice %arg5[%dma_start3A_30, %dma_start3A_31] : memref<640x64xf32, #tpu.memory_space<hbm>> -> memref<320x64xf32, #tpu.memory_space<hbm>>
      tpu.enqueue_dma source(%dma_start3A_32 : memref<320x64xf32, #tpu.memory_space<hbm>>) target(%dma_start3A_29 : memref<320x64xf32, #tpu.memory_space<vmem>>) target_semaphore(%run_scoped3A : memref<!tpu.dma_semaphore, #tpu.memory_space<semaphore_mem>>)
      %dma_wait3A = arith.constant 0 : i32
      %dma_wait3A_33 = arith.constant 0 : i32
      %dma_wait3A_34 = tpu.memref_slice %arg9[%dma_wait3A, %dma_wait3A_33] : memref<512x64xf32, #tpu.memory_space<vmem>> -> memref<320x64xf32, #tpu.memory_space<vmem>>
      %dma_wait3A_35 = arith.constant 0 : i32
      %dma_wait3A_36 = arith.constant 0 : i32
      %dma_wait3A_37 = tpu.memref_slice %arg5[%dma_wait3A_35, %dma_wait3A_36] : memref<640x64xf32, #tpu.memory_space<hbm>> -> memref<320x64xf32, #tpu.memory_space<hbm>>
      %dma_wait3A_38 = arith.constant 0 : i32
      %dma_wait3A_39 = arith.constant 0 : i32
      %dma_wait3A_40 = tpu.memref_slice %arg9[%dma_wait3A_38, %dma_wait3A_39] : memref<512x64xf32, #tpu.memory_space<vmem>> -> memref<320x64xf32, #tpu.memory_space<vmem>>
      %dma_wait3A_41 = arith.constant 0 : i32
      %dma_wait3A_42 = arith.constant 0 : i32
      %dma_wait3A_43 = tpu.memref_slice %arg5[%dma_wait3A_41, %dma_wait3A_42] : memref<640x64xf32, #tpu.memory_space<hbm>> -> memref<320x64xf32, #tpu.memory_space<hbm>>
      tpu.wait_dma2 semaphore(%run_scoped3A : memref<!tpu.dma_semaphore, #tpu.memory_space<semaphore_mem>>) src(%dma_wait3A_43 : memref<320x64xf32, #tpu.memory_space<hbm>>) dst(%dma_wait3A_40 : memref<320x64xf32, #tpu.memory_space<vmem>>)
      tpu.yield
    }) : () -> ()
    "tpu.region"() ({
      %run_scoped3A = tpu.sem_alloc : memref<!tpu.dma_semaphore, #tpu.memory_space<semaphore_mem>>
      %dma_start3A = arith.constant 0 : i32
      %dma_start3A_22 = arith.constant 0 : i32
      %dma_start3A_23 = tpu.memref_slice %arg9[%dma_start3A, %dma_start3A_22] : memref<512x64xf32, #tpu.memory_space<vmem>> -> memref<320x64xf32, #tpu.memory_space<vmem>>
      %dma_start3A_24 = arith.constant 0 : i32
      %dma_start3A_25 = tpu.memref_slice %arg10[%add3A_4, %dma_start3A_24] : memref<10240x64xf32, #tpu.memory_space<vmem_shared>> -> memref<320x64xf32, #tpu.memory_space<vmem_shared>>
      %dma_start3A_26 = arith.constant 0 : i32
      %dma_start3A_27 = tpu.memref_slice %arg10[%add3A_4, %dma_start3A_26] : memref<10240x64xf32, #tpu.memory_space<vmem_shared>> -> memref<320x64xf32, #tpu.memory_space<vmem_shared>>
      %dma_start3A_28 = arith.constant 0 : i32
      %dma_start3A_29 = arith.constant 0 : i32
      %dma_start3A_30 = tpu.memref_slice %arg9[%dma_start3A_28, %dma_start3A_29] : memref<512x64xf32, #tpu.memory_space<vmem>> -> memref<320x64xf32, #tpu.memory_space<vmem>>
      tpu.enqueue_dma source(%dma_start3A_30 : memref<320x64xf32, #tpu.memory_space<vmem>>) target(%dma_start3A_27 : memref<320x64xf32, #tpu.memory_space<vmem_shared>>) target_semaphore(%run_scoped3A : memref<!tpu.dma_semaphore, #tpu.memory_space<semaphore_mem>>)
      %dma_wait3A = arith.constant 0 : i32
      %dma_wait3A_31 = arith.constant 0 : i32
      %dma_wait3A_32 = tpu.memref_slice %arg9[%dma_wait3A, %dma_wait3A_31] : memref<512x64xf32, #tpu.memory_space<vmem>> -> memref<320x64xf32, #tpu.memory_space<vmem>>
      %dma_wait3A_33 = arith.constant 0 : i32
      %dma_wait3A_34 = tpu.memref_slice %arg10[%add3A_4, %dma_wait3A_33] : memref<10240x64xf32, #tpu.memory_space<vmem_shared>> -> memref<320x64xf32, #tpu.memory_space<vmem_shared>>
      %dma_wait3A_35 = arith.constant 0 : i32
      %dma_wait3A_36 = tpu.memref_slice %arg10[%add3A_4, %dma_wait3A_35] : memref<10240x64xf32, #tpu.memory_space<vmem_shared>> -> memref<320x64xf32, #tpu.memory_space<vmem_shared>>
      %dma_wait3A_37 = arith.constant 0 : i32
      %dma_wait3A_38 = arith.constant 0 : i32
      %dma_wait3A_39 = tpu.memref_slice %arg9[%dma_wait3A_37, %dma_wait3A_38] : memref<512x64xf32, #tpu.memory_space<vmem>> -> memref<320x64xf32, #tpu.memory_space<vmem>>
      tpu.wait_dma2 semaphore(%run_scoped3A : memref<!tpu.dma_semaphore, #tpu.memory_space<semaphore_mem>>) src(%dma_wait3A_39 : memref<320x64xf32, #tpu.memory_space<vmem>>) dst(%dma_wait3A_36 : memref<320x64xf32, #tpu.memory_space<vmem_shared>>)
      tpu.yield
    }) : () -> ()
    %mul3A_5 = arith.constant 640 : i32
    %mul3A_6 = arith.muli %arg1, %mul3A_5 : i32
    %add3A_7 = arith.constant 320 : i32
    %add3A_8 = arith.addi %mul3A_6, %add3A_7 : i32
    "tpu.region"() ({
      %run_scoped3A = tpu.sem_alloc : memref<!tpu.dma_semaphore, #tpu.memory_space<semaphore_mem>>
      %dma_start3A = arith.constant 0 : i32
      %dma_start3A_22 = arith.constant 0 : i32
      %dma_start3A_23 = tpu.memref_slice %arg9[%dma_start3A, %dma_start3A_22] : memref<512x64xf32, #tpu.memory_space<vmem>> -> memref<320x64xf32, #tpu.memory_space<vmem>>
      %dma_start3A_24 = arith.constant 0 : i32
      %dma_start3A_25 = tpu.memref_slice %arg2[%add3A_8, %dma_start3A_24] : memref<10240x64xf32, #tpu.memory_space<hbm>> -> memref<320x64xf32, #tpu.memory_space<hbm>>
      %dma_start3A_26 = arith.constant 0 : i32
      %dma_start3A_27 = arith.constant 0 : i32
      %dma_start3A_28 = tpu.memref_slice %arg9[%dma_start3A_26, %dma_start3A_27] : memref<512x64xf32, #tpu.memory_space<vmem>> -> memref<320x64xf32, #tpu.memory_space<vmem>>
      %dma_start3A_29 = arith.constant 0 : i32
      %dma_start3A_30 = tpu.memref_slice %arg2[%add3A_8, %dma_start3A_29] : memref<10240x64xf32, #tpu.memory_space<hbm>> -> memref<320x64xf32, #tpu.memory_space<hbm>>
      tpu.enqueue_dma source(%dma_start3A_30 : memref<320x64xf32, #tpu.memory_space<hbm>>) target(%dma_start3A_28 : memref<320x64xf32, #tpu.memory_space<vmem>>) target_semaphore(%run_scoped3A : memref<!tpu.dma_semaphore, #tpu.memory_space<semaphore_mem>>)
      %dma_wait3A = arith.constant 0 : i32
      %dma_wait3A_31 = arith.constant 0 : i32
      %dma_wait3A_32 = tpu.memref_slice %arg9[%dma_wait3A, %dma_wait3A_31] : memref<512x64xf32, #tpu.memory_space<vmem>> -> memref<320x64xf32, #tpu.memory_space<vmem>>
      %dma_wait3A_33 = arith.constant 0 : i32
      %dma_wait3A_34 = tpu.memref_slice %arg2[%add3A_8, %dma_wait3A_33] : memref<10240x64xf32, #tpu.memory_space<hbm>> -> memref<320x64xf32, #tpu.memory_space<hbm>>
      %dma_wait3A_35 = arith.constant 0 : i32
      %dma_wait3A_36 = arith.constant 0 : i32
      %dma_wait3A_37 = tpu.memref_slice %arg9[%dma_wait3A_35, %dma_wait3A_36] : memref<512x64xf32, #tpu.memory_space<vmem>> -> memref<320x64xf32, #tpu.memory_space<vmem>>
      %dma_wait3A_38 = arith.constant 0 : i32
      %dma_wait3A_39 = tpu.memref_slice %arg2[%add3A_8, %dma_wait3A_38] : memref<10240x64xf32, #tpu.memory_space<hbm>> -> memref<320x64xf32, #tpu.memory_space<hbm>>
      tpu.wait_dma2 semaphore(%run_scoped3A : memref<!tpu.dma_semaphore, #tpu.memory_space<semaphore_mem>>) src(%dma_wait3A_39 : memref<320x64xf32, #tpu.memory_space<hbm>>) dst(%dma_wait3A_37 : memref<320x64xf32, #tpu.memory_space<vmem>>)
      tpu.yield
    }) : () -> ()
    "tpu.region"() ({
      %run_scoped3A = tpu.sem_alloc : memref<!tpu.dma_semaphore, #tpu.memory_space<semaphore_mem>>
      %dma_start3A = arith.constant 0 : i32
      %dma_start3A_22 = arith.constant 0 : i32
      %dma_start3A_23 = tpu.memref_slice %arg9[%dma_start3A, %dma_start3A_22] : memref<512x64xf32, #tpu.memory_space<vmem>> -> memref<320x64xf32, #tpu.memory_space<vmem>>
      %dma_start3A_24 = arith.constant 0 : i32
      %dma_start3A_25 = tpu.memref_slice %arg11[%add3A_8, %dma_start3A_24] : memref<10240x64xf32, #tpu.memory_space<vmem_shared>> -> memref<320x64xf32, #tpu.memory_space<vmem_shared>>
      %dma_start3A_26 = arith.constant 0 : i32
      %dma_start3A_27 = tpu.memref_slice %arg11[%add3A_8, %dma_start3A_26] : memref<10240x64xf32, #tpu.memory_space<vmem_shared>> -> memref<320x64xf32, #tpu.memory_space<vmem_shared>>
      %dma_start3A_28 = arith.constant 0 : i32
      %dma_start3A_29 = arith.constant 0 : i32
      %dma_start3A_30 = tpu.memref_slice %arg9[%dma_start3A_28, %dma_start3A_29] : memref<512x64xf32, #tpu.memory_space<vmem>> -> memref<320x64xf32, #tpu.memory_space<vmem>>
      tpu.enqueue_dma source(%dma_start3A_30 : memref<320x64xf32, #tpu.memory_space<vmem>>) target(%dma_start3A_27 : memref<320x64xf32, #tpu.memory_space<vmem_shared>>) target_semaphore(%run_scoped3A : memref<!tpu.dma_semaphore, #tpu.memory_space<semaphore_mem>>)
      %dma_wait3A = arith.constant 0 : i32
      %dma_wait3A_31 = arith.constant 0 : i32
      %dma_wait3A_32 = tpu.memref_slice %arg9[%dma_wait3A, %dma_wait3A_31] : memref<512x64xf32, #tpu.memory_space<vmem>> -> memref<320x64xf32, #tpu.memory_space<vmem>>
      %dma_wait3A_33 = arith.constant 0 : i32
      %dma_wait3A_34 = tpu.memref_slice %arg11[%add3A_8, %dma_wait3A_33] : memref<10240x64xf32, #tpu.memory_space<vmem_shared>> -> memref<320x64xf32, #tpu.memory_space<vmem_shared>>
      %dma_wait3A_35 = arith.constant 0 : i32
      %dma_wait3A_36 = tpu.memref_slice %arg11[%add3A_8, %dma_wait3A_35] : memref<10240x64xf32, #tpu.memory_space<vmem_shared>> -> memref<320x64xf32, #tpu.memory_space<vmem_shared>>
      %dma_wait3A_37 = arith.constant 0 : i32
      %dma_wait3A_38 = arith.constant 0 : i32
      %dma_wait3A_39 = tpu.memref_slice %arg9[%dma_wait3A_37, %dma_wait3A_38] : memref<512x64xf32, #tpu.memory_space<vmem>> -> memref<320x64xf32, #tpu.memory_space<vmem>>
      tpu.wait_dma2 semaphore(%run_scoped3A : memref<!tpu.dma_semaphore, #tpu.memory_space<semaphore_mem>>) src(%dma_wait3A_39 : memref<320x64xf32, #tpu.memory_space<vmem>>) dst(%dma_wait3A_36 : memref<320x64xf32, #tpu.memory_space<vmem_shared>>)
      tpu.yield
    }) : () -> ()
    "tpu.region"() ({
      %run_scoped3A = tpu.sem_alloc : memref<!tpu.dma_semaphore, #tpu.memory_space<semaphore_mem>>
      %dma_start3A = arith.constant 0 : i32
      %dma_start3A_22 = arith.constant 0 : i32
      %dma_start3A_23 = tpu.memref_slice %arg9[%dma_start3A, %dma_start3A_22] : memref<512x64xf32, #tpu.memory_space<vmem>> -> memref<320x64xf32, #tpu.memory_space<vmem>>
      %dma_start3A_24 = arith.constant 0 : i32
      %dma_start3A_25 = arith.constant 0 : i32
      %dma_start3A_26 = tpu.memref_slice %arg5[%dma_start3A_24, %dma_start3A_25] : memref<640x64xf32, #tpu.memory_space<hbm>> -> memref<320x64xf32, #tpu.memory_space<hbm>>
      %dma_start3A_27 = arith.constant 0 : i32
      %dma_start3A_28 = arith.constant 0 : i32
      %dma_start3A_29 = tpu.memref_slice %arg9[%dma_start3A_27, %dma_start3A_28] : memref<512x64xf32, #tpu.memory_space<vmem>> -> memref<320x64xf32, #tpu.memory_space<vmem>>
      %dma_start3A_30 = arith.constant 0 : i32
      %dma_start3A_31 = arith.constant 0 : i32
      %dma_start3A_32 = tpu.memref_slice %arg5[%dma_start3A_30, %dma_start3A_31] : memref<640x64xf32, #tpu.memory_space<hbm>> -> memref<320x64xf32, #tpu.memory_space<hbm>>
      tpu.enqueue_dma source(%dma_start3A_32 : memref<320x64xf32, #tpu.memory_space<hbm>>) target(%dma_start3A_29 : memref<320x64xf32, #tpu.memory_space<vmem>>) target_semaphore(%run_scoped3A : memref<!tpu.dma_semaphore, #tpu.memory_space<semaphore_mem>>)
      %dma_wait3A = arith.constant 0 : i32
      %dma_wait3A_33 = arith.constant 0 : i32
      %dma_wait3A_34 = tpu.memref_slice %arg9[%dma_wait3A, %dma_wait3A_33] : memref<512x64xf32, #tpu.memory_space<vmem>> -> memref<320x64xf32, #tpu.memory_space<vmem>>
      %dma_wait3A_35 = arith.constant 0 : i32
      %dma_wait3A_36 = arith.constant 0 : i32
      %dma_wait3A_37 = tpu.memref_slice %arg5[%dma_wait3A_35, %dma_wait3A_36] : memref<640x64xf32, #tpu.memory_space<hbm>> -> memref<320x64xf32, #tpu.memory_space<hbm>>
      %dma_wait3A_38 = arith.constant 0 : i32
      %dma_wait3A_39 = arith.constant 0 : i32
      %dma_wait3A_40 = tpu.memref_slice %arg9[%dma_wait3A_38, %dma_wait3A_39] : memref<512x64xf32, #tpu.memory_space<vmem>> -> memref<320x64xf32, #tpu.memory_space<vmem>>
      %dma_wait3A_41 = arith.constant 0 : i32
      %dma_wait3A_42 = arith.constant 0 : i32
      %dma_wait3A_43 = tpu.memref_slice %arg5[%dma_wait3A_41, %dma_wait3A_42] : memref<640x64xf32, #tpu.memory_space<hbm>> -> memref<320x64xf32, #tpu.memory_space<hbm>>
      tpu.wait_dma2 semaphore(%run_scoped3A : memref<!tpu.dma_semaphore, #tpu.memory_space<semaphore_mem>>) src(%dma_wait3A_43 : memref<320x64xf32, #tpu.memory_space<hbm>>) dst(%dma_wait3A_40 : memref<320x64xf32, #tpu.memory_space<vmem>>)
      tpu.yield
    }) : () -> ()
    "tpu.region"() ({
      %run_scoped3A = tpu.sem_alloc : memref<!tpu.dma_semaphore, #tpu.memory_space<semaphore_mem>>
      %dma_start3A = arith.constant 0 : i32
      %dma_start3A_22 = arith.constant 0 : i32
      %dma_start3A_23 = tpu.memref_slice %arg9[%dma_start3A, %dma_start3A_22] : memref<512x64xf32, #tpu.memory_space<vmem>> -> memref<320x64xf32, #tpu.memory_space<vmem>>
      %dma_start3A_24 = arith.constant 0 : i32
      %dma_start3A_25 = tpu.memref_slice %arg10[%add3A_8, %dma_start3A_24] : memref<10240x64xf32, #tpu.memory_space<vmem_shared>> -> memref<320x64xf32, #tpu.memory_space<vmem_shared>>
      %dma_start3A_26 = arith.constant 0 : i32
      %dma_start3A_27 = tpu.memref_slice %arg10[%add3A_8, %dma_start3A_26] : memref<10240x64xf32, #tpu.memory_space<vmem_shared>> -> memref<320x64xf32, #tpu.memory_space<vmem_shared>>
      %dma_start3A_28 = arith.constant 0 : i32
      %dma_start3A_29 = arith.constant 0 : i32
      %dma_start3A_30 = tpu.memref_slice %arg9[%dma_start3A_28, %dma_start3A_29] : memref<512x64xf32, #tpu.memory_space<vmem>> -> memref<320x64xf32, #tpu.memory_space<vmem>>
      tpu.enqueue_dma source(%dma_start3A_30 : memref<320x64xf32, #tpu.memory_space<vmem>>) target(%dma_start3A_27 : memref<320x64xf32, #tpu.memory_space<vmem_shared>>) target_semaphore(%run_scoped3A : memref<!tpu.dma_semaphore, #tpu.memory_space<semaphore_mem>>)
      %dma_wait3A = arith.constant 0 : i32
      %dma_wait3A_31 = arith.constant 0 : i32
      %dma_wait3A_32 = tpu.memref_slice %arg9[%dma_wait3A, %dma_wait3A_31] : memref<512x64xf32, #tpu.memory_space<vmem>> -> memref<320x64xf32, #tpu.memory_space<vmem>>
      %dma_wait3A_33 = arith.constant 0 : i32
      %dma_wait3A_34 = tpu.memref_slice %arg10[%add3A_8, %dma_wait3A_33] : memref<10240x64xf32, #tpu.memory_space<vmem_shared>> -> memref<320x64xf32, #tpu.memory_space<vmem_shared>>
      %dma_wait3A_35 = arith.constant 0 : i32
      %dma_wait3A_36 = tpu.memref_slice %arg10[%add3A_8, %dma_wait3A_35] : memref<10240x64xf32, #tpu.memory_space<vmem_shared>> -> memref<320x64xf32, #tpu.memory_space<vmem_shared>>
      %dma_wait3A_37 = arith.constant 0 : i32
      %dma_wait3A_38 = arith.constant 0 : i32
      %dma_wait3A_39 = tpu.memref_slice %arg9[%dma_wait3A_37, %dma_wait3A_38] : memref<512x64xf32, #tpu.memory_space<vmem>> -> memref<320x64xf32, #tpu.memory_space<vmem>>
      tpu.wait_dma2 semaphore(%run_scoped3A : memref<!tpu.dma_semaphore, #tpu.memory_space<semaphore_mem>>) src(%dma_wait3A_39 : memref<320x64xf32, #tpu.memory_space<vmem>>) dst(%dma_wait3A_36 : memref<320x64xf32, #tpu.memory_space<vmem_shared>>)
      tpu.yield
    }) : () -> ()
    %barrier3A = arith.constant 0 : index
    tpu.barrier barrier_id(%barrier3A)
    %scan3A = arith.constant 0 : i32
    %scan3A_9 = arith.constant 20 : i32
    %scan3A_10 = arith.addi %scan3A, %scan3A_9 : i32
    %scan3A_11 = arith.constant 1 : i32
    scf.for %scan3A_22 = %scan3A to %scan3A_10 step %scan3A_11  : i32 {
      %mul3A_23 = arith.constant 1 : i32
      %mul3A_24 = arith.muli %scan3A_22, %mul3A_23 : i32
      %add3A_25 = arith.constant 0 : i32
      %add3A_26 = arith.addi %add3A_25, %mul3A_24 : i32
      "tpu.region"() ({
        %run_scoped3A = tpu.sem_alloc : memref<!tpu.dma_semaphore, #tpu.memory_space<semaphore_mem>>
        %dma_start3A = arith.constant 0 : i32
        %dma_start3A_27 = tpu.memref_slice %arg3[%add3A, %add3A_26, %dma_start3A] : memref<32x20x512xi32, #tpu.memory_space<hbm>> -> memref<1x1x512xi32, #tpu.memory_space<hbm>>
        %dma_start3A_28 = tpu.memref_squeeze %dma_start3A_27 : memref<1x1x512xi32, #tpu.memory_space<hbm>> -> memref<512xi32, #tpu.memory_space<hbm>>
        %dma_start3A_29 = arith.constant 0 : i32
        %dma_start3A_30 = tpu.memref_slice %arg3[%add3A, %add3A_26, %dma_start3A_29] : memref<32x20x512xi32, #tpu.memory_space<hbm>> -> memref<1x1x512xi32, #tpu.memory_space<hbm>>
        %dma_start3A_31 = tpu.memref_squeeze %dma_start3A_30 : memref<1x1x512xi32, #tpu.memory_space<hbm>> -> memref<512xi32, #tpu.memory_space<hbm>>
        tpu.enqueue_dma source(%dma_start3A_31 : memref<512xi32, #tpu.memory_space<hbm>>) target(%arg7 : memref<512xi32, #tpu.memory_space<vmem>>) target_semaphore(%run_scoped3A : memref<!tpu.dma_semaphore, #tpu.memory_space<semaphore_mem>>)
        %dma_wait3A = arith.constant 0 : i32
        %dma_wait3A_32 = tpu.memref_slice %arg3[%add3A, %add3A_26, %dma_wait3A] : memref<32x20x512xi32, #tpu.memory_space<hbm>> -> memref<1x1x512xi32, #tpu.memory_space<hbm>>
        %dma_wait3A_33 = tpu.memref_squeeze %dma_wait3A_32 : memref<1x1x512xi32, #tpu.memory_space<hbm>> -> memref<512xi32, #tpu.memory_space<hbm>>
        %dma_wait3A_34 = arith.constant 0 : i32
        %dma_wait3A_35 = tpu.memref_slice %arg3[%add3A, %add3A_26, %dma_wait3A_34] : memref<32x20x512xi32, #tpu.memory_space<hbm>> -> memref<1x1x512xi32, #tpu.memory_space<hbm>>
        %dma_wait3A_36 = tpu.memref_squeeze %dma_wait3A_35 : memref<1x1x512xi32, #tpu.memory_space<hbm>> -> memref<512xi32, #tpu.memory_space<hbm>>
        tpu.wait_dma2 semaphore(%run_scoped3A : memref<!tpu.dma_semaphore, #tpu.memory_space<semaphore_mem>>) src(%dma_wait3A_36 : memref<512xi32, #tpu.memory_space<hbm>>) dst(%arg7 : memref<512xi32, #tpu.memory_space<vmem>>)
        tpu.yield
      }) : () -> ()
      "tpu.region"() ({
        %run_scoped3A = tpu.sem_alloc : memref<!tpu.dma_semaphore, #tpu.memory_space<semaphore_mem>>
        %dma_start3A = arith.constant 0 : i32
        %dma_start3A_27 = tpu.memref_slice %arg4[%add3A, %add3A_26, %dma_start3A] : memref<32x20x512xi32, #tpu.memory_space<hbm>> -> memref<1x1x512xi32, #tpu.memory_space<hbm>>
        %dma_start3A_28 = tpu.memref_squeeze %dma_start3A_27 : memref<1x1x512xi32, #tpu.memory_space<hbm>> -> memref<512xi32, #tpu.memory_space<hbm>>
        %dma_start3A_29 = arith.constant 0 : i32
        %dma_start3A_30 = tpu.memref_slice %arg4[%add3A, %add3A_26, %dma_start3A_29] : memref<32x20x512xi32, #tpu.memory_space<hbm>> -> memref<1x1x512xi32, #tpu.memory_space<hbm>>
        %dma_start3A_31 = tpu.memref_squeeze %dma_start3A_30 : memref<1x1x512xi32, #tpu.memory_space<hbm>> -> memref<512xi32, #tpu.memory_space<hbm>>
        tpu.enqueue_dma source(%dma_start3A_31 : memref<512xi32, #tpu.memory_space<hbm>>) target(%arg8 : memref<512xi32, #tpu.memory_space<vmem>>) target_semaphore(%run_scoped3A : memref<!tpu.dma_semaphore, #tpu.memory_space<semaphore_mem>>)
        %dma_wait3A = arith.constant 0 : i32
        %dma_wait3A_32 = tpu.memref_slice %arg4[%add3A, %add3A_26, %dma_wait3A] : memref<32x20x512xi32, #tpu.memory_space<hbm>> -> memref<1x1x512xi32, #tpu.memory_space<hbm>>
        %dma_wait3A_33 = tpu.memref_squeeze %dma_wait3A_32 : memref<1x1x512xi32, #tpu.memory_space<hbm>> -> memref<512xi32, #tpu.memory_space<hbm>>
        %dma_wait3A_34 = arith.constant 0 : i32
        %dma_wait3A_35 = tpu.memref_slice %arg4[%add3A, %add3A_26, %dma_wait3A_34] : memref<32x20x512xi32, #tpu.memory_space<hbm>> -> memref<1x1x512xi32, #tpu.memory_space<hbm>>
        %dma_wait3A_36 = tpu.memref_squeeze %dma_wait3A_35 : memref<1x1x512xi32, #tpu.memory_space<hbm>> -> memref<512xi32, #tpu.memory_space<hbm>>
        tpu.wait_dma2 semaphore(%run_scoped3A : memref<!tpu.dma_semaphore, #tpu.memory_space<semaphore_mem>>) src(%dma_wait3A_36 : memref<512xi32, #tpu.memory_space<hbm>>) dst(%arg8 : memref<512xi32, #tpu.memory_space<vmem>>)
        tpu.yield
      }) : () -> ()
      "tpu.region"() ({
        %run_scoped3A = tpu.sem_alloc : memref<!tpu.dma_semaphore, #tpu.memory_space<semaphore_mem>>
        %dma_start3A = arith.constant 0 : i32
        %dma_start3A_27 = arith.constant 0 : i32
        %dma_start3A_28 = tpu.memref_slice %arg11[%dma_start3A, %dma_start3A_27] : memref<10240x64xf32, #tpu.memory_space<vmem_shared>> -> memref<10240x64xf32, #tpu.memory_space<vmem_shared>>
        tpu.enqueue_indirect_dma source(%dma_start3A_28 : memref<10240x64xf32, #tpu.memory_space<vmem_shared>>) target(%arg9 : memref<512x64xf32, #tpu.memory_space<vmem>>) offsets(%arg7 : memref<512xi32, #tpu.memory_space<vmem>>) semaphore(%run_scoped3A : memref<!tpu.dma_semaphore, #tpu.memory_space<semaphore_mem>>)
        %dma_wait3A = arith.constant 0 : i32
        %dma_wait3A_29 = arith.constant 0 : i32
        %dma_wait3A_30 = tpu.memref_slice %arg11[%dma_wait3A, %dma_wait3A_29] : memref<10240x64xf32, #tpu.memory_space<vmem_shared>> -> memref<10240x64xf32, #tpu.memory_space<vmem_shared>>
        tpu.wait_indirect_dma semaphore(%run_scoped3A : memref<!tpu.dma_semaphore, #tpu.memory_space<semaphore_mem>>) src(%dma_wait3A_30 : memref<10240x64xf32, #tpu.memory_space<vmem_shared>>) dst(%arg9 : memref<512x64xf32, #tpu.memory_space<vmem>>)
        tpu.yield
      }) : () -> ()
      "tpu.region"() ({
        %run_scoped3A = tpu.sem_alloc : memref<!tpu.dma_semaphore, #tpu.memory_space<semaphore_mem>>
        %dma_start3A = arith.constant 0 : i32
        %dma_start3A_27 = arith.constant 0 : i32
        %dma_start3A_28 = tpu.memref_slice %arg10[%dma_start3A, %dma_start3A_27] : memref<10240x64xf32, #tpu.memory_space<vmem_shared>> -> memref<10240x64xf32, #tpu.memory_space<vmem_shared>>
        tpu.enqueue_indirect_dma source(%arg9 : memref<512x64xf32, #tpu.memory_space<vmem>>) target(%dma_start3A_28 : memref<10240x64xf32, #tpu.memory_space<vmem_shared>>) offsets(%arg8 : memref<512xi32, #tpu.memory_space<vmem>>) semaphore(%run_scoped3A : memref<!tpu.dma_semaphore, #tpu.memory_space<semaphore_mem>>) {add = true}
        %dma_wait3A = arith.constant 0 : i32
        %dma_wait3A_29 = arith.constant 0 : i32
        %dma_wait3A_30 = tpu.memref_slice %arg10[%dma_wait3A, %dma_wait3A_29] : memref<10240x64xf32, #tpu.memory_space<vmem_shared>> -> memref<10240x64xf32, #tpu.memory_space<vmem_shared>>
        tpu.wait_indirect_dma semaphore(%run_scoped3A : memref<!tpu.dma_semaphore, #tpu.memory_space<semaphore_mem>>) src(%arg9 : memref<512x64xf32, #tpu.memory_space<vmem>>) dst(%dma_wait3A_30 : memref<10240x64xf32, #tpu.memory_space<vmem_shared>>)
        tpu.yield
      }) : () -> ()
    }
    %scan3A_12 = arith.constant 20 : i32
    %barrier3A_13 = arith.constant 0 : index
    tpu.barrier barrier_id(%barrier3A_13)
    %mul3A_14 = arith.constant 640 : i32
    %mul3A_15 = arith.muli %arg1, %mul3A_14 : i32
    %add3A_16 = arith.constant 0 : i32
    %add3A_17 = arith.addi %mul3A_15, %add3A_16 : i32
    "tpu.region"() ({
      %run_scoped3A = tpu.sem_alloc : memref<!tpu.dma_semaphore, #tpu.memory_space<semaphore_mem>>
      %dma_start3A = arith.constant 0 : i32
      %dma_start3A_22 = arith.constant 0 : i32
      %dma_start3A_23 = tpu.memref_slice %arg9[%dma_start3A, %dma_start3A_22] : memref<512x64xf32, #tpu.memory_space<vmem>> -> memref<320x64xf32, #tpu.memory_space<vmem>>
      %dma_start3A_24 = arith.constant 0 : i32
      %dma_start3A_25 = tpu.memref_slice %arg10[%add3A_17, %dma_start3A_24] : memref<10240x64xf32, #tpu.memory_space<vmem_shared>> -> memref<320x64xf32, #tpu.memory_space<vmem_shared>>
      %dma_start3A_26 = arith.constant 0 : i32
      %dma_start3A_27 = arith.constant 0 : i32
      %dma_start3A_28 = tpu.memref_slice %arg9[%dma_start3A_26, %dma_start3A_27] : memref<512x64xf32, #tpu.memory_space<vmem>> -> memref<320x64xf32, #tpu.memory_space<vmem>>
      %dma_start3A_29 = arith.constant 0 : i32
      %dma_start3A_30 = tpu.memref_slice %arg10[%add3A_17, %dma_start3A_29] : memref<10240x64xf32, #tpu.memory_space<vmem_shared>> -> memref<320x64xf32, #tpu.memory_space<vmem_shared>>
      tpu.enqueue_dma source(%dma_start3A_30 : memref<320x64xf32, #tpu.memory_space<vmem_shared>>) target(%dma_start3A_28 : memref<320x64xf32, #tpu.memory_space<vmem>>) target_semaphore(%run_scoped3A : memref<!tpu.dma_semaphore, #tpu.memory_space<semaphore_mem>>)
      %dma_wait3A = arith.constant 0 : i32
      %dma_wait3A_31 = arith.constant 0 : i32
      %dma_wait3A_32 = tpu.memref_slice %arg9[%dma_wait3A, %dma_wait3A_31] : memref<512x64xf32, #tpu.memory_space<vmem>> -> memref<320x64xf32, #tpu.memory_space<vmem>>
      %dma_wait3A_33 = arith.constant 0 : i32
      %dma_wait3A_34 = tpu.memref_slice %arg10[%add3A_17, %dma_wait3A_33] : memref<10240x64xf32, #tpu.memory_space<vmem_shared>> -> memref<320x64xf32, #tpu.memory_space<vmem_shared>>
      %dma_wait3A_35 = arith.constant 0 : i32
      %dma_wait3A_36 = arith.constant 0 : i32
      %dma_wait3A_37 = tpu.memref_slice %arg9[%dma_wait3A_35, %dma_wait3A_36] : memref<512x64xf32, #tpu.memory_space<vmem>> -> memref<320x64xf32, #tpu.memory_space<vmem>>
      %dma_wait3A_38 = arith.constant 0 : i32
      %dma_wait3A_39 = tpu.memref_slice %arg10[%add3A_17, %dma_wait3A_38] : memref<10240x64xf32, #tpu.memory_space<vmem_shared>> -> memref<320x64xf32, #tpu.memory_space<vmem_shared>>
      tpu.wait_dma2 semaphore(%run_scoped3A : memref<!tpu.dma_semaphore, #tpu.memory_space<semaphore_mem>>) src(%dma_wait3A_39 : memref<320x64xf32, #tpu.memory_space<vmem_shared>>) dst(%dma_wait3A_37 : memref<320x64xf32, #tpu.memory_space<vmem>>)
      tpu.yield
    }) : () -> ()
    "tpu.region"() ({
      %run_scoped3A = tpu.sem_alloc : memref<!tpu.dma_semaphore, #tpu.memory_space<semaphore_mem>>
      %dma_start3A = arith.constant 0 : i32
      %dma_start3A_22 = arith.constant 0 : i32
      %dma_start3A_23 = tpu.memref_slice %arg9[%dma_start3A, %dma_start3A_22] : memref<512x64xf32, #tpu.memory_space<vmem>> -> memref<320x64xf32, #tpu.memory_space<vmem>>
      %dma_start3A_24 = arith.constant 0 : i32
      %dma_start3A_25 = tpu.memref_slice %arg6[%arg0, %add3A_17, %dma_start3A_24] : memref<2x10240x64xf32, #tpu.memory_space<hbm>> -> memref<1x320x64xf32, #tpu.memory_space<hbm>>
      %dma_start3A_26 = tpu.memref_squeeze %dma_start3A_25 : memref<1x320x64xf32, #tpu.memory_space<hbm>> -> memref<320x64xf32, #tpu.memory_space<hbm>>
      %dma_start3A_27 = arith.constant 0 : i32
      %dma_start3A_28 = tpu.memref_slice %arg6[%arg0, %add3A_17, %dma_start3A_27] : memref<2x10240x64xf32, #tpu.memory_space<hbm>> -> memref<1x320x64xf32, #tpu.memory_space<hbm>>
      %dma_start3A_29 = tpu.memref_squeeze %dma_start3A_28 : memref<1x320x64xf32, #tpu.memory_space<hbm>> -> memref<320x64xf32, #tpu.memory_space<hbm>>
      %dma_start3A_30 = arith.constant 0 : i32
      %dma_start3A_31 = arith.constant 0 : i32
      %dma_start3A_32 = tpu.memref_slice %arg9[%dma_start3A_30, %dma_start3A_31] : memref<512x64xf32, #tpu.memory_space<vmem>> -> memref<320x64xf32, #tpu.memory_space<vmem>>
      tpu.enqueue_dma source(%dma_start3A_32 : memref<320x64xf32, #tpu.memory_space<vmem>>) target(%dma_start3A_29 : memref<320x64xf32, #tpu.memory_space<hbm>>) target_semaphore(%run_scoped3A : memref<!tpu.dma_semaphore, #tpu.memory_space<semaphore_mem>>)
      %dma_wait3A = arith.constant 0 : i32
      %dma_wait3A_33 = arith.constant 0 : i32
      %dma_wait3A_34 = tpu.memref_slice %arg9[%dma_wait3A, %dma_wait3A_33] : memref<512x64xf32, #tpu.memory_space<vmem>> -> memref<320x64xf32, #tpu.memory_space<vmem>>
      %dma_wait3A_35 = arith.constant 0 : i32
      %dma_wait3A_36 = tpu.memref_slice %arg6[%arg0, %add3A_17, %dma_wait3A_35] : memref<2x10240x64xf32, #tpu.memory_space<hbm>> -> memref<1x320x64xf32, #tpu.memory_space<hbm>>
      %dma_wait3A_37 = tpu.memref_squeeze %dma_wait3A_36 : memref<1x320x64xf32, #tpu.memory_space<hbm>> -> memref<320x64xf32, #tpu.memory_space<hbm>>
      %dma_wait3A_38 = arith.constant 0 : i32
      %dma_wait3A_39 = tpu.memref_slice %arg6[%arg0, %add3A_17, %dma_wait3A_38] : memref<2x10240x64xf32, #tpu.memory_space<hbm>> -> memref<1x320x64xf32, #tpu.memory_space<hbm>>
      %dma_wait3A_40 = tpu.memref_squeeze %dma_wait3A_39 : memref<1x320x64xf32, #tpu.memory_space<hbm>> -> memref<320x64xf32, #tpu.memory_space<hbm>>
      %dma_wait3A_41 = arith.constant 0 : i32
      %dma_wait3A_42 = arith.constant 0 : i32
      %dma_wait3A_43 = tpu.memref_slice %arg9[%dma_wait3A_41, %dma_wait3A_42] : memref<512x64xf32, #tpu.memory_space<vmem>> -> memref<320x64xf32, #tpu.memory_space<vmem>>
      tpu.wait_dma2 semaphore(%run_scoped3A : memref<!tpu.dma_semaphore, #tpu.memory_space<semaphore_mem>>) src(%dma_wait3A_43 : memref<320x64xf32, #tpu.memory_space<vmem>>) dst(%dma_wait3A_40 : memref<320x64xf32, #tpu.memory_space<hbm>>)
      tpu.yield
    }) : () -> ()
    %mul3A_18 = arith.constant 640 : i32
    %mul3A_19 = arith.muli %arg1, %mul3A_18 : i32
    %add3A_20 = arith.constant 320 : i32
    %add3A_21 = arith.addi %mul3A_19, %add3A_20 : i32
    "tpu.region"() ({
      %run_scoped3A = tpu.sem_alloc : memref<!tpu.dma_semaphore, #tpu.memory_space<semaphore_mem>>
      %dma_start3A = arith.constant 0 : i32
      %dma_start3A_22 = arith.constant 0 : i32
      %dma_start3A_23 = tpu.memref_slice %arg9[%dma_start3A, %dma_start3A_22] : memref<512x64xf32, #tpu.memory_space<vmem>> -> memref<320x64xf32, #tpu.memory_space<vmem>>
      %dma_start3A_24 = arith.constant 0 : i32
      %dma_start3A_25 = tpu.memref_slice %arg10[%add3A_21, %dma_start3A_24] : memref<10240x64xf32, #tpu.memory_space<vmem_shared>> -> memref<320x64xf32, #tpu.memory_space<vmem_shared>>
      %dma_start3A_26 = arith.constant 0 : i32
      %dma_start3A_27 = arith.constant 0 : i32
      %dma_start3A_28 = tpu.memref_slice %arg9[%dma_start3A_26, %dma_start3A_27] : memref<512x64xf32, #tpu.memory_space<vmem>> -> memref<320x64xf32, #tpu.memory_space<vmem>>
      %dma_start3A_29 = arith.constant 0 : i32
      %dma_start3A_30 = tpu.memref_slice %arg10[%add3A_21, %dma_start3A_29] : memref<10240x64xf32, #tpu.memory_space<vmem_shared>> -> memref<320x64xf32, #tpu.memory_space<vmem_shared>>
      tpu.enqueue_dma source(%dma_start3A_30 : memref<320x64xf32, #tpu.memory_space<vmem_shared>>) target(%dma_start3A_28 : memref<320x64xf32, #tpu.memory_space<vmem>>) target_semaphore(%run_scoped3A : memref<!tpu.dma_semaphore, #tpu.memory_space<semaphore_mem>>)
      %dma_wait3A = arith.constant 0 : i32
      %dma_wait3A_31 = arith.constant 0 : i32
      %dma_wait3A_32 = tpu.memref_slice %arg9[%dma_wait3A, %dma_wait3A_31] : memref<512x64xf32, #tpu.memory_space<vmem>> -> memref<320x64xf32, #tpu.memory_space<vmem>>
      %dma_wait3A_33 = arith.constant 0 : i32
      %dma_wait3A_34 = tpu.memref_slice %arg10[%add3A_21, %dma_wait3A_33] : memref<10240x64xf32, #tpu.memory_space<vmem_shared>> -> memref<320x64xf32, #tpu.memory_space<vmem_shared>>
      %dma_wait3A_35 = arith.constant 0 : i32
      %dma_wait3A_36 = arith.constant 0 : i32
      %dma_wait3A_37 = tpu.memref_slice %arg9[%dma_wait3A_35, %dma_wait3A_36] : memref<512x64xf32, #tpu.memory_space<vmem>> -> memref<320x64xf32, #tpu.memory_space<vmem>>
      %dma_wait3A_38 = arith.constant 0 : i32
      %dma_wait3A_39 = tpu.memref_slice %arg10[%add3A_21, %dma_wait3A_38] : memref<10240x64xf32, #tpu.memory_space<vmem_shared>> -> memref<320x64xf32, #tpu.memory_space<vmem_shared>>
      tpu.wait_dma2 semaphore(%run_scoped3A : memref<!tpu.dma_semaphore, #tpu.memory_space<semaphore_mem>>) src(%dma_wait3A_39 : memref<320x64xf32, #tpu.memory_space<vmem_shared>>) dst(%dma_wait3A_37 : memref<320x64xf32, #tpu.memory_space<vmem>>)
      tpu.yield
    }) : () -> ()
    "tpu.region"() ({
      %run_scoped3A = tpu.sem_alloc : memref<!tpu.dma_semaphore, #tpu.memory_space<semaphore_mem>>
      %dma_start3A = arith.constant 0 : i32
      %dma_start3A_22 = arith.constant 0 : i32
      %dma_start3A_23 = tpu.memref_slice %arg9[%dma_start3A, %dma_start3A_22] : memref<512x64xf32, #tpu.memory_space<vmem>> -> memref<320x64xf32, #tpu.memory_space<vmem>>
      %dma_start3A_24 = arith.constant 0 : i32
      %dma_start3A_25 = tpu.memref_slice %arg6[%arg0, %add3A_21, %dma_start3A_24] : memref<2x10240x64xf32, #tpu.memory_space<hbm>> -> memref<1x320x64xf32, #tpu.memory_space<hbm>>
      %dma_start3A_26 = tpu.memref_squeeze %dma_start3A_25 : memref<1x320x64xf32, #tpu.memory_space<hbm>> -> memref<320x64xf32, #tpu.memory_space<hbm>>
      %dma_start3A_27 = arith.constant 0 : i32
      %dma_start3A_28 = tpu.memref_slice %arg6[%arg0, %add3A_21, %dma_start3A_27] : memref<2x10240x64xf32, #tpu.memory_space<hbm>> -> memref<1x320x64xf32, #tpu.memory_space<hbm>>
      %dma_start3A_29 = tpu.memref_squeeze %dma_start3A_28 : memref<1x320x64xf32, #tpu.memory_space<hbm>> -> memref<320x64xf32, #tpu.memory_space<hbm>>
      %dma_start3A_30 = arith.constant 0 : i32
      %dma_start3A_31 = arith.constant 0 : i32
      %dma_start3A_32 = tpu.memref_slice %arg9[%dma_start3A_30, %dma_start3A_31] : memref<512x64xf32, #tpu.memory_space<vmem>> -> memref<320x64xf32, #tpu.memory_space<vmem>>
      tpu.enqueue_dma source(%dma_start3A_32 : memref<320x64xf32, #tpu.memory_space<vmem>>) target(%dma_start3A_29 : memref<320x64xf32, #tpu.memory_space<hbm>>) target_semaphore(%run_scoped3A : memref<!tpu.dma_semaphore, #tpu.memory_space<semaphore_mem>>)
      %dma_wait3A = arith.constant 0 : i32
      %dma_wait3A_33 = arith.constant 0 : i32
      %dma_wait3A_34 = tpu.memref_slice %arg9[%dma_wait3A, %dma_wait3A_33] : memref<512x64xf32, #tpu.memory_space<vmem>> -> memref<320x64xf32, #tpu.memory_space<vmem>>
      %dma_wait3A_35 = arith.constant 0 : i32
      %dma_wait3A_36 = tpu.memref_slice %arg6[%arg0, %add3A_21, %dma_wait3A_35] : memref<2x10240x64xf32, #tpu.memory_space<hbm>> -> memref<1x320x64xf32, #tpu.memory_space<hbm>>
      %dma_wait3A_37 = tpu.memref_squeeze %dma_wait3A_36 : memref<1x320x64xf32, #tpu.memory_space<hbm>> -> memref<320x64xf32, #tpu.memory_space<hbm>>
      %dma_wait3A_38 = arith.constant 0 : i32
      %dma_wait3A_39 = tpu.memref_slice %arg6[%arg0, %add3A_21, %dma_wait3A_38] : memref<2x10240x64xf32, #tpu.memory_space<hbm>> -> memref<1x320x64xf32, #tpu.memory_space<hbm>>
      %dma_wait3A_40 = tpu.memref_squeeze %dma_wait3A_39 : memref<1x320x64xf32, #tpu.memory_space<hbm>> -> memref<320x64xf32, #tpu.memory_space<hbm>>
      %dma_wait3A_41 = arith.constant 0 : i32
      %dma_wait3A_42 = arith.constant 0 : i32
      %dma_wait3A_43 = tpu.memref_slice %arg9[%dma_wait3A_41, %dma_wait3A_42] : memref<512x64xf32, #tpu.memory_space<vmem>> -> memref<320x64xf32, #tpu.memory_space<vmem>>
      tpu.wait_dma2 semaphore(%run_scoped3A : memref<!tpu.dma_semaphore, #tpu.memory_space<semaphore_mem>>) src(%dma_wait3A_43 : memref<320x64xf32, #tpu.memory_space<vmem>>) dst(%dma_wait3A_40 : memref<320x64xf32, #tpu.memory_space<hbm>>)
      tpu.yield
    }) : () -> ()
    return
  }
}

module attributes {stable_mosaic.version = 14 : i64} {
  func.func @body(%arg0: memref<10240x128xf32, #tpu.memory_space<vmem>>, %arg1: memref<128x64xf32, #tpu.memory_space<vmem>>, %arg2: memref<10240x64xf32, #tpu.memory_space<vmem>>) attributes {dimension_semantics = [], scalar_prefetch = 0 : i64, scratch_operands = 0 : i64, tpu.core_type = #tpu.core_type<tc>} {
    %get3A = arith.constant 0 : index
    %get3A_0 = arith.constant 0 : index
    %get3A_1 = vector.load %arg0[%get3A, %get3A_0] : memref<10240x128xf32, #tpu.memory_space<vmem>>, vector<10240x128xf32>
    %get3A_2 = arith.constant 0 : index
    %get3A_3 = arith.constant 0 : index
    %get3A_4 = vector.load %arg1[%get3A_2, %get3A_3] : memref<128x64xf32, #tpu.memory_space<vmem>>, vector<128x64xf32>
    %dot_general3A = arith.constant dense<0.000000e+00> : vector<10240x64xf32>
    %dot_general3A_5 = tpu.matmul %get3A_1, %get3A_4, %dot_general3A {dimension_numbers = #tpu.dot_dimension_numbers<[1], [0], [0], [1], [0, 0, 1, 1], [], []>, transpose_lhs_hint = false} : vector<10240x128xf32>, vector<128x64xf32>, vector<10240x64xf32> -> vector<10240x64xf32>
    %swap3A = arith.constant 0 : index
    %swap3A_6 = arith.constant 0 : index
    %swap3A_7 = vector.load %arg2[%swap3A, %swap3A_6] : memref<10240x64xf32, #tpu.memory_space<vmem>>, vector<10240x64xf32>
    tpu.vector_store %arg2[%swap3A, %swap3A_6], %dot_general3A_5 {strides = array<i32>} : memref<10240x64xf32, #tpu.memory_space<vmem>>, vector<10240x64xf32>,
    return
  }
}

module attributes {stable_mosaic.version = 14 : i64} {
  func.func @body(%arg0: memref<2xf32, #tpu.memory_space<smem>>, %arg1: memref<10240x64xf32, #tpu.memory_space<vmem>>, %arg2: memref<2x10240x64xf32, #tpu.memory_space<vmem>>, %arg3: memref<1x64xf32, #tpu.memory_space<vmem>>, %arg4: memref<64x1xf32, #tpu.memory_space<vmem>>, %arg5: memref<64x64xf32, #tpu.memory_space<vmem>>, %arg6: memref<10240x64xf32, #tpu.memory_space<vmem>>, %arg7: memref<32x64xf32, #tpu.memory_space<vmem>>, %arg8: memref<10240x64xf32, #tpu.memory_space<vmem>>) attributes {dimension_semantics = [], scalar_prefetch = 0 : i64, scratch_operands = 1 : i64, tpu.core_type = #tpu.core_type<tc>} {
    %get3A = arith.constant 0 : index
    %get3A_0 = memref.load %arg0[%get3A] : memref<2xf32, #tpu.memory_space<smem>>
    %get3A_1 = arith.constant 1 : index
    %get3A_2 = memref.load %arg0[%get3A_1] : memref<2xf32, #tpu.memory_space<smem>>
    %get3A_3 = arith.constant 0 : index
    %get3A_4 = arith.constant 0 : index
    %get3A_5 = vector.load %arg1[%get3A_3, %get3A_4] : memref<10240x64xf32, #tpu.memory_space<vmem>>, vector<10240x64xf32>
    %mul3A = vector.broadcast %get3A_0 : f32 to vector<10240x64xf32>
    %mul3A_6 = arith.mulf %mul3A, %get3A_5 : vector<10240x64xf32>
    %get3A_7 = arith.constant 0 : index
    %get3A_8 = arith.constant 0 : index
    %get3A_9 = arith.constant 0 : index
    %get3A_10 = vector.load %arg2[%get3A_7, %get3A_8, %get3A_9] : memref<2x10240x64xf32, #tpu.memory_space<vmem>>, vector<1x10240x64xf32>
    %get3A_11 = vector.shape_cast %get3A_10 : vector<1x10240x64xf32> to vector<10240x64xf32>
    %add3A = arith.addf %mul3A_6, %get3A_11 : vector<10240x64xf32>
    %get3A_12 = arith.constant 1 : index
    %get3A_13 = arith.constant 0 : index
    %get3A_14 = arith.constant 0 : index
    %get3A_15 = vector.load %arg2[%get3A_12, %get3A_13, %get3A_14] : memref<2x10240x64xf32, #tpu.memory_space<vmem>>, vector<1x10240x64xf32>
    %get3A_16 = vector.shape_cast %get3A_15 : vector<1x10240x64xf32> to vector<10240x64xf32>
    %add3A_17 = arith.addf %add3A, %get3A_16 : vector<10240x64xf32>
    %get3A_18 = arith.constant 0 : index
    %get3A_19 = arith.constant 0 : index
    %get3A_20 = vector.load %arg3[%get3A_18, %get3A_19] : memref<1x64xf32, #tpu.memory_space<vmem>>, vector<1x64xf32>
    %add3A_21 = vector.broadcast %get3A_20 : vector<1x64xf32> to vector<10240x64xf32>
    %add3A_22 = arith.addf %add3A_17, %add3A_21 : vector<10240x64xf32>
    %max3A = arith.constant 0.000000e+00 : f32
    %max3A_23 = vector.broadcast %max3A : f32 to vector<10240x64xf32>
    %max3A_24 = arith.maximumf %add3A_22, %max3A_23 : vector<10240x64xf32>
    %swap3A = arith.constant 0 : index
    %swap3A_25 = arith.constant 0 : index
    %swap3A_26 = vector.load %arg8[%swap3A, %swap3A_25] : memref<10240x64xf32, #tpu.memory_space<vmem>>, vector<10240x64xf32>
    tpu.vector_store %arg8[%swap3A, %swap3A_25], %max3A_24 {strides = array<i32>} : memref<10240x64xf32, #tpu.memory_space<vmem>>, vector<10240x64xf32>,
    %get3A_27 = arith.constant 0 : index
    %get3A_28 = arith.constant 0 : index
    %get3A_29 = vector.load %arg5[%get3A_27, %get3A_28] : memref<64x64xf32, #tpu.memory_space<vmem>>, vector<64x64xf32>
    %dot_general3A = arith.constant dense<0.000000e+00> : vector<10240x64xf32>
    %dot_general3A_30 = tpu.matmul %max3A_24, %get3A_29, %dot_general3A {dimension_numbers = #tpu.dot_dimension_numbers<[1], [0], [0], [1], [0, 0, 1, 1], [], []>, transpose_lhs_hint = false} : vector<10240x64xf32>, vector<64x64xf32>, vector<10240x64xf32> -> vector<10240x64xf32>
    %swap3A_31 = arith.constant 0 : index
    %swap3A_32 = arith.constant 0 : index
    %swap3A_33 = vector.load %arg6[%swap3A_31, %swap3A_32] : memref<10240x64xf32, #tpu.memory_space<vmem>>, vector<10240x64xf32>
    tpu.vector_store %arg6[%swap3A_31, %swap3A_32], %dot_general3A_30 {strides = array<i32>} : memref<10240x64xf32, #tpu.memory_space<vmem>>, vector<10240x64xf32>,
    %get3A_34 = arith.constant 0 : index
    %get3A_35 = arith.constant 0 : index
    %get3A_36 = vector.load %arg4[%get3A_34, %get3A_35] : memref<64x1xf32, #tpu.memory_space<vmem>>, vector<64x1xf32>
    %dot_general3A_37 = arith.constant dense<0.000000e+00> : vector<10240x1xf32>
    %dot_general3A_38 = tpu.matmul %max3A_24, %get3A_36, %dot_general3A_37 {dimension_numbers = #tpu.dot_dimension_numbers<[1], [0], [0], [1], [0, 0, 1, 1], [], []>, transpose_lhs_hint = false} : vector<10240x64xf32>, vector<64x1xf32>, vector<10240x1xf32> -> vector<10240x1xf32>
    %add3A_39 = vector.broadcast %get3A_2 : f32 to vector<10240x1xf32>
    %add3A_40 = arith.addf %dot_general3A_38, %add3A_39 : vector<10240x1xf32>
    %tanh3A = math.tanh %add3A_40 : vector<10240x1xf32>
    %reshape3A = vector.shape_cast %tanh3A : vector<10240x1xf32> to vector<80x128xf32>
    %iota3A = tpu.iota {dimensions = array<i32: 0>} : vector<80x128xi32>
    %iota3A_41 = tpu.iota {dimensions = array<i32: 1>} : vector<80x128xi32>
    %mul3A_42 = arith.constant 128 : i32
    %mul3A_43 = vector.broadcast %mul3A_42 : i32 to vector<80x128xi32>
    %mul3A_44 = arith.muli %iota3A, %mul3A_43 : vector<80x128xi32>
    %add3A_45 = arith.addi %mul3A_44, %iota3A_41 : vector<80x128xi32>
    %lt3A = arith.constant 10000 : i32
    %lt3A_46 = vector.broadcast %lt3A : i32 to vector<80x128xi32>
    %lt3A_47 = arith.cmpi slt, %add3A_45, %lt3A_46 : vector<80x128xi32>
    %jit3A = arith.constant -3.000000e+38 : f32
    %broadcast_in_dim3A = vector.broadcast %jit3A : f32 to vector<80x128xf32>
    %select_n3A = arith.select %lt3A_47, %reshape3A, %broadcast_in_dim3A : vector<80x128xi1>, vector<80x128xf32>
    %scan3A = arith.constant 0 : i32
    %scan3A_48 = arith.constant 32 : i32
    %scan3A_49 = arith.addi %scan3A, %scan3A_48 : i32
    %scan3A_50 = arith.constant 1 : i32
    %scan3A_51 = scf.for %scan3A_53 = %scan3A to %scan3A_49 step %scan3A_50 iter_args(%scan3A_54 = %select_n3A) -> (vector<80x128xf32>)  : i32 {
      %reduce_max3A = vector.shape_cast %scan3A_54 : vector<80x128xf32> to vector<1x80x128xf32>
      %reduce_max3A_55 = arith.constant dense<0xFF800000> : vector<1xf32>
      %reduce_max3A_56 = vector.multi_reduction <maximumf>, %reduce_max3A, %reduce_max3A_55 [1, 2] : vector<1x80x128xf32> to vector<1xf32>
      %reduce_max3A_57 = vector.shape_cast %reduce_max3A_56 : vector<1xf32> to vector<1x1x1xf32>
      %reduce_max3A_58 = vector.extract %reduce_max3A_57[0, 0, 0] : f32 from vector<1x1x1xf32>
      %eq3A = vector.broadcast %reduce_max3A_58 : f32 to vector<80x128xf32>
      %eq3A_59 = arith.cmpf oeq, %scan3A_54, %eq3A : vector<80x128xf32>
      %jit3A_60 = arith.constant 1073741824 : i32
      %broadcast_in_dim3A_61 = vector.broadcast %jit3A_60 : i32 to vector<80x128xi32>
      %select_n3A_62 = arith.select %eq3A_59, %add3A_45, %broadcast_in_dim3A_61 : vector<80x128xi1>, vector<80x128xi32>
      %reduce_min3A = vector.shape_cast %select_n3A_62 : vector<80x128xi32> to vector<1x80x128xi32>
      %reduce_min3A_63 = arith.constant dense<2147483647> : vector<1xi32>
      %reduce_min3A_64 = vector.multi_reduction <minsi>, %reduce_min3A, %reduce_min3A_63 [1, 2] : vector<1x80x128xi32> to vector<1xi32>
      %reduce_min3A_65 = vector.shape_cast %reduce_min3A_64 : vector<1xi32> to vector<1x1x1xi32>
      %reduce_min3A_66 = vector.extract %reduce_min3A_65[0, 0, 0] : i32 from vector<1x1x1xi32>
      %get3A_67 = arith.index_cast %reduce_min3A_66 : i32 to index
      %get3A_68 = arith.constant 0 : index
      %get3A_69 = vector.load %arg8[%get3A_67, %get3A_68] : memref<10240x64xf32, #tpu.memory_space<vmem>>, vector<1x64xf32>
      %mul3A_70 = vector.broadcast %reduce_max3A_58 : f32 to vector<1x64xf32>
      %mul3A_71 = arith.mulf %get3A_69, %mul3A_70 : vector<1x64xf32>
      %swap3A_72 = arith.index_cast %scan3A_53 : i32 to index
      %swap3A_73 = arith.constant 0 : index
      %swap3A_74 = vector.load %arg7[%swap3A_72, %swap3A_73] : memref<32x64xf32, #tpu.memory_space<vmem>>, vector<1x64xf32>
      tpu.vector_store %arg7[%swap3A_72, %swap3A_73], %mul3A_71 {strides = array<i32>} : memref<32x64xf32, #tpu.memory_space<vmem>>, vector<1x64xf32>,
      %eq3A_75 = vector.broadcast %reduce_min3A_66 : i32 to vector<80x128xi32>
      %eq3A_76 = arith.cmpi eq, %add3A_45, %eq3A_75 : vector<80x128xi32>
      %jit3A_77 = arith.constant -3.000000e+38 : f32
      %broadcast_in_dim3A_78 = vector.broadcast %jit3A_77 : f32 to vector<80x128xf32>
      %select_n3A_79 = arith.select %eq3A_76, %broadcast_in_dim3A_78, %scan3A_54 : vector<80x128xi1>, vector<80x128xf32>
      scf.yield %select_n3A_79 : vector<80x128xf32>
    }
    %scan3A_52 = arith.constant 32 : i32
    return
  }
}

module attributes {stable_mosaic.version = 14 : i64} {
  func.func @body(%arg0: memref<2xf32, #tpu.memory_space<smem>>, %arg1: memref<10240x64xf32, #tpu.memory_space<vmem>>, %arg2: memref<2x10240x64xf32, #tpu.memory_space<vmem>>, %arg3: memref<1x64xf32, #tpu.memory_space<vmem>>, %arg4: memref<64x1xf32, #tpu.memory_space<vmem>>, %arg5: memref<32x64xf32, #tpu.memory_space<vmem>>, %arg6: memref<10240x64xf32, #tpu.memory_space<vmem>>) attributes {dimension_semantics = [], scalar_prefetch = 0 : i64, scratch_operands = 1 : i64, tpu.core_type = #tpu.core_type<tc>} {
    %get3A = arith.constant 0 : index
    %get3A_0 = memref.load %arg0[%get3A] : memref<2xf32, #tpu.memory_space<smem>>
    %get3A_1 = arith.constant 1 : index
    %get3A_2 = memref.load %arg0[%get3A_1] : memref<2xf32, #tpu.memory_space<smem>>
    %get3A_3 = arith.constant 0 : index
    %get3A_4 = arith.constant 0 : index
    %get3A_5 = vector.load %arg1[%get3A_3, %get3A_4] : memref<10240x64xf32, #tpu.memory_space<vmem>>, vector<10240x64xf32>
    %mul3A = vector.broadcast %get3A_0 : f32 to vector<10240x64xf32>
    %mul3A_6 = arith.mulf %mul3A, %get3A_5 : vector<10240x64xf32>
    %get3A_7 = arith.constant 0 : index
    %get3A_8 = arith.constant 0 : index
    %get3A_9 = arith.constant 0 : index
    %get3A_10 = vector.load %arg2[%get3A_7, %get3A_8, %get3A_9] : memref<2x10240x64xf32, #tpu.memory_space<vmem>>, vector<1x10240x64xf32>
    %get3A_11 = vector.shape_cast %get3A_10 : vector<1x10240x64xf32> to vector<10240x64xf32>
    %add3A = arith.addf %mul3A_6, %get3A_11 : vector<10240x64xf32>
    %get3A_12 = arith.constant 1 : index
    %get3A_13 = arith.constant 0 : index
    %get3A_14 = arith.constant 0 : index
    %get3A_15 = vector.load %arg2[%get3A_12, %get3A_13, %get3A_14] : memref<2x10240x64xf32, #tpu.memory_space<vmem>>, vector<1x10240x64xf32>
    %get3A_16 = vector.shape_cast %get3A_15 : vector<1x10240x64xf32> to vector<10240x64xf32>
    %add3A_17 = arith.addf %add3A, %get3A_16 : vector<10240x64xf32>
    %get3A_18 = arith.constant 0 : index
    %get3A_19 = arith.constant 0 : index
    %get3A_20 = vector.load %arg3[%get3A_18, %get3A_19] : memref<1x64xf32, #tpu.memory_space<vmem>>, vector<1x64xf32>
    %add3A_21 = vector.broadcast %get3A_20 : vector<1x64xf32> to vector<10240x64xf32>
    %add3A_22 = arith.addf %add3A_17, %add3A_21 : vector<10240x64xf32>
    %max3A = arith.constant 0.000000e+00 : f32
    %max3A_23 = vector.broadcast %max3A : f32 to vector<10240x64xf32>
    %max3A_24 = arith.maximumf %add3A_22, %max3A_23 : vector<10240x64xf32>
    %swap3A = arith.constant 0 : index
    %swap3A_25 = arith.constant 0 : index
    %swap3A_26 = vector.load %arg6[%swap3A, %swap3A_25] : memref<10240x64xf32, #tpu.memory_space<vmem>>, vector<10240x64xf32>
    tpu.vector_store %arg6[%swap3A, %swap3A_25], %max3A_24 {strides = array<i32>} : memref<10240x64xf32, #tpu.memory_space<vmem>>, vector<10240x64xf32>,
    %get3A_27 = arith.constant 0 : index
    %get3A_28 = arith.constant 0 : index
    %get3A_29 = vector.load %arg4[%get3A_27, %get3A_28] : memref<64x1xf32, #tpu.memory_space<vmem>>, vector<64x1xf32>
    %dot_general3A = arith.constant dense<0.000000e+00> : vector<10240x1xf32>
    %dot_general3A_30 = tpu.matmul %max3A_24, %get3A_29, %dot_general3A {dimension_numbers = #tpu.dot_dimension_numbers<[1], [0], [0], [1], [0, 0, 1, 1], [], []>, transpose_lhs_hint = false} : vector<10240x64xf32>, vector<64x1xf32>, vector<10240x1xf32> -> vector<10240x1xf32>
    %add3A_31 = vector.broadcast %get3A_2 : f32 to vector<10240x1xf32>
    %add3A_32 = arith.addf %dot_general3A_30, %add3A_31 : vector<10240x1xf32>
    %tanh3A = math.tanh %add3A_32 : vector<10240x1xf32>
    %reshape3A = vector.shape_cast %tanh3A : vector<10240x1xf32> to vector<80x128xf32>
    %iota3A = tpu.iota {dimensions = array<i32: 0>} : vector<80x128xi32>
    %iota3A_33 = tpu.iota {dimensions = array<i32: 1>} : vector<80x128xi32>
    %mul3A_34 = arith.constant 128 : i32
    %mul3A_35 = vector.broadcast %mul3A_34 : i32 to vector<80x128xi32>
    %mul3A_36 = arith.muli %iota3A, %mul3A_35 : vector<80x128xi32>
    %add3A_37 = arith.addi %mul3A_36, %iota3A_33 : vector<80x128xi32>
    %lt3A = arith.constant 10000 : i32
    %lt3A_38 = vector.broadcast %lt3A : i32 to vector<80x128xi32>
    %lt3A_39 = arith.cmpi slt, %add3A_37, %lt3A_38 : vector<80x128xi32>
    %jit3A = arith.constant -3.000000e+38 : f32
    %broadcast_in_dim3A = vector.broadcast %jit3A : f32 to vector<80x128xf32>
    %select_n3A = arith.select %lt3A_39, %reshape3A, %broadcast_in_dim3A : vector<80x128xi1>, vector<80x128xf32>
    %scan3A = arith.constant 0 : i32
    %scan3A_40 = arith.constant 32 : i32
    %scan3A_41 = arith.addi %scan3A, %scan3A_40 : i32
    %scan3A_42 = arith.constant 1 : i32
    %scan3A_43 = scf.for %scan3A_45 = %scan3A to %scan3A_41 step %scan3A_42 iter_args(%scan3A_46 = %select_n3A) -> (vector<80x128xf32>)  : i32 {
      %reduce_max3A = vector.shape_cast %scan3A_46 : vector<80x128xf32> to vector<1x80x128xf32>
      %reduce_max3A_47 = arith.constant dense<0xFF800000> : vector<1xf32>
      %reduce_max3A_48 = vector.multi_reduction <maximumf>, %reduce_max3A, %reduce_max3A_47 [1, 2] : vector<1x80x128xf32> to vector<1xf32>
      %reduce_max3A_49 = vector.shape_cast %reduce_max3A_48 : vector<1xf32> to vector<1x1x1xf32>
      %reduce_max3A_50 = vector.extract %reduce_max3A_49[0, 0, 0] : f32 from vector<1x1x1xf32>
      %eq3A = vector.broadcast %reduce_max3A_50 : f32 to vector<80x128xf32>
      %eq3A_51 = arith.cmpf oeq, %scan3A_46, %eq3A : vector<80x128xf32>
      %jit3A_52 = arith.constant 1073741824 : i32
      %broadcast_in_dim3A_53 = vector.broadcast %jit3A_52 : i32 to vector<80x128xi32>
      %select_n3A_54 = arith.select %eq3A_51, %add3A_37, %broadcast_in_dim3A_53 : vector<80x128xi1>, vector<80x128xi32>
      %reduce_min3A = vector.shape_cast %select_n3A_54 : vector<80x128xi32> to vector<1x80x128xi32>
      %reduce_min3A_55 = arith.constant dense<2147483647> : vector<1xi32>
      %reduce_min3A_56 = vector.multi_reduction <minsi>, %reduce_min3A, %reduce_min3A_55 [1, 2] : vector<1x80x128xi32> to vector<1xi32>
      %reduce_min3A_57 = vector.shape_cast %reduce_min3A_56 : vector<1xi32> to vector<1x1x1xi32>
      %reduce_min3A_58 = vector.extract %reduce_min3A_57[0, 0, 0] : i32 from vector<1x1x1xi32>
      %get3A_59 = arith.index_cast %reduce_min3A_58 : i32 to index
      %get3A_60 = arith.constant 0 : index
      %get3A_61 = vector.load %arg6[%get3A_59, %get3A_60] : memref<10240x64xf32, #tpu.memory_space<vmem>>, vector<1x64xf32>
      %mul3A_62 = vector.broadcast %reduce_max3A_50 : f32 to vector<1x64xf32>
      %mul3A_63 = arith.mulf %get3A_61, %mul3A_62 : vector<1x64xf32>
      %swap3A_64 = arith.index_cast %scan3A_45 : i32 to index
      %swap3A_65 = arith.constant 0 : index
      %swap3A_66 = vector.load %arg5[%swap3A_64, %swap3A_65] : memref<32x64xf32, #tpu.memory_space<vmem>>, vector<1x64xf32>
      tpu.vector_store %arg5[%swap3A_64, %swap3A_65], %mul3A_63 {strides = array<i32>} : memref<32x64xf32, #tpu.memory_space<vmem>>, vector<1x64xf32>,
      %eq3A_67 = vector.broadcast %reduce_min3A_58 : i32 to vector<80x128xi32>
      %eq3A_68 = arith.cmpi eq, %add3A_37, %eq3A_67 : vector<80x128xi32>
      %jit3A_69 = arith.constant -3.000000e+38 : f32
      %broadcast_in_dim3A_70 = vector.broadcast %jit3A_69 : f32 to vector<80x128xf32>
      %select_n3A_71 = arith.select %eq3A_68, %broadcast_in_dim3A_70, %scan3A_46 : vector<80x128xi1>, vector<80x128xf32>
      scf.yield %select_n3A_71 : vector<80x128xf32>
    }
    %scan3A_44 = arith.constant 32 : i32
    return
  }
}

module attributes {stable_mosaic.version = 14 : i64} {
  func.func @body(%arg0: memref<32x64xf32, #tpu.memory_space<vmem>>, %arg1: memref<32x64xf32, #tpu.memory_space<vmem>>, %arg2: memref<32x64xf32, #tpu.memory_space<vmem>>, %arg3: memref<192x16xf32, #tpu.memory_space<vmem>>, %arg4: memref<1x16xf32, #tpu.memory_space<vmem>>, %arg5: memref<512x128xf32, #tpu.memory_space<vmem>>, %arg6: memref<1x128xf32, #tpu.memory_space<vmem>>, %arg7: memref<128x2xf32, #tpu.memory_space<vmem>>, %arg8: memref<1x2xf32, #tpu.memory_space<vmem>>, %arg9: memref<1x2xf32, #tpu.memory_space<vmem>>) attributes {dimension_semantics = [], scalar_prefetch = 0 : i64, scratch_operands = 0 : i64, tpu.core_type = #tpu.core_type<tc>} {
    %get3A = arith.constant 0 : index
    %get3A_0 = arith.constant 0 : index
    %get3A_1 = vector.load %arg0[%get3A, %get3A_0] : memref<32x64xf32, #tpu.memory_space<vmem>>, vector<32x64xf32>
    %get3A_2 = arith.constant 0 : index
    %get3A_3 = arith.constant 0 : index
    %get3A_4 = vector.load %arg3[%get3A_2, %get3A_3] : memref<192x16xf32, #tpu.memory_space<vmem>>, vector<64x16xf32>
    %dot_general3A = arith.constant dense<0.000000e+00> : vector<32x16xf32>
    %dot_general3A_5 = tpu.matmul %get3A_1, %get3A_4, %dot_general3A {dimension_numbers = #tpu.dot_dimension_numbers<[1], [0], [0], [1], [0, 0, 1, 1], [], []>, transpose_lhs_hint = false} : vector<32x64xf32>, vector<64x16xf32>, vector<32x16xf32> -> vector<32x16xf32>
    %get3A_6 = arith.constant 0 : index
    %get3A_7 = arith.constant 0 : index
    %get3A_8 = vector.load %arg1[%get3A_6, %get3A_7] : memref<32x64xf32, #tpu.memory_space<vmem>>, vector<32x64xf32>
    %get3A_9 = arith.constant 64 : index
    %get3A_10 = arith.constant 0 : index
    %get3A_11 = vector.load %arg3[%get3A_9, %get3A_10] : memref<192x16xf32, #tpu.memory_space<vmem>>, vector<64x16xf32>
    %dot_general3A_12 = arith.constant dense<0.000000e+00> : vector<32x16xf32>
    %dot_general3A_13 = tpu.matmul %get3A_8, %get3A_11, %dot_general3A_12 {dimension_numbers = #tpu.dot_dimension_numbers<[1], [0], [0], [1], [0, 0, 1, 1], [], []>, transpose_lhs_hint = false} : vector<32x64xf32>, vector<64x16xf32>, vector<32x16xf32> -> vector<32x16xf32>
    %add3A = arith.addf %dot_general3A_5, %dot_general3A_13 : vector<32x16xf32>
    %get3A_14 = arith.constant 0 : index
    %get3A_15 = arith.constant 0 : index
    %get3A_16 = vector.load %arg2[%get3A_14, %get3A_15] : memref<32x64xf32, #tpu.memory_space<vmem>>, vector<32x64xf32>
    %get3A_17 = arith.constant 128 : index
    %get3A_18 = arith.constant 0 : index
    %get3A_19 = vector.load %arg3[%get3A_17, %get3A_18] : memref<192x16xf32, #tpu.memory_space<vmem>>, vector<64x16xf32>
    %dot_general3A_20 = arith.constant dense<0.000000e+00> : vector<32x16xf32>
    %dot_general3A_21 = tpu.matmul %get3A_16, %get3A_19, %dot_general3A_20 {dimension_numbers = #tpu.dot_dimension_numbers<[1], [0], [0], [1], [0, 0, 1, 1], [], []>, transpose_lhs_hint = false} : vector<32x64xf32>, vector<64x16xf32>, vector<32x16xf32> -> vector<32x16xf32>
    %add3A_22 = arith.addf %add3A, %dot_general3A_21 : vector<32x16xf32>
    %get3A_23 = arith.constant 0 : index
    %get3A_24 = arith.constant 0 : index
    %get3A_25 = vector.load %arg4[%get3A_23, %get3A_24] : memref<1x16xf32, #tpu.memory_space<vmem>>, vector<1x16xf32>
    %add3A_26 = vector.broadcast %get3A_25 : vector<1x16xf32> to vector<32x16xf32>
    %add3A_27 = arith.addf %add3A_22, %add3A_26 : vector<32x16xf32>
    %ge3A = arith.constant 0.000000e+00 : f32
    %ge3A_28 = vector.broadcast %ge3A : f32 to vector<32x16xf32>
    %ge3A_29 = arith.cmpf oge, %add3A_27, %ge3A_28 : vector<32x16xf32>
    %mul3A = arith.constant 0.00999999977 : f32
    %mul3A_30 = vector.broadcast %mul3A : f32 to vector<32x16xf32>
    %mul3A_31 = arith.mulf %add3A_27, %mul3A_30 : vector<32x16xf32>
    %select_n3A = arith.select %ge3A_29, %add3A_27, %mul3A_31 : vector<32x16xi1>, vector<32x16xf32>
    %broadcast_in_dim3A = arith.constant 0.000000e+00 : f32
    %broadcast_in_dim3A_32 = vector.broadcast %broadcast_in_dim3A : f32 to vector<1x128xf32>
    %slice3A = vector.extract_strided_slice %select_n3A {offsets = [0, 0], sizes = [1, 16], strides = [1, 1]} : vector<32x16xf32> to vector<1x16xf32>
    %get3A_33 = arith.constant 0 : index
    %get3A_34 = arith.constant 0 : index
    %get3A_35 = vector.load %arg5[%get3A_33, %get3A_34] : memref<512x128xf32, #tpu.memory_space<vmem>>, vector<16x128xf32>
    %dot_general3A_36 = arith.constant dense<0.000000e+00> : vector<1x128xf32>
    %dot_general3A_37 = tpu.matmul %slice3A, %get3A_35, %dot_general3A_36 {dimension_numbers = #tpu.dot_dimension_numbers<[1], [0], [0], [1], [0, 0, 1, 1], [], []>, transpose_lhs_hint = false} : vector<1x16xf32>, vector<16x128xf32>, vector<1x128xf32> -> vector<1x128xf32>
    %add3A_38 = arith.addf %broadcast_in_dim3A_32, %dot_general3A_37 : vector<1x128xf32>
    %slice3A_39 = vector.extract_strided_slice %select_n3A {offsets = [1, 0], sizes = [1, 16], strides = [1, 1]} : vector<32x16xf32> to vector<1x16xf32>
    %get3A_40 = arith.constant 16 : index
    %get3A_41 = arith.constant 0 : index
    %get3A_42 = vector.load %arg5[%get3A_40, %get3A_41] : memref<512x128xf32, #tpu.memory_space<vmem>>, vector<16x128xf32>
    %dot_general3A_43 = arith.constant dense<0.000000e+00> : vector<1x128xf32>
    %dot_general3A_44 = tpu.matmul %slice3A_39, %get3A_42, %dot_general3A_43 {dimension_numbers = #tpu.dot_dimension_numbers<[1], [0], [0], [1], [0, 0, 1, 1], [], []>, transpose_lhs_hint = false} : vector<1x16xf32>, vector<16x128xf32>, vector<1x128xf32> -> vector<1x128xf32>
    %add3A_45 = arith.addf %add3A_38, %dot_general3A_44 : vector<1x128xf32>
    %slice3A_46 = vector.extract_strided_slice %select_n3A {offsets = [2, 0], sizes = [1, 16], strides = [1, 1]} : vector<32x16xf32> to vector<1x16xf32>
    %get3A_47 = arith.constant 32 : index
    %get3A_48 = arith.constant 0 : index
    %get3A_49 = vector.load %arg5[%get3A_47, %get3A_48] : memref<512x128xf32, #tpu.memory_space<vmem>>, vector<16x128xf32>
    %dot_general3A_50 = arith.constant dense<0.000000e+00> : vector<1x128xf32>
    %dot_general3A_51 = tpu.matmul %slice3A_46, %get3A_49, %dot_general3A_50 {dimension_numbers = #tpu.dot_dimension_numbers<[1], [0], [0], [1], [0, 0, 1, 1], [], []>, transpose_lhs_hint = false} : vector<1x16xf32>, vector<16x128xf32>, vector<1x128xf32> -> vector<1x128xf32>
    %add3A_52 = arith.addf %add3A_45, %dot_general3A_51 : vector<1x128xf32>
    %slice3A_53 = vector.extract_strided_slice %select_n3A {offsets = [3, 0], sizes = [1, 16], strides = [1, 1]} : vector<32x16xf32> to vector<1x16xf32>
    %get3A_54 = arith.constant 48 : index
    %get3A_55 = arith.constant 0 : index
    %get3A_56 = vector.load %arg5[%get3A_54, %get3A_55] : memref<512x128xf32, #tpu.memory_space<vmem>>, vector<16x128xf32>
    %dot_general3A_57 = arith.constant dense<0.000000e+00> : vector<1x128xf32>
    %dot_general3A_58 = tpu.matmul %slice3A_53, %get3A_56, %dot_general3A_57 {dimension_numbers = #tpu.dot_dimension_numbers<[1], [0], [0], [1], [0, 0, 1, 1], [], []>, transpose_lhs_hint = false} : vector<1x16xf32>, vector<16x128xf32>, vector<1x128xf32> -> vector<1x128xf32>
    %add3A_59 = arith.addf %add3A_52, %dot_general3A_58 : vector<1x128xf32>
    %slice3A_60 = vector.extract_strided_slice %select_n3A {offsets = [4, 0], sizes = [1, 16], strides = [1, 1]} : vector<32x16xf32> to vector<1x16xf32>
    %get3A_61 = arith.constant 64 : index
    %get3A_62 = arith.constant 0 : index
    %get3A_63 = vector.load %arg5[%get3A_61, %get3A_62] : memref<512x128xf32, #tpu.memory_space<vmem>>, vector<16x128xf32>
    %dot_general3A_64 = arith.constant dense<0.000000e+00> : vector<1x128xf32>
    %dot_general3A_65 = tpu.matmul %slice3A_60, %get3A_63, %dot_general3A_64 {dimension_numbers = #tpu.dot_dimension_numbers<[1], [0], [0], [1], [0, 0, 1, 1], [], []>, transpose_lhs_hint = false} : vector<1x16xf32>, vector<16x128xf32>, vector<1x128xf32> -> vector<1x128xf32>
    %add3A_66 = arith.addf %add3A_59, %dot_general3A_65 : vector<1x128xf32>
    %slice3A_67 = vector.extract_strided_slice %select_n3A {offsets = [5, 0], sizes = [1, 16], strides = [1, 1]} : vector<32x16xf32> to vector<1x16xf32>
    %get3A_68 = arith.constant 80 : index
    %get3A_69 = arith.constant 0 : index
    %get3A_70 = vector.load %arg5[%get3A_68, %get3A_69] : memref<512x128xf32, #tpu.memory_space<vmem>>, vector<16x128xf32>
    %dot_general3A_71 = arith.constant dense<0.000000e+00> : vector<1x128xf32>
    %dot_general3A_72 = tpu.matmul %slice3A_67, %get3A_70, %dot_general3A_71 {dimension_numbers = #tpu.dot_dimension_numbers<[1], [0], [0], [1], [0, 0, 1, 1], [], []>, transpose_lhs_hint = false} : vector<1x16xf32>, vector<16x128xf32>, vector<1x128xf32> -> vector<1x128xf32>
    %add3A_73 = arith.addf %add3A_66, %dot_general3A_72 : vector<1x128xf32>
    %slice3A_74 = vector.extract_strided_slice %select_n3A {offsets = [6, 0], sizes = [1, 16], strides = [1, 1]} : vector<32x16xf32> to vector<1x16xf32>
    %get3A_75 = arith.constant 96 : index
    %get3A_76 = arith.constant 0 : index
    %get3A_77 = vector.load %arg5[%get3A_75, %get3A_76] : memref<512x128xf32, #tpu.memory_space<vmem>>, vector<16x128xf32>
    %dot_general3A_78 = arith.constant dense<0.000000e+00> : vector<1x128xf32>
    %dot_general3A_79 = tpu.matmul %slice3A_74, %get3A_77, %dot_general3A_78 {dimension_numbers = #tpu.dot_dimension_numbers<[1], [0], [0], [1], [0, 0, 1, 1], [], []>, transpose_lhs_hint = false} : vector<1x16xf32>, vector<16x128xf32>, vector<1x128xf32> -> vector<1x128xf32>
    %add3A_80 = arith.addf %add3A_73, %dot_general3A_79 : vector<1x128xf32>
    %slice3A_81 = vector.extract_strided_slice %select_n3A {offsets = [7, 0], sizes = [1, 16], strides = [1, 1]} : vector<32x16xf32> to vector<1x16xf32>
    %get3A_82 = arith.constant 112 : index
    %get3A_83 = arith.constant 0 : index
    %get3A_84 = vector.load %arg5[%get3A_82, %get3A_83] : memref<512x128xf32, #tpu.memory_space<vmem>>, vector<16x128xf32>
    %dot_general3A_85 = arith.constant dense<0.000000e+00> : vector<1x128xf32>
    %dot_general3A_86 = tpu.matmul %slice3A_81, %get3A_84, %dot_general3A_85 {dimension_numbers = #tpu.dot_dimension_numbers<[1], [0], [0], [1], [0, 0, 1, 1], [], []>, transpose_lhs_hint = false} : vector<1x16xf32>, vector<16x128xf32>, vector<1x128xf32> -> vector<1x128xf32>
    %add3A_87 = arith.addf %add3A_80, %dot_general3A_86 : vector<1x128xf32>
    %slice3A_88 = vector.extract_strided_slice %select_n3A {offsets = [8, 0], sizes = [1, 16], strides = [1, 1]} : vector<32x16xf32> to vector<1x16xf32>
    %get3A_89 = arith.constant 128 : index
    %get3A_90 = arith.constant 0 : index
    %get3A_91 = vector.load %arg5[%get3A_89, %get3A_90] : memref<512x128xf32, #tpu.memory_space<vmem>>, vector<16x128xf32>
    %dot_general3A_92 = arith.constant dense<0.000000e+00> : vector<1x128xf32>
    %dot_general3A_93 = tpu.matmul %slice3A_88, %get3A_91, %dot_general3A_92 {dimension_numbers = #tpu.dot_dimension_numbers<[1], [0], [0], [1], [0, 0, 1, 1], [], []>, transpose_lhs_hint = false} : vector<1x16xf32>, vector<16x128xf32>, vector<1x128xf32> -> vector<1x128xf32>
    %add3A_94 = arith.addf %add3A_87, %dot_general3A_93 : vector<1x128xf32>
    %slice3A_95 = vector.extract_strided_slice %select_n3A {offsets = [9, 0], sizes = [1, 16], strides = [1, 1]} : vector<32x16xf32> to vector<1x16xf32>
    %get3A_96 = arith.constant 144 : index
    %get3A_97 = arith.constant 0 : index
    %get3A_98 = vector.load %arg5[%get3A_96, %get3A_97] : memref<512x128xf32, #tpu.memory_space<vmem>>, vector<16x128xf32>
    %dot_general3A_99 = arith.constant dense<0.000000e+00> : vector<1x128xf32>
    %dot_general3A_100 = tpu.matmul %slice3A_95, %get3A_98, %dot_general3A_99 {dimension_numbers = #tpu.dot_dimension_numbers<[1], [0], [0], [1], [0, 0, 1, 1], [], []>, transpose_lhs_hint = false} : vector<1x16xf32>, vector<16x128xf32>, vector<1x128xf32> -> vector<1x128xf32>
    %add3A_101 = arith.addf %add3A_94, %dot_general3A_100 : vector<1x128xf32>
    %slice3A_102 = vector.extract_strided_slice %select_n3A {offsets = [10, 0], sizes = [1, 16], strides = [1, 1]} : vector<32x16xf32> to vector<1x16xf32>
    %get3A_103 = arith.constant 160 : index
    %get3A_104 = arith.constant 0 : index
    %get3A_105 = vector.load %arg5[%get3A_103, %get3A_104] : memref<512x128xf32, #tpu.memory_space<vmem>>, vector<16x128xf32>
    %dot_general3A_106 = arith.constant dense<0.000000e+00> : vector<1x128xf32>
    %dot_general3A_107 = tpu.matmul %slice3A_102, %get3A_105, %dot_general3A_106 {dimension_numbers = #tpu.dot_dimension_numbers<[1], [0], [0], [1], [0, 0, 1, 1], [], []>, transpose_lhs_hint = false} : vector<1x16xf32>, vector<16x128xf32>, vector<1x128xf32> -> vector<1x128xf32>
    %add3A_108 = arith.addf %add3A_101, %dot_general3A_107 : vector<1x128xf32>
    %slice3A_109 = vector.extract_strided_slice %select_n3A {offsets = [11, 0], sizes = [1, 16], strides = [1, 1]} : vector<32x16xf32> to vector<1x16xf32>
    %get3A_110 = arith.constant 176 : index
    %get3A_111 = arith.constant 0 : index
    %get3A_112 = vector.load %arg5[%get3A_110, %get3A_111] : memref<512x128xf32, #tpu.memory_space<vmem>>, vector<16x128xf32>
    %dot_general3A_113 = arith.constant dense<0.000000e+00> : vector<1x128xf32>
    %dot_general3A_114 = tpu.matmul %slice3A_109, %get3A_112, %dot_general3A_113 {dimension_numbers = #tpu.dot_dimension_numbers<[1], [0], [0], [1], [0, 0, 1, 1], [], []>, transpose_lhs_hint = false} : vector<1x16xf32>, vector<16x128xf32>, vector<1x128xf32> -> vector<1x128xf32>
    %add3A_115 = arith.addf %add3A_108, %dot_general3A_114 : vector<1x128xf32>
    %slice3A_116 = vector.extract_strided_slice %select_n3A {offsets = [12, 0], sizes = [1, 16], strides = [1, 1]} : vector<32x16xf32> to vector<1x16xf32>
    %get3A_117 = arith.constant 192 : index
    %get3A_118 = arith.constant 0 : index
    %get3A_119 = vector.load %arg5[%get3A_117, %get3A_118] : memref<512x128xf32, #tpu.memory_space<vmem>>, vector<16x128xf32>
    %dot_general3A_120 = arith.constant dense<0.000000e+00> : vector<1x128xf32>
    %dot_general3A_121 = tpu.matmul %slice3A_116, %get3A_119, %dot_general3A_120 {dimension_numbers = #tpu.dot_dimension_numbers<[1], [0], [0], [1], [0, 0, 1, 1], [], []>, transpose_lhs_hint = false} : vector<1x16xf32>, vector<16x128xf32>, vector<1x128xf32> -> vector<1x128xf32>
    %add3A_122 = arith.addf %add3A_115, %dot_general3A_121 : vector<1x128xf32>
    %slice3A_123 = vector.extract_strided_slice %select_n3A {offsets = [13, 0], sizes = [1, 16], strides = [1, 1]} : vector<32x16xf32> to vector<1x16xf32>
    %get3A_124 = arith.constant 208 : index
    %get3A_125 = arith.constant 0 : index
    %get3A_126 = vector.load %arg5[%get3A_124, %get3A_125] : memref<512x128xf32, #tpu.memory_space<vmem>>, vector<16x128xf32>
    %dot_general3A_127 = arith.constant dense<0.000000e+00> : vector<1x128xf32>
    %dot_general3A_128 = tpu.matmul %slice3A_123, %get3A_126, %dot_general3A_127 {dimension_numbers = #tpu.dot_dimension_numbers<[1], [0], [0], [1], [0, 0, 1, 1], [], []>, transpose_lhs_hint = false} : vector<1x16xf32>, vector<16x128xf32>, vector<1x128xf32> -> vector<1x128xf32>
    %add3A_129 = arith.addf %add3A_122, %dot_general3A_128 : vector<1x128xf32>
    %slice3A_130 = vector.extract_strided_slice %select_n3A {offsets = [14, 0], sizes = [1, 16], strides = [1, 1]} : vector<32x16xf32> to vector<1x16xf32>
    %get3A_131 = arith.constant 224 : index
    %get3A_132 = arith.constant 0 : index
    %get3A_133 = vector.load %arg5[%get3A_131, %get3A_132] : memref<512x128xf32, #tpu.memory_space<vmem>>, vector<16x128xf32>
    %dot_general3A_134 = arith.constant dense<0.000000e+00> : vector<1x128xf32>
    %dot_general3A_135 = tpu.matmul %slice3A_130, %get3A_133, %dot_general3A_134 {dimension_numbers = #tpu.dot_dimension_numbers<[1], [0], [0], [1], [0, 0, 1, 1], [], []>, transpose_lhs_hint = false} : vector<1x16xf32>, vector<16x128xf32>, vector<1x128xf32> -> vector<1x128xf32>
    %add3A_136 = arith.addf %add3A_129, %dot_general3A_135 : vector<1x128xf32>
    %slice3A_137 = vector.extract_strided_slice %select_n3A {offsets = [15, 0], sizes = [1, 16], strides = [1, 1]} : vector<32x16xf32> to vector<1x16xf32>
    %get3A_138 = arith.constant 240 : index
    %get3A_139 = arith.constant 0 : index
    %get3A_140 = vector.load %arg5[%get3A_138, %get3A_139] : memref<512x128xf32, #tpu.memory_space<vmem>>, vector<16x128xf32>
    %dot_general3A_141 = arith.constant dense<0.000000e+00> : vector<1x128xf32>
    %dot_general3A_142 = tpu.matmul %slice3A_137, %get3A_140, %dot_general3A_141 {dimension_numbers = #tpu.dot_dimension_numbers<[1], [0], [0], [1], [0, 0, 1, 1], [], []>, transpose_lhs_hint = false} : vector<1x16xf32>, vector<16x128xf32>, vector<1x128xf32> -> vector<1x128xf32>
    %add3A_143 = arith.addf %add3A_136, %dot_general3A_142 : vector<1x128xf32>
    %slice3A_144 = vector.extract_strided_slice %select_n3A {offsets = [16, 0], sizes = [1, 16], strides = [1, 1]} : vector<32x16xf32> to vector<1x16xf32>
    %get3A_145 = arith.constant 256 : index
    %get3A_146 = arith.constant 0 : index
    %get3A_147 = vector.load %arg5[%get3A_145, %get3A_146] : memref<512x128xf32, #tpu.memory_space<vmem>>, vector<16x128xf32>
    %dot_general3A_148 = arith.constant dense<0.000000e+00> : vector<1x128xf32>
    %dot_general3A_149 = tpu.matmul %slice3A_144, %get3A_147, %dot_general3A_148 {dimension_numbers = #tpu.dot_dimension_numbers<[1], [0], [0], [1], [0, 0, 1, 1], [], []>, transpose_lhs_hint = false} : vector<1x16xf32>, vector<16x128xf32>, vector<1x128xf32> -> vector<1x128xf32>
    %add3A_150 = arith.addf %add3A_143, %dot_general3A_149 : vector<1x128xf32>
    %slice3A_151 = vector.extract_strided_slice %select_n3A {offsets = [17, 0], sizes = [1, 16], strides = [1, 1]} : vector<32x16xf32> to vector<1x16xf32>
    %get3A_152 = arith.constant 272 : index
    %get3A_153 = arith.constant 0 : index
    %get3A_154 = vector.load %arg5[%get3A_152, %get3A_153] : memref<512x128xf32, #tpu.memory_space<vmem>>, vector<16x128xf32>
    %dot_general3A_155 = arith.constant dense<0.000000e+00> : vector<1x128xf32>
    %dot_general3A_156 = tpu.matmul %slice3A_151, %get3A_154, %dot_general3A_155 {dimension_numbers = #tpu.dot_dimension_numbers<[1], [0], [0], [1], [0, 0, 1, 1], [], []>, transpose_lhs_hint = false} : vector<1x16xf32>, vector<16x128xf32>, vector<1x128xf32> -> vector<1x128xf32>
    %add3A_157 = arith.addf %add3A_150, %dot_general3A_156 : vector<1x128xf32>
    %slice3A_158 = vector.extract_strided_slice %select_n3A {offsets = [18, 0], sizes = [1, 16], strides = [1, 1]} : vector<32x16xf32> to vector<1x16xf32>
    %get3A_159 = arith.constant 288 : index
    %get3A_160 = arith.constant 0 : index
    %get3A_161 = vector.load %arg5[%get3A_159, %get3A_160] : memref<512x128xf32, #tpu.memory_space<vmem>>, vector<16x128xf32>
    %dot_general3A_162 = arith.constant dense<0.000000e+00> : vector<1x128xf32>
    %dot_general3A_163 = tpu.matmul %slice3A_158, %get3A_161, %dot_general3A_162 {dimension_numbers = #tpu.dot_dimension_numbers<[1], [0], [0], [1], [0, 0, 1, 1], [], []>, transpose_lhs_hint = false} : vector<1x16xf32>, vector<16x128xf32>, vector<1x128xf32> -> vector<1x128xf32>
    %add3A_164 = arith.addf %add3A_157, %dot_general3A_163 : vector<1x128xf32>
    %slice3A_165 = vector.extract_strided_slice %select_n3A {offsets = [19, 0], sizes = [1, 16], strides = [1, 1]} : vector<32x16xf32> to vector<1x16xf32>
    %get3A_166 = arith.constant 304 : index
    %get3A_167 = arith.constant 0 : index
    %get3A_168 = vector.load %arg5[%get3A_166, %get3A_167] : memref<512x128xf32, #tpu.memory_space<vmem>>, vector<16x128xf32>
    %dot_general3A_169 = arith.constant dense<0.000000e+00> : vector<1x128xf32>
    %dot_general3A_170 = tpu.matmul %slice3A_165, %get3A_168, %dot_general3A_169 {dimension_numbers = #tpu.dot_dimension_numbers<[1], [0], [0], [1], [0, 0, 1, 1], [], []>, transpose_lhs_hint = false} : vector<1x16xf32>, vector<16x128xf32>, vector<1x128xf32> -> vector<1x128xf32>
    %add3A_171 = arith.addf %add3A_164, %dot_general3A_170 : vector<1x128xf32>
    %slice3A_172 = vector.extract_strided_slice %select_n3A {offsets = [20, 0], sizes = [1, 16], strides = [1, 1]} : vector<32x16xf32> to vector<1x16xf32>
    %get3A_173 = arith.constant 320 : index
    %get3A_174 = arith.constant 0 : index
    %get3A_175 = vector.load %arg5[%get3A_173, %get3A_174] : memref<512x128xf32, #tpu.memory_space<vmem>>, vector<16x128xf32>
    %dot_general3A_176 = arith.constant dense<0.000000e+00> : vector<1x128xf32>
    %dot_general3A_177 = tpu.matmul %slice3A_172, %get3A_175, %dot_general3A_176 {dimension_numbers = #tpu.dot_dimension_numbers<[1], [0], [0], [1], [0, 0, 1, 1], [], []>, transpose_lhs_hint = false} : vector<1x16xf32>, vector<16x128xf32>, vector<1x128xf32> -> vector<1x128xf32>
    %add3A_178 = arith.addf %add3A_171, %dot_general3A_177 : vector<1x128xf32>
    %slice3A_179 = vector.extract_strided_slice %select_n3A {offsets = [21, 0], sizes = [1, 16], strides = [1, 1]} : vector<32x16xf32> to vector<1x16xf32>
    %get3A_180 = arith.constant 336 : index
    %get3A_181 = arith.constant 0 : index
    %get3A_182 = vector.load %arg5[%get3A_180, %get3A_181] : memref<512x128xf32, #tpu.memory_space<vmem>>, vector<16x128xf32>
    %dot_general3A_183 = arith.constant dense<0.000000e+00> : vector<1x128xf32>
    %dot_general3A_184 = tpu.matmul %slice3A_179, %get3A_182, %dot_general3A_183 {dimension_numbers = #tpu.dot_dimension_numbers<[1], [0], [0], [1], [0, 0, 1, 1], [], []>, transpose_lhs_hint = false} : vector<1x16xf32>, vector<16x128xf32>, vector<1x128xf32> -> vector<1x128xf32>
    %add3A_185 = arith.addf %add3A_178, %dot_general3A_184 : vector<1x128xf32>
    %slice3A_186 = vector.extract_strided_slice %select_n3A {offsets = [22, 0], sizes = [1, 16], strides = [1, 1]} : vector<32x16xf32> to vector<1x16xf32>
    %get3A_187 = arith.constant 352 : index
    %get3A_188 = arith.constant 0 : index
    %get3A_189 = vector.load %arg5[%get3A_187, %get3A_188] : memref<512x128xf32, #tpu.memory_space<vmem>>, vector<16x128xf32>
    %dot_general3A_190 = arith.constant dense<0.000000e+00> : vector<1x128xf32>
    %dot_general3A_191 = tpu.matmul %slice3A_186, %get3A_189, %dot_general3A_190 {dimension_numbers = #tpu.dot_dimension_numbers<[1], [0], [0], [1], [0, 0, 1, 1], [], []>, transpose_lhs_hint = false} : vector<1x16xf32>, vector<16x128xf32>, vector<1x128xf32> -> vector<1x128xf32>
    %add3A_192 = arith.addf %add3A_185, %dot_general3A_191 : vector<1x128xf32>
    %slice3A_193 = vector.extract_strided_slice %select_n3A {offsets = [23, 0], sizes = [1, 16], strides = [1, 1]} : vector<32x16xf32> to vector<1x16xf32>
    %get3A_194 = arith.constant 368 : index
    %get3A_195 = arith.constant 0 : index
    %get3A_196 = vector.load %arg5[%get3A_194, %get3A_195] : memref<512x128xf32, #tpu.memory_space<vmem>>, vector<16x128xf32>
    %dot_general3A_197 = arith.constant dense<0.000000e+00> : vector<1x128xf32>
    %dot_general3A_198 = tpu.matmul %slice3A_193, %get3A_196, %dot_general3A_197 {dimension_numbers = #tpu.dot_dimension_numbers<[1], [0], [0], [1], [0, 0, 1, 1], [], []>, transpose_lhs_hint = false} : vector<1x16xf32>, vector<16x128xf32>, vector<1x128xf32> -> vector<1x128xf32>
    %add3A_199 = arith.addf %add3A_192, %dot_general3A_198 : vector<1x128xf32>
    %slice3A_200 = vector.extract_strided_slice %select_n3A {offsets = [24, 0], sizes = [1, 16], strides = [1, 1]} : vector<32x16xf32> to vector<1x16xf32>
    %get3A_201 = arith.constant 384 : index
    %get3A_202 = arith.constant 0 : index
    %get3A_203 = vector.load %arg5[%get3A_201, %get3A_202] : memref<512x128xf32, #tpu.memory_space<vmem>>, vector<16x128xf32>
    %dot_general3A_204 = arith.constant dense<0.000000e+00> : vector<1x128xf32>
    %dot_general3A_205 = tpu.matmul %slice3A_200, %get3A_203, %dot_general3A_204 {dimension_numbers = #tpu.dot_dimension_numbers<[1], [0], [0], [1], [0, 0, 1, 1], [], []>, transpose_lhs_hint = false} : vector<1x16xf32>, vector<16x128xf32>, vector<1x128xf32> -> vector<1x128xf32>
    %add3A_206 = arith.addf %add3A_199, %dot_general3A_205 : vector<1x128xf32>
    %slice3A_207 = vector.extract_strided_slice %select_n3A {offsets = [25, 0], sizes = [1, 16], strides = [1, 1]} : vector<32x16xf32> to vector<1x16xf32>
    %get3A_208 = arith.constant 400 : index
    %get3A_209 = arith.constant 0 : index
    %get3A_210 = vector.load %arg5[%get3A_208, %get3A_209] : memref<512x128xf32, #tpu.memory_space<vmem>>, vector<16x128xf32>
    %dot_general3A_211 = arith.constant dense<0.000000e+00> : vector<1x128xf32>
    %dot_general3A_212 = tpu.matmul %slice3A_207, %get3A_210, %dot_general3A_211 {dimension_numbers = #tpu.dot_dimension_numbers<[1], [0], [0], [1], [0, 0, 1, 1], [], []>, transpose_lhs_hint = false} : vector<1x16xf32>, vector<16x128xf32>, vector<1x128xf32> -> vector<1x128xf32>
    %add3A_213 = arith.addf %add3A_206, %dot_general3A_212 : vector<1x128xf32>
    %slice3A_214 = vector.extract_strided_slice %select_n3A {offsets = [26, 0], sizes = [1, 16], strides = [1, 1]} : vector<32x16xf32> to vector<1x16xf32>
    %get3A_215 = arith.constant 416 : index
    %get3A_216 = arith.constant 0 : index
    %get3A_217 = vector.load %arg5[%get3A_215, %get3A_216] : memref<512x128xf32, #tpu.memory_space<vmem>>, vector<16x128xf32>
    %dot_general3A_218 = arith.constant dense<0.000000e+00> : vector<1x128xf32>
    %dot_general3A_219 = tpu.matmul %slice3A_214, %get3A_217, %dot_general3A_218 {dimension_numbers = #tpu.dot_dimension_numbers<[1], [0], [0], [1], [0, 0, 1, 1], [], []>, transpose_lhs_hint = false} : vector<1x16xf32>, vector<16x128xf32>, vector<1x128xf32> -> vector<1x128xf32>
    %add3A_220 = arith.addf %add3A_213, %dot_general3A_219 : vector<1x128xf32>
    %slice3A_221 = vector.extract_strided_slice %select_n3A {offsets = [27, 0], sizes = [1, 16], strides = [1, 1]} : vector<32x16xf32> to vector<1x16xf32>
    %get3A_222 = arith.constant 432 : index
    %get3A_223 = arith.constant 0 : index
    %get3A_224 = vector.load %arg5[%get3A_222, %get3A_223] : memref<512x128xf32, #tpu.memory_space<vmem>>, vector<16x128xf32>
    %dot_general3A_225 = arith.constant dense<0.000000e+00> : vector<1x128xf32>
    %dot_general3A_226 = tpu.matmul %slice3A_221, %get3A_224, %dot_general3A_225 {dimension_numbers = #tpu.dot_dimension_numbers<[1], [0], [0], [1], [0, 0, 1, 1], [], []>, transpose_lhs_hint = false} : vector<1x16xf32>, vector<16x128xf32>, vector<1x128xf32> -> vector<1x128xf32>
    %add3A_227 = arith.addf %add3A_220, %dot_general3A_226 : vector<1x128xf32>
    %slice3A_228 = vector.extract_strided_slice %select_n3A {offsets = [28, 0], sizes = [1, 16], strides = [1, 1]} : vector<32x16xf32> to vector<1x16xf32>
    %get3A_229 = arith.constant 448 : index
    %get3A_230 = arith.constant 0 : index
    %get3A_231 = vector.load %arg5[%get3A_229, %get3A_230] : memref<512x128xf32, #tpu.memory_space<vmem>>, vector<16x128xf32>
    %dot_general3A_232 = arith.constant dense<0.000000e+00> : vector<1x128xf32>
    %dot_general3A_233 = tpu.matmul %slice3A_228, %get3A_231, %dot_general3A_232 {dimension_numbers = #tpu.dot_dimension_numbers<[1], [0], [0], [1], [0, 0, 1, 1], [], []>, transpose_lhs_hint = false} : vector<1x16xf32>, vector<16x128xf32>, vector<1x128xf32> -> vector<1x128xf32>
    %add3A_234 = arith.addf %add3A_227, %dot_general3A_233 : vector<1x128xf32>
    %slice3A_235 = vector.extract_strided_slice %select_n3A {offsets = [29, 0], sizes = [1, 16], strides = [1, 1]} : vector<32x16xf32> to vector<1x16xf32>
    %get3A_236 = arith.constant 464 : index
    %get3A_237 = arith.constant 0 : index
    %get3A_238 = vector.load %arg5[%get3A_236, %get3A_237] : memref<512x128xf32, #tpu.memory_space<vmem>>, vector<16x128xf32>
    %dot_general3A_239 = arith.constant dense<0.000000e+00> : vector<1x128xf32>
    %dot_general3A_240 = tpu.matmul %slice3A_235, %get3A_238, %dot_general3A_239 {dimension_numbers = #tpu.dot_dimension_numbers<[1], [0], [0], [1], [0, 0, 1, 1], [], []>, transpose_lhs_hint = false} : vector<1x16xf32>, vector<16x128xf32>, vector<1x128xf32> -> vector<1x128xf32>
    %add3A_241 = arith.addf %add3A_234, %dot_general3A_240 : vector<1x128xf32>
    %slice3A_242 = vector.extract_strided_slice %select_n3A {offsets = [30, 0], sizes = [1, 16], strides = [1, 1]} : vector<32x16xf32> to vector<1x16xf32>
    %get3A_243 = arith.constant 480 : index
    %get3A_244 = arith.constant 0 : index
    %get3A_245 = vector.load %arg5[%get3A_243, %get3A_244] : memref<512x128xf32, #tpu.memory_space<vmem>>, vector<16x128xf32>
    %dot_general3A_246 = arith.constant dense<0.000000e+00> : vector<1x128xf32>
    %dot_general3A_247 = tpu.matmul %slice3A_242, %get3A_245, %dot_general3A_246 {dimension_numbers = #tpu.dot_dimension_numbers<[1], [0], [0], [1], [0, 0, 1, 1], [], []>, transpose_lhs_hint = false} : vector<1x16xf32>, vector<16x128xf32>, vector<1x128xf32> -> vector<1x128xf32>
    %add3A_248 = arith.addf %add3A_241, %dot_general3A_247 : vector<1x128xf32>
    %slice3A_249 = vector.extract_strided_slice %select_n3A {offsets = [31, 0], sizes = [1, 16], strides = [1, 1]} : vector<32x16xf32> to vector<1x16xf32>
    %get3A_250 = arith.constant 496 : index
    %get3A_251 = arith.constant 0 : index
    %get3A_252 = vector.load %arg5[%get3A_250, %get3A_251] : memref<512x128xf32, #tpu.memory_space<vmem>>, vector<16x128xf32>
    %dot_general3A_253 = arith.constant dense<0.000000e+00> : vector<1x128xf32>
    %dot_general3A_254 = tpu.matmul %slice3A_249, %get3A_252, %dot_general3A_253 {dimension_numbers = #tpu.dot_dimension_numbers<[1], [0], [0], [1], [0, 0, 1, 1], [], []>, transpose_lhs_hint = false} : vector<1x16xf32>, vector<16x128xf32>, vector<1x128xf32> -> vector<1x128xf32>
    %add3A_255 = arith.addf %add3A_248, %dot_general3A_254 : vector<1x128xf32>
    %get3A_256 = arith.constant 0 : index
    %get3A_257 = arith.constant 0 : index
    %get3A_258 = vector.load %arg6[%get3A_256, %get3A_257] : memref<1x128xf32, #tpu.memory_space<vmem>>, vector<1x128xf32>
    %add3A_259 = arith.addf %add3A_255, %get3A_258 : vector<1x128xf32>
    %ge3A_260 = arith.constant 0.000000e+00 : f32
    %ge3A_261 = vector.broadcast %ge3A_260 : f32 to vector<1x128xf32>
    %ge3A_262 = arith.cmpf oge, %add3A_259, %ge3A_261 : vector<1x128xf32>
    %mul3A_263 = arith.constant 0.00999999977 : f32
    %mul3A_264 = vector.broadcast %mul3A_263 : f32 to vector<1x128xf32>
    %mul3A_265 = arith.mulf %add3A_259, %mul3A_264 : vector<1x128xf32>
    %select_n3A_266 = arith.select %ge3A_262, %add3A_259, %mul3A_265 : vector<1x128xi1>, vector<1x128xf32>
    %get3A_267 = arith.constant 0 : index
    %get3A_268 = arith.constant 0 : index
    %get3A_269 = vector.load %arg7[%get3A_267, %get3A_268] : memref<128x2xf32, #tpu.memory_space<vmem>>, vector<128x2xf32>
    %dot_general3A_270 = arith.constant dense<0.000000e+00> : vector<1x2xf32>
    %dot_general3A_271 = tpu.matmul %select_n3A_266, %get3A_269, %dot_general3A_270 {dimension_numbers = #tpu.dot_dimension_numbers<[1], [0], [0], [1], [0, 0, 1, 1], [], []>, transpose_lhs_hint = false} : vector<1x128xf32>, vector<128x2xf32>, vector<1x2xf32> -> vector<1x2xf32>
    %get3A_272 = arith.constant 0 : index
    %get3A_273 = arith.constant 0 : index
    %get3A_274 = vector.load %arg8[%get3A_272, %get3A_273] : memref<1x2xf32, #tpu.memory_space<vmem>>, vector<1x2xf32>
    %add3A_275 = arith.addf %dot_general3A_271, %get3A_274 : vector<1x2xf32>
    %logistic3A = arith.negf %add3A_275 : vector<1x2xf32>
    %logistic3A_276 = math.exp %logistic3A : vector<1x2xf32>
    %logistic3A_277 = arith.constant 1.000000e+00 : f32
    %logistic3A_278 = vector.broadcast %logistic3A_277 : f32 to vector<1x2xf32>
    %logistic3A_279 = arith.addf %logistic3A_278, %logistic3A_276 : vector<1x2xf32>
    %logistic3A_280 = arith.divf %logistic3A_278, %logistic3A_279 : vector<1x2xf32>
    %swap3A = arith.constant 0 : index
    %swap3A_281 = arith.constant 0 : index
    %swap3A_282 = vector.load %arg9[%swap3A, %swap3A_281] : memref<1x2xf32, #tpu.memory_space<vmem>>, vector<1x2xf32>
    tpu.vector_store %arg9[%swap3A, %swap3A_281], %logistic3A_280 {strides = array<i32>} : memref<1x2xf32, #tpu.memory_space<vmem>>, vector<1x2xf32>,
    return
  }
}

</mosaic_0001>

<sc_bundles>
// kernel: kernel.10.cloned.1.call-start
scs
__scs_entry_jumppad:
0x0: {  	(pc) =	sbr.rel $0x88, $3  }
0x1: {  	(tag) =	ssettag $0x0;
	lr =	simm.s32 $0x1  }
0x2: {  	[smem:$0x3F8A] =	sst lr;
	_ =	strace $0xD0000000  }
0x3: {  	_ = 	snop  }
0x4: {  	_ = 	snop  }
0x5: {  	_ = 	snop  }
0x6: {  	_ = 	snop  }
0x7: {  	_ = 	snop  }
__scs_overlays_trampoline_lowered:
0x8: {  	[smem:$0x3F99] =	sst s0  }
0x9: {  	[smem:$0x3F9A] =	sst s1  }
0xa: {  	[smem:$0x3F9B] =	sst s2  }
0xb: {  	[smem:$0x3F9C] =	sst s3  }
0xc: {  	[smem:$0x3F9D] =	sst s4  }
0xd: {  	[smem:$0x3F9E] =	sst s5  }
0xe: {  	[smem:$0x3F9F] =	sst s6  }
0xf: {  	[smem:$0x3FA0] =	sst s7  }
0x10: {  	[smem:$0x3FA1] =	sst s8  }
0x11: {  	[smem:$0x3FA2] =	sst s9;
	s0 =	simm.s32 @!p0 $0x0  }
0x12: {  	s1 =	sld [smem:$0x3F88];
	s0 =	simm.s32 @p0 $0x1  }
0x13: {  	[smem:$0x3FA3] =	sst s0;
	s0 =	simm.s32 @!p1 $0x0  }
0x14: {  	s2 =	sld [smem:$0x3F87];
	s0 =	simm.s32 @p1 $0x1  }
0x15: {  	[smem:$0x3FA4] =	sst s0;
	s0 =	simm.s32 @!p2 $0x0  }
0x16: {  	s3 =	sld [smem:$0x3FDB];
	s0 =	simm.s32 @p2 $0x1  }
0x17: {  	s4 =	simm.s32 $0x1BF5;
	[smem:$0x3FA6] =	sst s0  }
0x18: {  	s0 =	sld [smem:$0x3F89];
	_ =	swait.ge [sflag:s4], $0x0  }
0x19: {  	s7 =	sld [smem:$0x3F8A]  }
0x1a: {  	s8 =	sadd.s32 $0xFFFFE003, lr  }
0x1b: {  	s9 =	sadd.s32 $0xFFFFFEF7, lr;
	s5 =	simm.s32 $0xFFFFFFFF;
	p2 =	slt.u32 s8, $0xFFFFF086  }
0x1c: {  	p1 =	slt.u32 s9, $0xF7A;
	s5 =	simm.s32 @!p2 $0x0  }
0x1d: {  	s5 =	simm.s32 @p1 $0x1;
	p0 =	seq.s32 s7, s2  }
0x1e: {  	s7 =	smul.u32 @!p0 $0xF7A, s2;
	p2 =	seq.s32 @!p0 s5, $0x0  }
0x1f: {  	s9 =	smul.u32 $0xF7A, s1;
	s8 =	simm.s32 @!p0 $0x1BF5;
	p2 =	por !p2, p0  }
0x20: {  	[sflag:s8] =	ssyncset.s32 @!p0 $0xFFFFF086;
	s6 =	sadd.s32 @!p0 s3, s7;
	s7 =	simm.s32 @!p0 $0x108  }
0x21: {  	s3 =	sadd.s32 s3, s9;
	s6 =	sadd.s32 @!p0 $0x88, s6;
	s7 =	simm.s32 @p2 $0x1082  }
0x22: {  	[simem:s7], [sflag:s8] =	dma.local @!p0 [hbm:s6], $0xF7A  }
0x23: {  	s9 =	sor.u32 $0xD0000000, s2;
	s6 =	simm.s32 $0x108;
	_ =	swait.ge @!p0 [sflag:s8], $0x0  }
0x24: {  	s3 =	sadd.s32 $0x88, s3;
	s6 =	simm.s32 @!p1 $0x1082;
	[sflag:s4] =	ssyncset.s32 $0xFFFFF086  }
0x25: {  	[simem:s6], [sflag:s4] =	dma.local [hbm:s3], $0xF7A  }
0x26: {  	[smem:$0x3F8A] =	sst s1;
	(tag) =	ssettag s2;
	_ =	strace s9  }
0x27: {  	s1 =	sld [smem:$0x3F9A]  }
0x28: {  	s2 =	sld [smem:$0x3F9B]  }
0x29: {  	s4 =	sld [smem:$0x3F9D]  }
0x2a: {  	p0 =	seq.s32 s5, $0x0;
	s5 =	sld [smem:$0x3F9E]  }
0x2b: {  	s6 =	sld [smem:$0x3F9F]  }
0x2c: {  	s7 =	sld [smem:$0x3FA0]  }
0x2d: {  	s3 =	simm.s32 $0x108;
	s8 =	sld [smem:$0x3FA1]  }
0x2e: {  	s3 =	simm.s32 @!p0 $0x1082;
	s9 =	sld [smem:$0x3FA2]  }
0x2f: {  	lr =	sadd.s32 s0, s3;
	s0 =	sld [smem:$0x3F99]  }
0x30: {  	s3 =	sld [smem:$0x3F9C]  }
0x31: {  	[smem:$0x3FA5] =	sst s10  }
0x32: {  	s10 =	sld [smem:$0x3FA3];
	_ =	sdelay $0x3  }
0x33: {  	p0 =	seq.s32 s10, $0x1;
	s10 =	sld [smem:$0x3FA5];
	_ =	sdelay $0x3  }
0x34: {  	[smem:$0x3FA5] =	sst s10  }
0x35: {  	s10 =	sld [smem:$0x3FA4];
	_ =	sdelay $0x3  }
0x36: {  	p1 =	seq.s32 s10, $0x1;
	s10 =	sld [smem:$0x3FA5];
	_ =	sdelay $0x3  }
0x37: {  	[smem:$0x3FA5] =	sst s10  }
0x38: {  	s10 =	sld [smem:$0x3FA6]  }
0x39: {  	_ = 	snop;
	(pc) =	sbr.ind lr, $3  }
0x3a: {  	_ = 	snop  }
0x3b: {  	_ = 	snop  }
0x3c: {  	p2 =	seq.s32 s10, $0x1;
	s10 =	sld [smem:$0x3FA5]  }
0x3d: {  	_ =	shalt  }
0x3e: {  	_ =	shalt  }
0x3f: {  	_ =	shalt  }
0x40: {  	_ =	shalt  }
0x41: {  	_ =	shalt  }
0x42: {  	_ =	shalt  }
0x43: {  	_ =	shalt  }
0x44: {  	_ =	shalt  }
0x45: {  	_ =	shalt  }
0x46: {  	_ =	shalt  }
0x47: {  	_ =	shalt  }
0x48: {  	_ =	shalt  }
0x49: {  	_ =	shalt  }
0x4a: {  	_ =	shalt  }
0x4b: {  	_ =	shalt  }
0x4c: {  	_ =	shalt  }
0x4d: {  	_ =	shalt  }
0x4e: {  	_ =	shalt  }
0x4f: {  	_ =	shalt  }
0x50: {  	_ =	shalt  }
0x51: {  	_ =	shalt  }
0x52: {  	_ =	shalt  }
0x53: {  	_ =	shalt  }
0x54: {  	_ =	shalt  }
0x55: {  	_ =	shalt  }
0x56: {  	_ =	shalt  }
0x57: {  	_ =	shalt  }
0x58: {  	_ =	shalt  }
0x59: {  	_ =	shalt  }
0x5a: {  	_ =	shalt  }
0x5b: {  	_ =	shalt  }
0x5c: {  	_ =	shalt  }
0x5d: {  	_ =	shalt  }
0x5e: {  	_ =	shalt  }
0x5f: {  	_ =	shalt  }
0x60: {  	_ =	shalt  }
0x61: {  	_ =	shalt  }
0x62: {  	_ =	shalt  }
0x63: {  	_ =	shalt  }
0x64: {  	_ =	shalt  }
0x65: {  	_ =	shalt  }
0x66: {  	_ =	shalt  }
0x67: {  	_ =	shalt  }
0x68: {  	_ =	shalt  }
0x69: {  	_ =	shalt  }
0x6a: {  	_ =	shalt  }
0x6b: {  	_ =	shalt  }
0x6c: {  	_ =	shalt  }
0x6d: {  	_ =	shalt  }
0x6e: {  	_ =	shalt  }
0x6f: {  	_ =	shalt  }
0x70: {  	_ =	shalt  }
0x71: {  	_ =	shalt  }
0x72: {  	_ =	shalt  }
0x73: {  	_ =	shalt  }
0x74: {  	_ =	shalt  }
0x75: {  	_ =	shalt  }
0x76: {  	_ =	shalt  }
0x77: {  	_ =	shalt  }
0x78: {  	_ =	shalt  }
0x79: {  	_ =	shalt  }
0x7a: {  	_ =	shalt  }
0x7b: {  	_ =	shalt  }
0x7c: {  	_ =	shalt  }
0x7d: {  	_ =	shalt  }
0x7e: {  	_ =	shalt  }
0x7f: {  	_ =	shalt  }
0x80: {  	_ =	shalt  }
0x81: {  	_ =	shalt  }
0x82: {  	_ =	shalt  }
0x83: {  	_ =	shalt  }
0x84: {  	_ =	shalt  }
0x85: {  	_ =	shalt  }
0x86: {  	_ =	shalt  }
0x87: {  	_ =	shalt  }
.Lfunc_end0:
.L_simem_size_0:
called_computation_lowered:
.L_overlay_start_0:
0x88: {  	s2 =	sld [smem:$0x3FD9]  }
0x89: {  	s3 =	sld [smem:$0x3FFE];
	_ =	sdelay $0x1  }
0x8a: {  	s1 =	srdreg.scid  }
0x8b: {  	s0 =	sand.u32 $0x1, s1  }
0x8c: {  	s16 =	sshll.u32 s0, $0xA;
	s2 =	sadd.s32 s3, s2  }
0x8d: {  	s2 =	sadd.s32 s2, s16  }
0x8e: {  	[smem:$0x3FB1] =	sst s2  }
0x8f: {  	_ = 	snop  }
0x90: {  	(tm) =	ssettm $0x1  }
0x91: {  	s17 =	sld [smem:$0x3FFB];
	_ =	sdelay $0x3  }
0x92: {  	_ =	strace s17  }
0x93: {  	s2 =	sld [smem:$0x3FFC];
	_ =	sdelay $0x3  }
0x94: {  	_ =	strace s2  }
0x95: {  	s2 =	sld [smem:$0x3FFD];
	_ =	sdelay $0x3  }
0x96: {  	_ =	strace s2  }
0x97: {  	_ =	strace $0x8FFFFFFF  }
0x98: {  	s18 =	sld [smem:$0x3FDB];
	_ =	sdelay $0x1  }
0x99: {  	s19 =	simm.s32 $_scs_section_size  }
0x9a: {  	s4 =	simm.s32 $_size__tile_overlayer_lowered;
	s5 =	simm.s32 $_tile_overlayer_lowered  }
0x9b: {  	s22 =	simm.s32 $0x1BFF;
	s21 =	sshll.u32 s5, $0x1;
	s2 =	sadd.s32 s19, s18  }
0x9c: {  	s6 =	simm.s32 $0x0;
	s20 =	sshll.u32 s4, $0x1;
	s4 =	sadd.s32 s21, s2  }
0x9d: {  	[timem:s6], [sflag:s22] =	dma.local [hbm:s4], s20  }
0x9e: {  	_ =	swait.ge [sflag:s22], s20  }
0x9f: {  	s3 =	ssub.s32 $0x0, s20;
	[sflag:s22] =	ssyncset.done $0x0  }
0xa0: {  	[sflag:s22] =	ssyncadd.s32 s3;
	_ =	sdelay $0x1  }
0xa1: {  	s23 =	simm.s32 $0x1B8B  }
0xa2: {  	_ =	swait.ge [sflag:s23], $0x1  }
0xa3: {  	[sflag:s23] =	ssyncset.done $0x0  }
0xa4: {  	s25 =	simm.s32 $0x1B8E;
	s24 =	sld [smem:$0x3FFE];
	[sflag:s23] =	ssyncadd.s32 $0xFFFFFFFF  }
0xa5: {  	s26 =	simm.s32 $execute0_lowered;
	[smem:$0x3FD2] =	sst s25  }
0xa6: {  	s4 =	sshll.u32 s26, $0x1;
	_ =	strace $0x80000046;
	[dreg:$0x1] =	wrdreg $0xFFFFFFFF  }
0xa7: {  	s28 =	simm.s32 $_size_execute0_lowered;
	s2 =	sadd.s32 s2, s4;
	[dreg:$0x0] =	wrdreg $0x0  }
0xa8: {  	s4 =	sshll.u32 s28, $0x1;
	[dreg:$0x2] =	wrdreg s2  }
0xa9: {  	[dreg:$0x3] =	wrdreg s4  }
0xaa: {  	[dreg:$0x4] =	wrdreg $0xC0  }
0xab: {  	_ =	task [dreg:s6], $0x5FFFF  }
0xac: {  	[dreg:$0x1] =	wrdreg $0xFFFFFFFF  }
0xad: {  	[dreg:$0x0] =	wrdreg $0x60  }
0xae: {  	[dreg:$0x2] =	wrdreg s24  }
0xaf: {  	[dreg:$0x3] =	wrdreg $0x124000  }
0xb0: {  	[dreg:$0x4] =	wrdreg $0x84000  }
0xb1: {  	[dreg:$0x5] =	wrdreg $0x9  }
0xb2: {  	_ =	task.clear_ibuf [dreg:s6], $0x6FFFF;
	_ =	strace $0x90000046  }
0xb3: {  	s29 =	simm.s32 $0x9;
	_ =	strace $0x80000048  }
0xb4: {  	_ =	swait.ge [sflag:s29], $0x1  }
0xb5: {  	[sflag:s29] =	ssyncadd.s32 $0xFFFFFFFF  }
0xb6: {  	_ =	strace $0x90000048  }
0xb7: {  	_ =	sfence  }
0xb8: {  	s30 =	sld [smem:$0x0];
	_ =	sdelay $0x2  }
0xb9: {  	s31 =	sshll.u32 s1, $0xD;
	s1 =	sshrl.u32 s1, $0x2  }
0xba: {  	s3 =	sand.u32 $0x4000, s31;
	s1 =	sadd.s32 s1, s30  }
0xbb: {  	s0 =	sor.u32 s3, s0;
	s1 =	sshll.u32 s1, $0x11  }
0xbc: {  	s0 =	sor.u32 s1, s0  }
0xbd: {  	s0 =	sadd.s32 $0x8F2B, s0  }
0xbe: {  	[sflag:s0] =	ssyncadd.remote.s32 $0x1  }
0xbf: {  	_ =	sfence.sel $0xFFFF  }
0xc0: {  	[dreg:$0x0] =	wrdreg $0xFFFFFFFF;
	(pc) =	sbr.abs _section_cstart, $3  }
0xc1: {  	[dreg:$0x1] =	wrdreg $0xFFFFFFFF  }
0xc2: {  	_ =	task.clear_ibuf [dreg:s6], $0x2FFFF;
	_ =	strace $0x9FFFFFFF  }
0xc3: {  	(tm) =	ssettm $0x7FFFFFFF  }
tec
execute0_lowered:
.L_overlay_start_1:
0x0: {  	(tag) =	ssettag $0x1  }
0x1: {  	s6 =	rddreg [dreg:$0x0]  }
0x2: {  	s1 =	srdreg.scid;
	s2 =	rddreg [dreg:$0x1]  }
0x3: {  	s0 =	stileid.u32;
	s3 =	rddreg [dreg:$0x2];
	s4 =	simm.s32 $0x0  }
0x4: {  	s18 =	simm.s32 $0x1;
	s19 =	simm.s32 $0x200;
	s20 =	simm.s32 $0x0  }
0x5: {  	s7 =	sand.u32 $0x1, s1;
	s5 =	smul.u32 $0x5000, s0;
	s1 =	rddreg [dreg:$0x3]  }
0x6: {  	[smem:$0x7FF] =	sst s4;
	s9 =	sadd.s32 $0x2600, s6;
	s11 =	smul.u32 $0xA000, s0  }
0x7: {  	s13 =	sadd.s32 $0x2BA00, s6;
	s8 =	smul.u32 $0x2800, s7;
	s28 =	ssub.s32 $0x2, s7  }
0x8: {  	_ =	strace $0x80000047;
	s15 =	smul.u32 $0xA0000, s7;
	s29 =	sshrl.u32 s28, $0x1  }
0x9: {  	s30 =	sshrl.u32 s11, $0x3;
	s12 =	sadd.s32 $0x5000, s11;
	s7 =	sadd.s32 s11, s2  }
0xa: {  	s5 =	sadd.s32 s8, s5;
	s14 =	ssub.s32 s28, s29;
	s10 =	sshrl.u32 s12, $0x3  }
0xb: {  	s8 =	sadd.s32 s11, s3;
	s17 =	sadd.s32 s11, s15;
	s15 =	sadd.s32 s15, s12  }
0xc: {  	s11 =	sadd.s32 s12, s3;
	s5 =	sshrl.u32 s5, $0x3;
	s31 =	sshrl.u32 s17, $0x3  }
0xd: {  	s15 =	sshrl.u32 s15, $0x3;
	s14 =	smax.u32 s14, $0x1;
	s17 =	simm.s32 $0x400  }
0xe: {  	s16 =	sadd.s32 s5, s6;
	s5 =	sadd.s32 $0x2A600, s6;
	s6 =	sadd.s32 s9, s30  }
0xf: {  	s9 =	sadd.s32 s9, s10;
	s10 =	sadd.s32 s12, s2;
	s12 =	sadd.s32 s13, s31  }
0x10: {  	s13 =	sadd.s32 s13, s15;
	s15 =	sadd.s32 $0x20600, s16;
	s16 =	sadd.s32 $0x16600, s16  }
.LBB2_1:
0x11: {  	[tilespmem:s17], [sflag:$0x1] =	stream.linear.gather [hbm4b:s6+s4], $0x5000, $0x38;
	[tilespmem:$0x1C400] =	vst v63  }
0x12: {  	_ =	swait.ge [sflag:s18], $0x5000  }
0x13: {  	[sflag:s18] =	ssyncset.done $0x0  }
0x14: {  	[sflag:s18] =	ssyncadd.s32 $0xFFFFB000  }
0x15: {  	[spmem:s7] =	stream.linear.scatter [tilespmem:s17], [sflag:$0x1], $0x5000, $0x38;
	[tilespmem:$0x1C400] =	vst v63  }
0x16: {  	_ =	swait.ge [sflag:s18], $0x5000  }
0x17: {  	[sflag:s18] =	ssyncset.done $0x0  }
0x18: {  	[sflag:s18] =	ssyncadd.s32 $0xFFFFB000  }
0x19: {  	[tilespmem:s17], [sflag:$0x1] =	stream.linear.gather [hbm4b:s5+s4], $0x5000, $0x38;
	[tilespmem:$0x1C400] =	vst v63  }
0x1a: {  	_ =	swait.ge [sflag:s18], $0x5000  }
0x1b: {  	[sflag:s18] =	ssyncset.done $0x0  }
0x1c: {  	[sflag:s18] =	ssyncadd.s32 $0xFFFFB000  }
0x1d: {  	[spmem:s8] =	stream.linear.scatter [tilespmem:s17], [sflag:$0x1], $0x5000, $0x38;
	[tilespmem:$0x1C400] =	vst v63  }
0x1e: {  	_ =	swait.ge [sflag:s18], $0x5000  }
0x1f: {  	[sflag:s18] =	ssyncset.done $0x0  }
0x20: {  	[sflag:s18] =	ssyncadd.s32 $0xFFFFB000  }
0x21: {  	[tilespmem:s17], [sflag:$0x1] =	stream.linear.gather [hbm4b:s9+s4], $0x5000, $0x38;
	[tilespmem:$0x1C400] =	vst v63  }
0x22: {  	_ =	swait.ge [sflag:s18], $0x5000  }
0x23: {  	[sflag:s18] =	ssyncset.done $0x0  }
0x24: {  	[sflag:s18] =	ssyncadd.s32 $0xFFFFB000  }
0x25: {  	[spmem:s10] =	stream.linear.scatter [tilespmem:s17], [sflag:$0x1], $0x5000, $0x38;
	[tilespmem:$0x1C400] =	vst v63  }
0x26: {  	_ =	swait.ge [sflag:s18], $0x5000  }
0x27: {  	[sflag:s18] =	ssyncset.done $0x0  }
0x28: {  	[sflag:s18] =	ssyncadd.s32 $0xFFFFB000  }
0x29: {  	[tilespmem:s17], [sflag:$0x1] =	stream.linear.gather [hbm4b:s5+s4], $0x5000, $0x38;
	[tilespmem:$0x1C400] =	vst v63  }
0x2a: {  	_ =	swait.ge [sflag:s18], $0x5000  }
0x2b: {  	[sflag:s18] =	ssyncset.done $0x0  }
0x2c: {  	[sflag:s18] =	ssyncadd.s32 $0xFFFFB000  }
0x2d: {  	[spmem:s11] =	stream.linear.scatter [tilespmem:s17], [sflag:$0x1], $0x5000, $0x38;
	[tilespmem:$0x1C400] =	vst v63  }
0x2e: {  	_ =	swait.ge [sflag:s18], $0x5000  }
0x2f: {  	[sflag:s18] =	ssyncset.done $0x0  }
0x30: {  	[sflag:s18] =	ssyncadd.s32 $0xFFFFB000  }
0x31: {  	s21 =	sadd.s32 $0x0, s16;
	[bflag:$0x0] =	sbarrier.arrive $0xFFFF  }
0x32: {  	[tilespmem:s4], [sflag:$0x1] =	stream.linear.gather [hbm4b:s21+s4], $0x200, $0x38;
	[tilespmem:$0x1C400] =	vst v63  }
0x33: {  	_ =	swait.ge [sflag:s18], $0x200  }
0x34: {  	[sflag:s18] =	ssyncset.done $0x0  }
0x35: {  	s31 =	sadd.s32 $0x0, s15;
	[sflag:s18] =	ssyncadd.s32 $0xFFFFFE00  }
0x36: {  	[tilespmem:s19], [sflag:$0x1] =	stream.linear.gather [hbm4b:s31+s4], $0x200, $0x38;
	[tilespmem:$0x1C400] =	vst v63  }
0x37: {  	_ =	swait.ge [sflag:s18], $0x200  }
0x38: {  	[sflag:s18] =	ssyncset.done $0x0  }
0x39: {  	[sflag:s18] =	ssyncadd.s32 $0xFFFFFE00  }
0x3a: {  	[tilespmem:s17], [sflag:$0x1] =	stream.indirect.gather [spmem:s2], $0x40, s4, s19, $0xb8;
	[tilespmem:$0x1C400] =	vst v63  }
0x3b: {  	_ =	swait.ge [sflag:s18], $0x8000  }
0x3c: {  	[sflag:s18] =	ssyncset.done $0x0  }
0x3d: {  	[sflag:s18] =	ssyncadd.s32 $0xFFFF8000  }
0x3e: {  	[spmem:s3] =	stream.indirect.scatter.add.f32 [tilespmem:s17], [sflag:$0x1], $0x40, s19, s19, $0xb8;
	[tilespmem:$0x1C400] =	vst v63  }
0x3f: {  	_ =	swait.ge [sflag:s18], $0x8000  }
0x40: {  	s22 =	simm.s32 $0x80;
	s21 =	simm.s32 $0x40;
	[sflag:s18] =	ssyncset.done $0x0  }
.LBB2_2:
0x41: {  	s23 =	sadd.s32 s21, s16  }
0x42: {  	[sflag:s18] =	ssyncadd.s32 $0xFFFF8000;
	s24 =	smov.u32 s22;
	s25 =	sadd.s32 $0x40, s22  }
0x43: {  	[tilespmem:s4], [sflag:$0x1] =	stream.linear.gather [hbm4b:s23+s4], $0x200, $0x38;
	[tilespmem:$0x1C400] =	vst v63  }
0x44: {  	p0 =	sne.s32 s22, $0x4C0;
	_ =	swait.ge [sflag:s18], $0x200  }
0x45: {  	[sflag:s18] =	ssyncset.done $0x0  }
0x46: {  	s22 =	sadd.s32 s21, s15;
	s21 =	smov.u32 s24;
	[sflag:s18] =	ssyncadd.s32 $0xFFFFFE00  }
0x47: {  	[tilespmem:s19], [sflag:$0x1] =	stream.linear.gather [hbm4b:s22+s4], $0x200, $0x38;
	[tilespmem:$0x1C400] =	vst v63  }
0x48: {  	_ =	swait.ge [sflag:s18], $0x200  }
0x49: {  	[sflag:s18] =	ssyncset.done $0x0  }
0x4a: {  	[sflag:s18] =	ssyncadd.s32 $0xFFFFFE00  }
0x4b: {  	[tilespmem:s17], [sflag:$0x1] =	stream.indirect.gather [spmem:s2], $0x40, s4, s19, $0xb8;
	[tilespmem:$0x1C400] =	vst v63  }
0x4c: {  	_ =	swait.ge [sflag:s18], $0x8000  }
.Ltmp0:
0x4d: {  	[sflag:s18] =	ssyncset.done $0x0;
	(pc) =	sbr.rel @p0 .LBB2_2-.Ltmp0, $4  }
0x4e: {  	[sflag:s18] =	ssyncadd.s32 $0xFFFF8000  }
0x4f: {  	[spmem:s3] =	stream.indirect.scatter.add.f32 [tilespmem:s17], [sflag:$0x1], $0x40, s19, s19, $0xb8;
	[tilespmem:$0x1C400] =	vst v63  }
0x50: {  	_ =	swait.ge [sflag:s18], $0x8000  }
0x51: {  	s22 =	smov.u32 s25;
	[sflag:s18] =	ssyncset.done $0x0  }
0x52: {  	s22 =	sadd.s32 s21, s16;
	[sflag:s18] =	ssyncadd.s32 $0xFFFF8000  }
0x53: {  	[tilespmem:s4], [sflag:$0x1] =	stream.linear.gather [hbm4b:s22+s4], $0x200, $0x38;
	[tilespmem:$0x1C400] =	vst v63  }
0x54: {  	_ =	swait.ge [sflag:s18], $0x200  }
0x55: {  	[sflag:s18] =	ssyncset.done $0x0  }
0x56: {  	s31 =	sadd.s32 s21, s15;
	[sflag:s18] =	ssyncadd.s32 $0xFFFFFE00  }
0x57: {  	[tilespmem:s19], [sflag:$0x1] =	stream.linear.gather [hbm4b:s31+s4], $0x200, $0x38;
	[tilespmem:$0x1C400] =	vst v63  }
0x58: {  	_ =	swait.ge [sflag:s18], $0x200  }
0x59: {  	[sflag:s18] =	ssyncset.done $0x0  }
0x5a: {  	[sflag:s18] =	ssyncadd.s32 $0xFFFFFE00  }
0x5b: {  	[tilespmem:s17], [sflag:$0x1] =	stream.indirect.gather [spmem:s2], $0x40, s4, s19, $0xb8;
	[tilespmem:$0x1C400] =	vst v63  }
0x5c: {  	_ =	swait.ge [sflag:s18], $0x8000  }
0x5d: {  	[sflag:s18] =	ssyncset.done $0x0  }
0x5e: {  	[sflag:s18] =	ssyncadd.s32 $0xFFFF8000  }
0x5f: {  	[spmem:s3] =	stream.indirect.scatter.add.f32 [tilespmem:s17], [sflag:$0x1], $0x40, s19, s19, $0xb8;
	[tilespmem:$0x1C400] =	vst v63  }
0x60: {  	_ =	swait.ge [sflag:s18], $0x8000  }
0x61: {  	[sflag:s18] =	ssyncset.done $0x0  }
0x62: {  	[sflag:s18] =	ssyncadd.s32 $0xFFFF8000  }
0x63: {  	[bflag:$0x0] =	sbarrier.arrive $0xFFFF  }
0x64: {  	[tilespmem:s17], [sflag:$0x1] =	stream.linear.gather [spmem:s8], $0x5000, $0x38;
	[tilespmem:$0x1C400] =	vst v63  }
0x65: {  	_ =	swait.ge [sflag:s18], $0x5000  }
0x66: {  	[sflag:s18] =	ssyncset.done $0x0  }
0x67: {  	[sflag:s18] =	ssyncadd.s32 $0xFFFFB000  }
0x68: {  	[hbm4b:s12+s4] =	stream.linear.scatter [tilespmem:s17], [sflag:$0x1], $0x5000, $0x38;
	[tilespmem:$0x1C400] =	vst v63  }
0x69: {  	_ =	swait.ge [sflag:s18], $0x5000  }
0x6a: {  	[sflag:s18] =	ssyncset.done $0x0  }
0x6b: {  	[sflag:s18] =	ssyncadd.s32 $0xFFFFB000  }
0x6c: {  	[tilespmem:s17], [sflag:$0x1] =	stream.linear.gather [spmem:s11], $0x5000, $0x38;
	[tilespmem:$0x1C400] =	vst v63  }
0x6d: {  	s20 =	sadd.s32 $0x1, s20;
	_ =	swait.ge [sflag:s18], $0x5000  }
0x6e: {  	p0 =	sne.s32 s20, s14;
	[sflag:s18] =	ssyncset.done $0x0  }
.Ltmp1:
0x6f: {  	[sflag:s18] =	ssyncadd.s32 $0xFFFFB000;
	(pc) =	sbr.rel @p0 .LBB2_1-.Ltmp1, $4  }
0x70: {  	[hbm4b:s13+s4] =	stream.linear.scatter [tilespmem:s17], [sflag:$0x1], $0x5000, $0x38;
	[tilespmem:$0x1C400] =	vst v63  }
0x71: {  	_ =	swait.ge [sflag:s18], $0x5000  }
0x72: {  	[sflag:s18] =	ssyncset.done $0x0  }
0x73: {  	[sflag:s18] =	ssyncadd.s32 $0xFFFFB000  }
0x74: {  	_ =	sfence.sel $0x180000  }
0x75: {  	[bflag:$0x0] =	sbarrier.arrive $0xFFFF  }
0x76: {  	p0 =	sne.s32 s0, $0x0;
	_ =	strace $0x90000047  }
0x77: {  	s0 =	sadd.s32 @!p0 $0x100000, s1;
	[bflag:$0x2] =	sbarrier.arrive $0xFFFF  }
0x78: {  	[sflag:s0] =	ssyncadd.tile.s32 @!p0 $0x1;
	_ =	shalt  }
.Lfunc_end2:
_tile_overlayer_lowered:
.L_overlay_start_2:
0x79: {  	(tag) =	ssettag $0x2  }
0x7a: {  	s0 =	rddreg [dreg:$0x0];
	s2 =	stileid.u32  }
0x7b: {  	s1 =	rddreg [dreg:$0x1];
	p0 =	sne.s32 s2, $0x0  }
0x7c: {  	s3 =	rddreg [dreg:$0x2];
	[bflag:$0x3] =	sbarrier.arrive $0xFFFF;
	s2 =	simm.s32 @!p0 $0x1C01  }
0x7d: {  	[timem:s3], [sflag:s2] =	dma.local @!p0 [hbm:s0], s1  }
0x7e: {  	s0 =	simm.s32 @!p0 $0x1  }
0x7f: {  	_ =	swait.ge @!p0 [sflag:s0], s1  }
0x80: {  	s1 =	ssub.s32 @!p0 $0x0, s1;
	[sflag:s0] =	ssyncset.done @!p0 $0x0  }
0x81: {  	[sflag:s0] =	ssyncadd.s32 @!p0 s1  }
0x82: {  	[bflag:$0x3] =	sbarrier.arrive $0xFFFF  }
0x83: {  	_ =	shalt  }

// kernel: kernel.13.cloned.1.call-start
scs
__scs_entry_jumppad:
0x0: {  	(pc) =	sbr.rel $0x88, $3  }
0x1: {  	(tag) =	ssettag $0x0;
	lr =	simm.s32 $0x1  }
0x2: {  	[smem:$0x3F8A] =	sst lr;
	_ =	strace $0xD0000000  }
0x3: {  	_ = 	snop  }
0x4: {  	_ = 	snop  }
0x5: {  	_ = 	snop  }
0x6: {  	_ = 	snop  }
0x7: {  	_ = 	snop  }
__scs_overlays_trampoline_lowered:
0x8: {  	[smem:$0x3F99] =	sst s0  }
0x9: {  	[smem:$0x3F9A] =	sst s1  }
0xa: {  	[smem:$0x3F9B] =	sst s2  }
0xb: {  	[smem:$0x3F9C] =	sst s3  }
0xc: {  	[smem:$0x3F9D] =	sst s4  }
0xd: {  	[smem:$0x3F9E] =	sst s5  }
0xe: {  	[smem:$0x3F9F] =	sst s6  }
0xf: {  	[smem:$0x3FA0] =	sst s7  }
0x10: {  	[smem:$0x3FA1] =	sst s8  }
0x11: {  	[smem:$0x3FA2] =	sst s9;
	s0 =	simm.s32 @!p0 $0x0  }
0x12: {  	s1 =	sld [smem:$0x3F88];
	s0 =	simm.s32 @p0 $0x1  }
0x13: {  	[smem:$0x3FA3] =	sst s0;
	s0 =	simm.s32 @!p1 $0x0  }
0x14: {  	s2 =	sld [smem:$0x3F87];
	s0 =	simm.s32 @p1 $0x1  }
0x15: {  	[smem:$0x3FA4] =	sst s0;
	s0 =	simm.s32 @!p2 $0x0  }
0x16: {  	s3 =	sld [smem:$0x3FDB];
	s0 =	simm.s32 @p2 $0x1  }
0x17: {  	s4 =	simm.s32 $0x1BF5;
	[smem:$0x3FA6] =	sst s0  }
0x18: {  	s0 =	sld [smem:$0x3F89];
	_ =	swait.ge [sflag:s4], $0x0  }
0x19: {  	s7 =	sld [smem:$0x3F8A]  }
0x1a: {  	s8 =	sadd.s32 $0xFFFFE003, lr  }
0x1b: {  	s9 =	sadd.s32 $0xFFFFFEF7, lr;
	s5 =	simm.s32 $0xFFFFFFFF;
	p2 =	slt.u32 s8, $0xFFFFF086  }
0x1c: {  	p1 =	slt.u32 s9, $0xF7A;
	s5 =	simm.s32 @!p2 $0x0  }
0x1d: {  	s5 =	simm.s32 @p1 $0x1;
	p0 =	seq.s32 s7, s2  }
0x1e: {  	s7 =	smul.u32 @!p0 $0xF7A, s2;
	p2 =	seq.s32 @!p0 s5, $0x0  }
0x1f: {  	s9 =	smul.u32 $0xF7A, s1;
	s8 =	simm.s32 @!p0 $0x1BF5;
	p2 =	por !p2, p0  }
0x20: {  	[sflag:s8] =	ssyncset.s32 @!p0 $0xFFFFF086;
	s6 =	sadd.s32 @!p0 s3, s7;
	s7 =	simm.s32 @!p0 $0x108  }
0x21: {  	s3 =	sadd.s32 s3, s9;
	s6 =	sadd.s32 @!p0 $0x88, s6;
	s7 =	simm.s32 @p2 $0x1082  }
0x22: {  	[simem:s7], [sflag:s8] =	dma.local @!p0 [hbm:s6], $0xF7A  }
0x23: {  	s9 =	sor.u32 $0xD0000000, s2;
	s6 =	simm.s32 $0x108;
	_ =	swait.ge @!p0 [sflag:s8], $0x0  }
0x24: {  	s3 =	sadd.s32 $0x88, s3;
	s6 =	simm.s32 @!p1 $0x1082;
	[sflag:s4] =	ssyncset.s32 $0xFFFFF086  }
0x25: {  	[simem:s6], [sflag:s4] =	dma.local [hbm:s3], $0xF7A  }
0x26: {  	[smem:$0x3F8A] =	sst s1;
	(tag) =	ssettag s2;
	_ =	strace s9  }
0x27: {  	s1 =	sld [smem:$0x3F9A]  }
0x28: {  	s2 =	sld [smem:$0x3F9B]  }
0x29: {  	s4 =	sld [smem:$0x3F9D]  }
0x2a: {  	p0 =	seq.s32 s5, $0x0;
	s5 =	sld [smem:$0x3F9E]  }
0x2b: {  	s6 =	sld [smem:$0x3F9F]  }
0x2c: {  	s7 =	sld [smem:$0x3FA0]  }
0x2d: {  	s3 =	simm.s32 $0x108;
	s8 =	sld [smem:$0x3FA1]  }
0x2e: {  	s3 =	simm.s32 @!p0 $0x1082;
	s9 =	sld [smem:$0x3FA2]  }
0x2f: {  	lr =	sadd.s32 s0, s3;
	s0 =	sld [smem:$0x3F99]  }
0x30: {  	s3 =	sld [smem:$0x3F9C]  }
0x31: {  	[smem:$0x3FA5] =	sst s10  }
0x32: {  	s10 =	sld [smem:$0x3FA3];
	_ =	sdelay $0x3  }
0x33: {  	p0 =	seq.s32 s10, $0x1;
	s10 =	sld [smem:$0x3FA5];
	_ =	sdelay $0x3  }
0x34: {  	[smem:$0x3FA5] =	sst s10  }
0x35: {  	s10 =	sld [smem:$0x3FA4];
	_ =	sdelay $0x3  }
0x36: {  	p1 =	seq.s32 s10, $0x1;
	s10 =	sld [smem:$0x3FA5];
	_ =	sdelay $0x3  }
0x37: {  	[smem:$0x3FA5] =	sst s10  }
0x38: {  	s10 =	sld [smem:$0x3FA6]  }
0x39: {  	_ = 	snop;
	(pc) =	sbr.ind lr, $3  }
0x3a: {  	_ = 	snop  }
0x3b: {  	_ = 	snop  }
0x3c: {  	p2 =	seq.s32 s10, $0x1;
	s10 =	sld [smem:$0x3FA5]  }
0x3d: {  	_ =	shalt  }
0x3e: {  	_ =	shalt  }
0x3f: {  	_ =	shalt  }
0x40: {  	_ =	shalt  }
0x41: {  	_ =	shalt  }
0x42: {  	_ =	shalt  }
0x43: {  	_ =	shalt  }
0x44: {  	_ =	shalt  }
0x45: {  	_ =	shalt  }
0x46: {  	_ =	shalt  }
0x47: {  	_ =	shalt  }
0x48: {  	_ =	shalt  }
0x49: {  	_ =	shalt  }
0x4a: {  	_ =	shalt  }
0x4b: {  	_ =	shalt  }
0x4c: {  	_ =	shalt  }
0x4d: {  	_ =	shalt  }
0x4e: {  	_ =	shalt  }
0x4f: {  	_ =	shalt  }
0x50: {  	_ =	shalt  }
0x51: {  	_ =	shalt  }
0x52: {  	_ =	shalt  }
0x53: {  	_ =	shalt  }
0x54: {  	_ =	shalt  }
0x55: {  	_ =	shalt  }
0x56: {  	_ =	shalt  }
0x57: {  	_ =	shalt  }
0x58: {  	_ =	shalt  }
0x59: {  	_ =	shalt  }
0x5a: {  	_ =	shalt  }
0x5b: {  	_ =	shalt  }
0x5c: {  	_ =	shalt  }
0x5d: {  	_ =	shalt  }
0x5e: {  	_ =	shalt  }
0x5f: {  	_ =	shalt  }
0x60: {  	_ =	shalt  }
0x61: {  	_ =	shalt  }
0x62: {  	_ =	shalt  }
0x63: {  	_ =	shalt  }
0x64: {  	_ =	shalt  }
0x65: {  	_ =	shalt  }
0x66: {  	_ =	shalt  }
0x67: {  	_ =	shalt  }
0x68: {  	_ =	shalt  }
0x69: {  	_ =	shalt  }
0x6a: {  	_ =	shalt  }
0x6b: {  	_ =	shalt  }
0x6c: {  	_ =	shalt  }
0x6d: {  	_ =	shalt  }
0x6e: {  	_ =	shalt  }
0x6f: {  	_ =	shalt  }
0x70: {  	_ =	shalt  }
0x71: {  	_ =	shalt  }
0x72: {  	_ =	shalt  }
0x73: {  	_ =	shalt  }
0x74: {  	_ =	shalt  }
0x75: {  	_ =	shalt  }
0x76: {  	_ =	shalt  }
0x77: {  	_ =	shalt  }
0x78: {  	_ =	shalt  }
0x79: {  	_ =	shalt  }
0x7a: {  	_ =	shalt  }
0x7b: {  	_ =	shalt  }
0x7c: {  	_ =	shalt  }
0x7d: {  	_ =	shalt  }
0x7e: {  	_ =	shalt  }
0x7f: {  	_ =	shalt  }
0x80: {  	_ =	shalt  }
0x81: {  	_ =	shalt  }
0x82: {  	_ =	shalt  }
0x83: {  	_ =	shalt  }
0x84: {  	_ =	shalt  }
0x85: {  	_ =	shalt  }
0x86: {  	_ =	shalt  }
0x87: {  	_ =	shalt  }
.Lfunc_end0:
.L_simem_size_0:
called_computation.1_lowered:
.L_overlay_start_0:
0x88: {  	s2 =	sld [smem:$0x3FD9]  }
0x89: {  	s3 =	sld [smem:$0x3FFE];
	_ =	sdelay $0x1  }
0x8a: {  	s1 =	srdreg.scid  }
0x8b: {  	s0 =	sand.u32 $0x1, s1  }
0x8c: {  	s16 =	sshll.u32 s0, $0xA;
	s2 =	sadd.s32 s3, s2  }
0x8d: {  	s2 =	sadd.s32 s2, s16  }
0x8e: {  	[smem:$0x3FB1] =	sst s2  }
0x8f: {  	_ = 	snop  }
0x90: {  	(tm) =	ssettm $0x1  }
0x91: {  	s17 =	sld [smem:$0x3FFB];
	_ =	sdelay $0x3  }
0x92: {  	_ =	strace s17  }
0x93: {  	s2 =	sld [smem:$0x3FFC];
	_ =	sdelay $0x3  }
0x94: {  	_ =	strace s2  }
0x95: {  	s2 =	sld [smem:$0x3FFD];
	_ =	sdelay $0x3  }
0x96: {  	_ =	strace s2  }
0x97: {  	_ =	strace $0x8FFFFFFF  }
0x98: {  	s18 =	sld [smem:$0x3FDB];
	_ =	sdelay $0x1  }
0x99: {  	s19 =	simm.s32 $_scs_section_size  }
0x9a: {  	s4 =	simm.s32 $_size__tile_overlayer_lowered;
	s5 =	simm.s32 $_tile_overlayer_lowered  }
0x9b: {  	s22 =	simm.s32 $0x1BFF;
	s21 =	sshll.u32 s5, $0x1;
	s2 =	sadd.s32 s19, s18  }
0x9c: {  	s6 =	simm.s32 $0x0;
	s20 =	sshll.u32 s4, $0x1;
	s4 =	sadd.s32 s21, s2  }
0x9d: {  	[timem:s6], [sflag:s22] =	dma.local [hbm:s4], s20  }
0x9e: {  	_ =	swait.ge [sflag:s22], s20  }
0x9f: {  	s3 =	ssub.s32 $0x0, s20;
	[sflag:s22] =	ssyncset.done $0x0  }
0xa0: {  	[sflag:s22] =	ssyncadd.s32 s3;
	_ =	sdelay $0x1  }
0xa1: {  	s23 =	simm.s32 $0x1B8B  }
0xa2: {  	_ =	swait.ge [sflag:s23], $0x1  }
0xa3: {  	[sflag:s23] =	ssyncset.done $0x0  }
0xa4: {  	s25 =	simm.s32 $0x1B8E;
	s24 =	sld [smem:$0x3FFE];
	[sflag:s23] =	ssyncadd.s32 $0xFFFFFFFF  }
0xa5: {  	s26 =	simm.s32 $execute0_lowered;
	[smem:$0x3FD2] =	sst s25  }
0xa6: {  	s4 =	sshll.u32 s26, $0x1;
	_ =	strace $0x80000049;
	[dreg:$0x1] =	wrdreg $0xFFFFFFFF  }
0xa7: {  	s28 =	simm.s32 $_size_execute0_lowered;
	s2 =	sadd.s32 s2, s4;
	[dreg:$0x0] =	wrdreg $0x0  }
0xa8: {  	s4 =	sshll.u32 s28, $0x1;
	[dreg:$0x2] =	wrdreg s2  }
0xa9: {  	[dreg:$0x3] =	wrdreg s4  }
0xaa: {  	[dreg:$0x4] =	wrdreg $0xC0  }
0xab: {  	_ =	task [dreg:s6], $0x5FFFF  }
0xac: {  	[dreg:$0x1] =	wrdreg $0xFFFFFFFF  }
0xad: {  	[dreg:$0x0] =	wrdreg $0x60  }
0xae: {  	[dreg:$0x2] =	wrdreg s24  }
0xaf: {  	[dreg:$0x3] =	wrdreg $0x124000  }
0xb0: {  	[dreg:$0x4] =	wrdreg $0x84000  }
0xb1: {  	[dreg:$0x5] =	wrdreg $0x9  }
0xb2: {  	_ =	task.clear_ibuf [dreg:s6], $0x6FFFF;
	_ =	strace $0x90000049  }
0xb3: {  	s29 =	simm.s32 $0x9;
	_ =	strace $0x8000004B  }
0xb4: {  	_ =	swait.ge [sflag:s29], $0x1  }
0xb5: {  	[sflag:s29] =	ssyncadd.s32 $0xFFFFFFFF  }
0xb6: {  	_ =	strace $0x9000004B  }
0xb7: {  	_ =	sfence  }
0xb8: {  	s30 =	sld [smem:$0x0];
	_ =	sdelay $0x2  }
0xb9: {  	s31 =	sshll.u32 s1, $0xD;
	s1 =	sshrl.u32 s1, $0x2  }
0xba: {  	s3 =	sand.u32 $0x4000, s31;
	s1 =	sadd.s32 s1, s30  }
0xbb: {  	s0 =	sor.u32 s3, s0;
	s1 =	sshll.u32 s1, $0x11  }
0xbc: {  	s0 =	sor.u32 s1, s0  }
0xbd: {  	s0 =	sadd.s32 $0x8F2B, s0  }
0xbe: {  	[sflag:s0] =	ssyncadd.remote.s32 $0x1  }
0xbf: {  	_ =	sfence.sel $0xFFFF  }
0xc0: {  	[dreg:$0x0] =	wrdreg $0xFFFFFFFF;
	(pc) =	sbr.abs _section_cstart, $3  }
0xc1: {  	[dreg:$0x1] =	wrdreg $0xFFFFFFFF  }
0xc2: {  	_ =	task.clear_ibuf [dreg:s6], $0x2FFFF;
	_ =	strace $0x9FFFFFFF  }
0xc3: {  	(tm) =	ssettm $0x7FFFFFFF  }
tec
execute0_lowered:
.L_overlay_start_1:
0x0: {  	(tag) =	ssettag $0x1  }
0x1: {  	s6 =	rddreg [dreg:$0x0]  }
0x2: {  	s1 =	srdreg.scid;
	s2 =	rddreg [dreg:$0x1]  }
0x3: {  	s0 =	stileid.u32;
	s3 =	rddreg [dreg:$0x2];
	s4 =	simm.s32 $0x0  }
0x4: {  	s18 =	simm.s32 $0x1;
	s19 =	simm.s32 $0x200;
	s20 =	simm.s32 $0x0  }
0x5: {  	s7 =	sand.u32 $0x1, s1;
	s5 =	smul.u32 $0x5000, s0;
	s1 =	rddreg [dreg:$0x3]  }
0x6: {  	[smem:$0x7FF] =	sst s4;
	s9 =	sadd.s32 $0x2600, s6;
	s11 =	smul.u32 $0xA000, s0  }
0x7: {  	s13 =	sadd.s32 $0x2BA00, s6;
	s8 =	smul.u32 $0x2800, s7;
	s28 =	ssub.s32 $0x2, s7  }
0x8: {  	_ =	strace $0x8000004A;
	s15 =	smul.u32 $0xA0000, s7;
	s29 =	sshrl.u32 s28, $0x1  }
0x9: {  	s30 =	sshrl.u32 s11, $0x3;
	s12 =	sadd.s32 $0x5000, s11;
	s7 =	sadd.s32 s11, s2  }
0xa: {  	s5 =	sadd.s32 s8, s5;
	s14 =	ssub.s32 s28, s29;
	s10 =	sshrl.u32 s12, $0x3  }
0xb: {  	s8 =	sadd.s32 s11, s3;
	s17 =	sadd.s32 s11, s15;
	s15 =	sadd.s32 s15, s12  }
0xc: {  	s11 =	sadd.s32 s12, s3;
	s5 =	sshrl.u32 s5, $0x3;
	s31 =	sshrl.u32 s17, $0x3  }
0xd: {  	s15 =	sshrl.u32 s15, $0x3;
	s14 =	smax.u32 s14, $0x1;
	s17 =	simm.s32 $0x400  }
0xe: {  	s16 =	sadd.s32 s5, s6;
	s5 =	sadd.s32 $0x2A600, s6;
	s6 =	sadd.s32 s9, s30  }
0xf: {  	s9 =	sadd.s32 s9, s10;
	s10 =	sadd.s32 s12, s2;
	s12 =	sadd.s32 s13, s31  }
0x10: {  	s13 =	sadd.s32 s13, s15;
	s15 =	sadd.s32 $0x20600, s16;
	s16 =	sadd.s32 $0x16600, s16  }
.LBB2_1:
0x11: {  	[tilespmem:s17], [sflag:$0x1] =	stream.linear.gather [hbm4b:s6+s4], $0x5000, $0x38;
	[tilespmem:$0x1C400] =	vst v63  }
0x12: {  	_ =	swait.ge [sflag:s18], $0x5000  }
0x13: {  	[sflag:s18] =	ssyncset.done $0x0  }
0x14: {  	[sflag:s18] =	ssyncadd.s32 $0xFFFFB000  }
0x15: {  	[spmem:s7] =	stream.linear.scatter [tilespmem:s17], [sflag:$0x1], $0x5000, $0x38;
	[tilespmem:$0x1C400] =	vst v63  }
0x16: {  	_ =	swait.ge [sflag:s18], $0x5000  }
0x17: {  	[sflag:s18] =	ssyncset.done $0x0  }
0x18: {  	[sflag:s18] =	ssyncadd.s32 $0xFFFFB000  }
0x19: {  	[tilespmem:s17], [sflag:$0x1] =	stream.linear.gather [hbm4b:s5+s4], $0x5000, $0x38;
	[tilespmem:$0x1C400] =	vst v63  }
0x1a: {  	_ =	swait.ge [sflag:s18], $0x5000  }
0x1b: {  	[sflag:s18] =	ssyncset.done $0x0  }
0x1c: {  	[sflag:s18] =	ssyncadd.s32 $0xFFFFB000  }
0x1d: {  	[spmem:s8] =	stream.linear.scatter [tilespmem:s17], [sflag:$0x1], $0x5000, $0x38;
	[tilespmem:$0x1C400] =	vst v63  }
0x1e: {  	_ =	swait.ge [sflag:s18], $0x5000  }
0x1f: {  	[sflag:s18] =	ssyncset.done $0x0  }
0x20: {  	[sflag:s18] =	ssyncadd.s32 $0xFFFFB000  }
0x21: {  	[tilespmem:s17], [sflag:$0x1] =	stream.linear.gather [hbm4b:s9+s4], $0x5000, $0x38;
	[tilespmem:$0x1C400] =	vst v63  }
0x22: {  	_ =	swait.ge [sflag:s18], $0x5000  }
0x23: {  	[sflag:s18] =	ssyncset.done $0x0  }
0x24: {  	[sflag:s18] =	ssyncadd.s32 $0xFFFFB000  }
0x25: {  	[spmem:s10] =	stream.linear.scatter [tilespmem:s17], [sflag:$0x1], $0x5000, $0x38;
	[tilespmem:$0x1C400] =	vst v63  }
0x26: {  	_ =	swait.ge [sflag:s18], $0x5000  }
0x27: {  	[sflag:s18] =	ssyncset.done $0x0  }
0x28: {  	[sflag:s18] =	ssyncadd.s32 $0xFFFFB000  }
0x29: {  	[tilespmem:s17], [sflag:$0x1] =	stream.linear.gather [hbm4b:s5+s4], $0x5000, $0x38;
	[tilespmem:$0x1C400] =	vst v63  }
0x2a: {  	_ =	swait.ge [sflag:s18], $0x5000  }
0x2b: {  	[sflag:s18] =	ssyncset.done $0x0  }
0x2c: {  	[sflag:s18] =	ssyncadd.s32 $0xFFFFB000  }
0x2d: {  	[spmem:s11] =	stream.linear.scatter [tilespmem:s17], [sflag:$0x1], $0x5000, $0x38;
	[tilespmem:$0x1C400] =	vst v63  }
0x2e: {  	_ =	swait.ge [sflag:s18], $0x5000  }
0x2f: {  	[sflag:s18] =	ssyncset.done $0x0  }
0x30: {  	[sflag:s18] =	ssyncadd.s32 $0xFFFFB000  }
0x31: {  	s21 =	sadd.s32 $0x0, s16;
	[bflag:$0x0] =	sbarrier.arrive $0xFFFF  }
0x32: {  	[tilespmem:s4], [sflag:$0x1] =	stream.linear.gather [hbm4b:s21+s4], $0x200, $0x38;
	[tilespmem:$0x1C400] =	vst v63  }
0x33: {  	_ =	swait.ge [sflag:s18], $0x200  }
0x34: {  	[sflag:s18] =	ssyncset.done $0x0  }
0x35: {  	s31 =	sadd.s32 $0x0, s15;
	[sflag:s18] =	ssyncadd.s32 $0xFFFFFE00  }
0x36: {  	[tilespmem:s19], [sflag:$0x1] =	stream.linear.gather [hbm4b:s31+s4], $0x200, $0x38;
	[tilespmem:$0x1C400] =	vst v63  }
0x37: {  	_ =	swait.ge [sflag:s18], $0x200  }
0x38: {  	[sflag:s18] =	ssyncset.done $0x0  }
0x39: {  	[sflag:s18] =	ssyncadd.s32 $0xFFFFFE00  }
0x3a: {  	[tilespmem:s17], [sflag:$0x1] =	stream.indirect.gather [spmem:s2], $0x40, s4, s19, $0xb8;
	[tilespmem:$0x1C400] =	vst v63  }
0x3b: {  	_ =	swait.ge [sflag:s18], $0x8000  }
0x3c: {  	[sflag:s18] =	ssyncset.done $0x0  }
0x3d: {  	[sflag:s18] =	ssyncadd.s32 $0xFFFF8000  }
0x3e: {  	[spmem:s3] =	stream.indirect.scatter.add.f32 [tilespmem:s17], [sflag:$0x1], $0x40, s19, s19, $0xb8;
	[tilespmem:$0x1C400] =	vst v63  }
0x3f: {  	_ =	swait.ge [sflag:s18], $0x8000  }
0x40: {  	s22 =	simm.s32 $0x80;
	s21 =	simm.s32 $0x40;
	[sflag:s18] =	ssyncset.done $0x0  }
.LBB2_2:
0x41: {  	s23 =	sadd.s32 s21, s16  }
0x42: {  	[sflag:s18] =	ssyncadd.s32 $0xFFFF8000;
	s24 =	smov.u32 s22;
	s25 =	sadd.s32 $0x40, s22  }
0x43: {  	[tilespmem:s4], [sflag:$0x1] =	stream.linear.gather [hbm4b:s23+s4], $0x200, $0x38;
	[tilespmem:$0x1C400] =	vst v63  }
0x44: {  	p0 =	sne.s32 s22, $0x4C0;
	_ =	swait.ge [sflag:s18], $0x200  }
0x45: {  	[sflag:s18] =	ssyncset.done $0x0  }
0x46: {  	s22 =	sadd.s32 s21, s15;
	s21 =	smov.u32 s24;
	[sflag:s18] =	ssyncadd.s32 $0xFFFFFE00  }
0x47: {  	[tilespmem:s19], [sflag:$0x1] =	stream.linear.gather [hbm4b:s22+s4], $0x200, $0x38;
	[tilespmem:$0x1C400] =	vst v63  }
0x48: {  	_ =	swait.ge [sflag:s18], $0x200  }
0x49: {  	[sflag:s18] =	ssyncset.done $0x0  }
0x4a: {  	[sflag:s18] =	ssyncadd.s32 $0xFFFFFE00  }
0x4b: {  	[tilespmem:s17], [sflag:$0x1] =	stream.indirect.gather [spmem:s2], $0x40, s4, s19, $0xb8;
	[tilespmem:$0x1C400] =	vst v63  }
0x4c: {  	_ =	swait.ge [sflag:s18], $0x8000  }
.Ltmp0:
0x4d: {  	[sflag:s18] =	ssyncset.done $0x0;
	(pc) =	sbr.rel @p0 .LBB2_2-.Ltmp0, $4  }
0x4e: {  	[sflag:s18] =	ssyncadd.s32 $0xFFFF8000  }
0x4f: {  	[spmem:s3] =	stream.indirect.scatter.add.f32 [tilespmem:s17], [sflag:$0x1], $0x40, s19, s19, $0xb8;
	[tilespmem:$0x1C400] =	vst v63  }
0x50: {  	_ =	swait.ge [sflag:s18], $0x8000  }
0x51: {  	s22 =	smov.u32 s25;
	[sflag:s18] =	ssyncset.done $0x0  }
0x52: {  	s22 =	sadd.s32 s21, s16;
	[sflag:s18] =	ssyncadd.s32 $0xFFFF8000  }
0x53: {  	[tilespmem:s4], [sflag:$0x1] =	stream.linear.gather [hbm4b:s22+s4], $0x200, $0x38;
	[tilespmem:$0x1C400] =	vst v63  }
0x54: {  	_ =	swait.ge [sflag:s18], $0x200  }
0x55: {  	[sflag:s18] =	ssyncset.done $0x0  }
0x56: {  	s31 =	sadd.s32 s21, s15;
	[sflag:s18] =	ssyncadd.s32 $0xFFFFFE00  }
0x57: {  	[tilespmem:s19], [sflag:$0x1] =	stream.linear.gather [hbm4b:s31+s4], $0x200, $0x38;
	[tilespmem:$0x1C400] =	vst v63  }
0x58: {  	_ =	swait.ge [sflag:s18], $0x200  }
0x59: {  	[sflag:s18] =	ssyncset.done $0x0  }
0x5a: {  	[sflag:s18] =	ssyncadd.s32 $0xFFFFFE00  }
0x5b: {  	[tilespmem:s17], [sflag:$0x1] =	stream.indirect.gather [spmem:s2], $0x40, s4, s19, $0xb8;
	[tilespmem:$0x1C400] =	vst v63  }
0x5c: {  	_ =	swait.ge [sflag:s18], $0x8000  }
0x5d: {  	[sflag:s18] =	ssyncset.done $0x0  }
0x5e: {  	[sflag:s18] =	ssyncadd.s32 $0xFFFF8000  }
0x5f: {  	[spmem:s3] =	stream.indirect.scatter.add.f32 [tilespmem:s17], [sflag:$0x1], $0x40, s19, s19, $0xb8;
	[tilespmem:$0x1C400] =	vst v63  }
0x60: {  	_ =	swait.ge [sflag:s18], $0x8000  }
0x61: {  	[sflag:s18] =	ssyncset.done $0x0  }
0x62: {  	[sflag:s18] =	ssyncadd.s32 $0xFFFF8000  }
0x63: {  	[bflag:$0x0] =	sbarrier.arrive $0xFFFF  }
0x64: {  	[tilespmem:s17], [sflag:$0x1] =	stream.linear.gather [spmem:s8], $0x5000, $0x38;
	[tilespmem:$0x1C400] =	vst v63  }
0x65: {  	_ =	swait.ge [sflag:s18], $0x5000  }
0x66: {  	[sflag:s18] =	ssyncset.done $0x0  }
0x67: {  	[sflag:s18] =	ssyncadd.s32 $0xFFFFB000  }
0x68: {  	[hbm4b:s12+s4] =	stream.linear.scatter [tilespmem:s17], [sflag:$0x1], $0x5000, $0x38;
	[tilespmem:$0x1C400] =	vst v63  }
0x69: {  	_ =	swait.ge [sflag:s18], $0x5000  }
0x6a: {  	[sflag:s18] =	ssyncset.done $0x0  }
0x6b: {  	[sflag:s18] =	ssyncadd.s32 $0xFFFFB000  }
0x6c: {  	[tilespmem:s17], [sflag:$0x1] =	stream.linear.gather [spmem:s11], $0x5000, $0x38;
	[tilespmem:$0x1C400] =	vst v63  }
0x6d: {  	s20 =	sadd.s32 $0x1, s20;
	_ =	swait.ge [sflag:s18], $0x5000  }
0x6e: {  	p0 =	sne.s32 s20, s14;
	[sflag:s18] =	ssyncset.done $0x0  }
.Ltmp1:
0x6f: {  	[sflag:s18] =	ssyncadd.s32 $0xFFFFB000;
	(pc) =	sbr.rel @p0 .LBB2_1-.Ltmp1, $4  }
0x70: {  	[hbm4b:s13+s4] =	stream.linear.scatter [tilespmem:s17], [sflag:$0x1], $0x5000, $0x38;
	[tilespmem:$0x1C400] =	vst v63  }
0x71: {  	_ =	swait.ge [sflag:s18], $0x5000  }
0x72: {  	[sflag:s18] =	ssyncset.done $0x0  }
0x73: {  	[sflag:s18] =	ssyncadd.s32 $0xFFFFB000  }
0x74: {  	_ =	sfence.sel $0x180000  }
0x75: {  	[bflag:$0x0] =	sbarrier.arrive $0xFFFF  }
0x76: {  	p0 =	sne.s32 s0, $0x0;
	_ =	strace $0x9000004A  }
0x77: {  	s0 =	sadd.s32 @!p0 $0x100000, s1;
	[bflag:$0x2] =	sbarrier.arrive $0xFFFF  }
0x78: {  	[sflag:s0] =	ssyncadd.tile.s32 @!p0 $0x1;
	_ =	shalt  }
.Lfunc_end2:
_tile_overlayer_lowered:
.L_overlay_start_2:
0x79: {  	(tag) =	ssettag $0x2  }
0x7a: {  	s0 =	rddreg [dreg:$0x0];
	s2 =	stileid.u32  }
0x7b: {  	s1 =	rddreg [dreg:$0x1];
	p0 =	sne.s32 s2, $0x0  }
0x7c: {  	s3 =	rddreg [dreg:$0x2];
	[bflag:$0x3] =	sbarrier.arrive $0xFFFF;
	s2 =	simm.s32 @!p0 $0x1C01  }
0x7d: {  	[timem:s3], [sflag:s2] =	dma.local @!p0 [hbm:s0], s1  }
0x7e: {  	s0 =	simm.s32 @!p0 $0x1  }
0x7f: {  	_ =	swait.ge @!p0 [sflag:s0], s1  }
0x80: {  	s1 =	ssub.s32 @!p0 $0x0, s1;
	[sflag:s0] =	ssyncset.done @!p0 $0x0  }
0x81: {  	[sflag:s0] =	ssyncadd.s32 @!p0 s1  }
0x82: {  	[bflag:$0x3] =	sbarrier.arrive $0xFFFF  }
0x83: {  	_ =	shalt  }

// kernel: kernel.16.cloned.1.call-start
scs
__scs_entry_jumppad:
0x0: {  	(pc) =	sbr.rel $0x88, $3  }
0x1: {  	(tag) =	ssettag $0x0;
	lr =	simm.s32 $0x1  }
0x2: {  	[smem:$0x3F8A] =	sst lr;
	_ =	strace $0xD0000000  }
0x3: {  	_ = 	snop  }
0x4: {  	_ = 	snop  }
0x5: {  	_ = 	snop  }
0x6: {  	_ = 	snop  }
0x7: {  	_ = 	snop  }
__scs_overlays_trampoline_lowered:
0x8: {  	[smem:$0x3F99] =	sst s0  }
0x9: {  	[smem:$0x3F9A] =	sst s1  }
0xa: {  	[smem:$0x3F9B] =	sst s2  }
0xb: {  	[smem:$0x3F9C] =	sst s3  }
0xc: {  	[smem:$0x3F9D] =	sst s4  }
0xd: {  	[smem:$0x3F9E] =	sst s5  }
0xe: {  	[smem:$0x3F9F] =	sst s6  }
0xf: {  	[smem:$0x3FA0] =	sst s7  }
0x10: {  	[smem:$0x3FA1] =	sst s8  }
0x11: {  	[smem:$0x3FA2] =	sst s9;
	s0 =	simm.s32 @!p0 $0x0  }
0x12: {  	s1 =	sld [smem:$0x3F88];
	s0 =	simm.s32 @p0 $0x1  }
0x13: {  	[smem:$0x3FA3] =	sst s0;
	s0 =	simm.s32 @!p1 $0x0  }
0x14: {  	s2 =	sld [smem:$0x3F87];
	s0 =	simm.s32 @p1 $0x1  }
0x15: {  	[smem:$0x3FA4] =	sst s0;
	s0 =	simm.s32 @!p2 $0x0  }
0x16: {  	s3 =	sld [smem:$0x3FDB];
	s0 =	simm.s32 @p2 $0x1  }
0x17: {  	s4 =	simm.s32 $0x1BF5;
	[smem:$0x3FA6] =	sst s0  }
0x18: {  	s0 =	sld [smem:$0x3F89];
	_ =	swait.ge [sflag:s4], $0x0  }
0x19: {  	s7 =	sld [smem:$0x3F8A]  }
0x1a: {  	s8 =	sadd.s32 $0xFFFFE003, lr  }
0x1b: {  	s9 =	sadd.s32 $0xFFFFFEF7, lr;
	s5 =	simm.s32 $0xFFFFFFFF;
	p2 =	slt.u32 s8, $0xFFFFF086  }
0x1c: {  	p1 =	slt.u32 s9, $0xF7A;
	s5 =	simm.s32 @!p2 $0x0  }
0x1d: {  	s5 =	simm.s32 @p1 $0x1;
	p0 =	seq.s32 s7, s2  }
0x1e: {  	s7 =	smul.u32 @!p0 $0xF7A, s2;
	p2 =	seq.s32 @!p0 s5, $0x0  }
0x1f: {  	s9 =	smul.u32 $0xF7A, s1;
	s8 =	simm.s32 @!p0 $0x1BF5;
	p2 =	por !p2, p0  }
0x20: {  	[sflag:s8] =	ssyncset.s32 @!p0 $0xFFFFF086;
	s6 =	sadd.s32 @!p0 s3, s7;
	s7 =	simm.s32 @!p0 $0x108  }
0x21: {  	s3 =	sadd.s32 s3, s9;
	s6 =	sadd.s32 @!p0 $0x88, s6;
	s7 =	simm.s32 @p2 $0x1082  }
0x22: {  	[simem:s7], [sflag:s8] =	dma.local @!p0 [hbm:s6], $0xF7A  }
0x23: {  	s9 =	sor.u32 $0xD0000000, s2;
	s6 =	simm.s32 $0x108;
	_ =	swait.ge @!p0 [sflag:s8], $0x0  }
0x24: {  	s3 =	sadd.s32 $0x88, s3;
	s6 =	simm.s32 @!p1 $0x1082;
	[sflag:s4] =	ssyncset.s32 $0xFFFFF086  }
0x25: {  	[simem:s6], [sflag:s4] =	dma.local [hbm:s3], $0xF7A  }
0x26: {  	[smem:$0x3F8A] =	sst s1;
	(tag) =	ssettag s2;
	_ =	strace s9  }
0x27: {  	s1 =	sld [smem:$0x3F9A]  }
0x28: {  	s2 =	sld [smem:$0x3F9B]  }
0x29: {  	s4 =	sld [smem:$0x3F9D]  }
0x2a: {  	p0 =	seq.s32 s5, $0x0;
	s5 =	sld [smem:$0x3F9E]  }
0x2b: {  	s6 =	sld [smem:$0x3F9F]  }
0x2c: {  	s7 =	sld [smem:$0x3FA0]  }
0x2d: {  	s3 =	simm.s32 $0x108;
	s8 =	sld [smem:$0x3FA1]  }
0x2e: {  	s3 =	simm.s32 @!p0 $0x1082;
	s9 =	sld [smem:$0x3FA2]  }
0x2f: {  	lr =	sadd.s32 s0, s3;
	s0 =	sld [smem:$0x3F99]  }
0x30: {  	s3 =	sld [smem:$0x3F9C]  }
0x31: {  	[smem:$0x3FA5] =	sst s10  }
0x32: {  	s10 =	sld [smem:$0x3FA3];
	_ =	sdelay $0x3  }
0x33: {  	p0 =	seq.s32 s10, $0x1;
	s10 =	sld [smem:$0x3FA5];
	_ =	sdelay $0x3  }
0x34: {  	[smem:$0x3FA5] =	sst s10  }
0x35: {  	s10 =	sld [smem:$0x3FA4];
	_ =	sdelay $0x3  }
0x36: {  	p1 =	seq.s32 s10, $0x1;
	s10 =	sld [smem:$0x3FA5];
	_ =	sdelay $0x3  }
0x37: {  	[smem:$0x3FA5] =	sst s10  }
0x38: {  	s10 =	sld [smem:$0x3FA6]  }
0x39: {  	_ = 	snop;
	(pc) =	sbr.ind lr, $3  }
0x3a: {  	_ = 	snop  }
0x3b: {  	_ = 	snop  }
0x3c: {  	p2 =	seq.s32 s10, $0x1;
	s10 =	sld [smem:$0x3FA5]  }
0x3d: {  	_ =	shalt  }
0x3e: {  	_ =	shalt  }
0x3f: {  	_ =	shalt  }
0x40: {  	_ =	shalt  }
0x41: {  	_ =	shalt  }
0x42: {  	_ =	shalt  }
0x43: {  	_ =	shalt  }
0x44: {  	_ =	shalt  }
0x45: {  	_ =	shalt  }
0x46: {  	_ =	shalt  }
0x47: {  	_ =	shalt  }
0x48: {  	_ =	shalt  }
0x49: {  	_ =	shalt  }
0x4a: {  	_ =	shalt  }
0x4b: {  	_ =	shalt  }
0x4c: {  	_ =	shalt  }
0x4d: {  	_ =	shalt  }
0x4e: {  	_ =	shalt  }
0x4f: {  	_ =	shalt  }
0x50: {  	_ =	shalt  }
0x51: {  	_ =	shalt  }
0x52: {  	_ =	shalt  }
0x53: {  	_ =	shalt  }
0x54: {  	_ =	shalt  }
0x55: {  	_ =	shalt  }
0x56: {  	_ =	shalt  }
0x57: {  	_ =	shalt  }
0x58: {  	_ =	shalt  }
0x59: {  	_ =	shalt  }
0x5a: {  	_ =	shalt  }
0x5b: {  	_ =	shalt  }
0x5c: {  	_ =	shalt  }
0x5d: {  	_ =	shalt  }
0x5e: {  	_ =	shalt  }
0x5f: {  	_ =	shalt  }
0x60: {  	_ =	shalt  }
0x61: {  	_ =	shalt  }
0x62: {  	_ =	shalt  }
0x63: {  	_ =	shalt  }
0x64: {  	_ =	shalt  }
0x65: {  	_ =	shalt  }
0x66: {  	_ =	shalt  }
0x67: {  	_ =	shalt  }
0x68: {  	_ =	shalt  }
0x69: {  	_ =	shalt  }
0x6a: {  	_ =	shalt  }
0x6b: {  	_ =	shalt  }
0x6c: {  	_ =	shalt  }
0x6d: {  	_ =	shalt  }
0x6e: {  	_ =	shalt  }
0x6f: {  	_ =	shalt  }
0x70: {  	_ =	shalt  }
0x71: {  	_ =	shalt  }
0x72: {  	_ =	shalt  }
0x73: {  	_ =	shalt  }
0x74: {  	_ =	shalt  }
0x75: {  	_ =	shalt  }
0x76: {  	_ =	shalt  }
0x77: {  	_ =	shalt  }
0x78: {  	_ =	shalt  }
0x79: {  	_ =	shalt  }
0x7a: {  	_ =	shalt  }
0x7b: {  	_ =	shalt  }
0x7c: {  	_ =	shalt  }
0x7d: {  	_ =	shalt  }
0x7e: {  	_ =	shalt  }
0x7f: {  	_ =	shalt  }
0x80: {  	_ =	shalt  }
0x81: {  	_ =	shalt  }
0x82: {  	_ =	shalt  }
0x83: {  	_ =	shalt  }
0x84: {  	_ =	shalt  }
0x85: {  	_ =	shalt  }
0x86: {  	_ =	shalt  }
0x87: {  	_ =	shalt  }
.Lfunc_end0:
.L_simem_size_0:
called_computation.2_lowered:
.L_overlay_start_0:
0x88: {  	s2 =	sld [smem:$0x3FD9]  }
0x89: {  	s3 =	sld [smem:$0x3FFE];
	_ =	sdelay $0x1  }
0x8a: {  	s1 =	srdreg.scid  }
0x8b: {  	s0 =	sand.u32 $0x1, s1  }
0x8c: {  	s16 =	sshll.u32 s0, $0xA;
	s2 =	sadd.s32 s3, s2  }
0x8d: {  	s2 =	sadd.s32 s2, s16  }
0x8e: {  	[smem:$0x3FB1] =	sst s2  }
0x8f: {  	_ = 	snop  }
0x90: {  	(tm) =	ssettm $0x1  }
0x91: {  	s17 =	sld [smem:$0x3FFB];
	_ =	sdelay $0x3  }
0x92: {  	_ =	strace s17  }
0x93: {  	s2 =	sld [smem:$0x3FFC];
	_ =	sdelay $0x3  }
0x94: {  	_ =	strace s2  }
0x95: {  	s2 =	sld [smem:$0x3FFD];
	_ =	sdelay $0x3  }
0x96: {  	_ =	strace s2  }
0x97: {  	_ =	strace $0x8FFFFFFF  }
0x98: {  	s18 =	sld [smem:$0x3FDB];
	_ =	sdelay $0x1  }
0x99: {  	s19 =	simm.s32 $_scs_section_size  }
0x9a: {  	s4 =	simm.s32 $_size__tile_overlayer_lowered;
	s5 =	simm.s32 $_tile_overlayer_lowered  }
0x9b: {  	s22 =	simm.s32 $0x1BFF;
	s21 =	sshll.u32 s5, $0x1;
	s2 =	sadd.s32 s19, s18  }
0x9c: {  	s6 =	simm.s32 $0x0;
	s20 =	sshll.u32 s4, $0x1;
	s4 =	sadd.s32 s21, s2  }
0x9d: {  	[timem:s6], [sflag:s22] =	dma.local [hbm:s4], s20  }
0x9e: {  	_ =	swait.ge [sflag:s22], s20  }
0x9f: {  	s3 =	ssub.s32 $0x0, s20;
	[sflag:s22] =	ssyncset.done $0x0  }
0xa0: {  	[sflag:s22] =	ssyncadd.s32 s3;
	_ =	sdelay $0x1  }
0xa1: {  	s23 =	simm.s32 $0x1B8B  }
0xa2: {  	_ =	swait.ge [sflag:s23], $0x1  }
0xa3: {  	[sflag:s23] =	ssyncset.done $0x0  }
0xa4: {  	s25 =	simm.s32 $0x1B8E;
	s24 =	sld [smem:$0x3FFE];
	[sflag:s23] =	ssyncadd.s32 $0xFFFFFFFF  }
0xa5: {  	s26 =	simm.s32 $execute0_lowered;
	[smem:$0x3FD2] =	sst s25  }
0xa6: {  	s4 =	sshll.u32 s26, $0x1;
	_ =	strace $0x8000004C;
	[dreg:$0x1] =	wrdreg $0xFFFFFFFF  }
0xa7: {  	s28 =	simm.s32 $_size_execute0_lowered;
	s2 =	sadd.s32 s2, s4;
	[dreg:$0x0] =	wrdreg $0x0  }
0xa8: {  	s4 =	sshll.u32 s28, $0x1;
	[dreg:$0x2] =	wrdreg s2  }
0xa9: {  	[dreg:$0x3] =	wrdreg s4  }
0xaa: {  	[dreg:$0x4] =	wrdreg $0xC0  }
0xab: {  	_ =	task [dreg:s6], $0x5FFFF  }
0xac: {  	[dreg:$0x1] =	wrdreg $0xFFFFFFFF  }
0xad: {  	[dreg:$0x0] =	wrdreg $0x60  }
0xae: {  	[dreg:$0x2] =	wrdreg s24  }
0xaf: {  	[dreg:$0x3] =	wrdreg $0x124000  }
0xb0: {  	[dreg:$0x4] =	wrdreg $0x84000  }
0xb1: {  	[dreg:$0x5] =	wrdreg $0x9  }
0xb2: {  	_ =	task.clear_ibuf [dreg:s6], $0x6FFFF;
	_ =	strace $0x9000004C  }
0xb3: {  	s29 =	simm.s32 $0x9;
	_ =	strace $0x8000004E  }
0xb4: {  	_ =	swait.ge [sflag:s29], $0x1  }
0xb5: {  	[sflag:s29] =	ssyncadd.s32 $0xFFFFFFFF  }
0xb6: {  	_ =	strace $0x9000004E  }
0xb7: {  	_ =	sfence  }
0xb8: {  	s30 =	sld [smem:$0x0];
	_ =	sdelay $0x2  }
0xb9: {  	s31 =	sshll.u32 s1, $0xD;
	s1 =	sshrl.u32 s1, $0x2  }
0xba: {  	s3 =	sand.u32 $0x4000, s31;
	s1 =	sadd.s32 s1, s30  }
0xbb: {  	s0 =	sor.u32 s3, s0;
	s1 =	sshll.u32 s1, $0x11  }
0xbc: {  	s0 =	sor.u32 s1, s0  }
0xbd: {  	s0 =	sadd.s32 $0x8F2B, s0  }
0xbe: {  	[sflag:s0] =	ssyncadd.remote.s32 $0x1  }
0xbf: {  	_ =	sfence.sel $0xFFFF  }
0xc0: {  	[dreg:$0x0] =	wrdreg $0xFFFFFFFF;
	(pc) =	sbr.abs _section_cstart, $3  }
0xc1: {  	[dreg:$0x1] =	wrdreg $0xFFFFFFFF  }
0xc2: {  	_ =	task.clear_ibuf [dreg:s6], $0x2FFFF;
	_ =	strace $0x9FFFFFFF  }
0xc3: {  	(tm) =	ssettm $0x7FFFFFFF  }
tec
execute0_lowered:
.L_overlay_start_1:
0x0: {  	(tag) =	ssettag $0x1  }
0x1: {  	s6 =	rddreg [dreg:$0x0]  }
0x2: {  	s1 =	srdreg.scid;
	s2 =	rddreg [dreg:$0x1]  }
0x3: {  	s0 =	stileid.u32;
	s3 =	rddreg [dreg:$0x2];
	s4 =	simm.s32 $0x0  }
0x4: {  	s18 =	simm.s32 $0x1;
	s19 =	simm.s32 $0x200;
	s20 =	simm.s32 $0x0  }
0x5: {  	s7 =	sand.u32 $0x1, s1;
	s5 =	smul.u32 $0x5000, s0;
	s1 =	rddreg [dreg:$0x3]  }
0x6: {  	[smem:$0x7FF] =	sst s4;
	s9 =	sadd.s32 $0x2600, s6;
	s11 =	smul.u32 $0xA000, s0  }
0x7: {  	s13 =	sadd.s32 $0x2BA00, s6;
	s8 =	smul.u32 $0x2800, s7;
	s28 =	ssub.s32 $0x2, s7  }
0x8: {  	_ =	strace $0x8000004D;
	s15 =	smul.u32 $0xA0000, s7;
	s29 =	sshrl.u32 s28, $0x1  }
0x9: {  	s30 =	sshrl.u32 s11, $0x3;
	s12 =	sadd.s32 $0x5000, s11;
	s7 =	sadd.s32 s11, s2  }
0xa: {  	s5 =	sadd.s32 s8, s5;
	s14 =	ssub.s32 s28, s29;
	s10 =	sshrl.u32 s12, $0x3  }
0xb: {  	s8 =	sadd.s32 s11, s3;
	s17 =	sadd.s32 s11, s15;
	s15 =	sadd.s32 s15, s12  }
0xc: {  	s11 =	sadd.s32 s12, s3;
	s5 =	sshrl.u32 s5, $0x3;
	s31 =	sshrl.u32 s17, $0x3  }
0xd: {  	s15 =	sshrl.u32 s15, $0x3;
	s14 =	smax.u32 s14, $0x1;
	s17 =	simm.s32 $0x400  }
0xe: {  	s16 =	sadd.s32 s5, s6;
	s5 =	sadd.s32 $0x2A600, s6;
	s6 =	sadd.s32 s9, s30  }
0xf: {  	s9 =	sadd.s32 s9, s10;
	s10 =	sadd.s32 s12, s2;
	s12 =	sadd.s32 s13, s31  }
0x10: {  	s13 =	sadd.s32 s13, s15;
	s15 =	sadd.s32 $0x20600, s16;
	s16 =	sadd.s32 $0x16600, s16  }
.LBB2_1:
0x11: {  	[tilespmem:s17], [sflag:$0x1] =	stream.linear.gather [hbm4b:s6+s4], $0x5000, $0x38;
	[tilespmem:$0x1C400] =	vst v63  }
0x12: {  	_ =	swait.ge [sflag:s18], $0x5000  }
0x13: {  	[sflag:s18] =	ssyncset.done $0x0  }
0x14: {  	[sflag:s18] =	ssyncadd.s32 $0xFFFFB000  }
0x15: {  	[spmem:s7] =	stream.linear.scatter [tilespmem:s17], [sflag:$0x1], $0x5000, $0x38;
	[tilespmem:$0x1C400] =	vst v63  }
0x16: {  	_ =	swait.ge [sflag:s18], $0x5000  }
0x17: {  	[sflag:s18] =	ssyncset.done $0x0  }
0x18: {  	[sflag:s18] =	ssyncadd.s32 $0xFFFFB000  }
0x19: {  	[tilespmem:s17], [sflag:$0x1] =	stream.linear.gather [hbm4b:s5+s4], $0x5000, $0x38;
	[tilespmem:$0x1C400] =	vst v63  }
0x1a: {  	_ =	swait.ge [sflag:s18], $0x5000  }
0x1b: {  	[sflag:s18] =	ssyncset.done $0x0  }
0x1c: {  	[sflag:s18] =	ssyncadd.s32 $0xFFFFB000  }
0x1d: {  	[spmem:s8] =	stream.linear.scatter [tilespmem:s17], [sflag:$0x1], $0x5000, $0x38;
	[tilespmem:$0x1C400] =	vst v63  }
0x1e: {  	_ =	swait.ge [sflag:s18], $0x5000  }
0x1f: {  	[sflag:s18] =	ssyncset.done $0x0  }
0x20: {  	[sflag:s18] =	ssyncadd.s32 $0xFFFFB000  }
0x21: {  	[tilespmem:s17], [sflag:$0x1] =	stream.linear.gather [hbm4b:s9+s4], $0x5000, $0x38;
	[tilespmem:$0x1C400] =	vst v63  }
0x22: {  	_ =	swait.ge [sflag:s18], $0x5000  }
0x23: {  	[sflag:s18] =	ssyncset.done $0x0  }
0x24: {  	[sflag:s18] =	ssyncadd.s32 $0xFFFFB000  }
0x25: {  	[spmem:s10] =	stream.linear.scatter [tilespmem:s17], [sflag:$0x1], $0x5000, $0x38;
	[tilespmem:$0x1C400] =	vst v63  }
0x26: {  	_ =	swait.ge [sflag:s18], $0x5000  }
0x27: {  	[sflag:s18] =	ssyncset.done $0x0  }
0x28: {  	[sflag:s18] =	ssyncadd.s32 $0xFFFFB000  }
0x29: {  	[tilespmem:s17], [sflag:$0x1] =	stream.linear.gather [hbm4b:s5+s4], $0x5000, $0x38;
	[tilespmem:$0x1C400] =	vst v63  }
0x2a: {  	_ =	swait.ge [sflag:s18], $0x5000  }
0x2b: {  	[sflag:s18] =	ssyncset.done $0x0  }
0x2c: {  	[sflag:s18] =	ssyncadd.s32 $0xFFFFB000  }
0x2d: {  	[spmem:s11] =	stream.linear.scatter [tilespmem:s17], [sflag:$0x1], $0x5000, $0x38;
	[tilespmem:$0x1C400] =	vst v63  }
0x2e: {  	_ =	swait.ge [sflag:s18], $0x5000  }
0x2f: {  	[sflag:s18] =	ssyncset.done $0x0  }
0x30: {  	[sflag:s18] =	ssyncadd.s32 $0xFFFFB000  }
0x31: {  	s21 =	sadd.s32 $0x0, s16;
	[bflag:$0x0] =	sbarrier.arrive $0xFFFF  }
0x32: {  	[tilespmem:s4], [sflag:$0x1] =	stream.linear.gather [hbm4b:s21+s4], $0x200, $0x38;
	[tilespmem:$0x1C400] =	vst v63  }
0x33: {  	_ =	swait.ge [sflag:s18], $0x200  }
0x34: {  	[sflag:s18] =	ssyncset.done $0x0  }
0x35: {  	s31 =	sadd.s32 $0x0, s15;
	[sflag:s18] =	ssyncadd.s32 $0xFFFFFE00  }
0x36: {  	[tilespmem:s19], [sflag:$0x1] =	stream.linear.gather [hbm4b:s31+s4], $0x200, $0x38;
	[tilespmem:$0x1C400] =	vst v63  }
0x37: {  	_ =	swait.ge [sflag:s18], $0x200  }
0x38: {  	[sflag:s18] =	ssyncset.done $0x0  }
0x39: {  	[sflag:s18] =	ssyncadd.s32 $0xFFFFFE00  }
0x3a: {  	[tilespmem:s17], [sflag:$0x1] =	stream.indirect.gather [spmem:s2], $0x40, s4, s19, $0xb8;
	[tilespmem:$0x1C400] =	vst v63  }
0x3b: {  	_ =	swait.ge [sflag:s18], $0x8000  }
0x3c: {  	[sflag:s18] =	ssyncset.done $0x0  }
0x3d: {  	[sflag:s18] =	ssyncadd.s32 $0xFFFF8000  }
0x3e: {  	[spmem:s3] =	stream.indirect.scatter.add.f32 [tilespmem:s17], [sflag:$0x1], $0x40, s19, s19, $0xb8;
	[tilespmem:$0x1C400] =	vst v63  }
0x3f: {  	_ =	swait.ge [sflag:s18], $0x8000  }
0x40: {  	s22 =	simm.s32 $0x80;
	s21 =	simm.s32 $0x40;
	[sflag:s18] =	ssyncset.done $0x0  }
.LBB2_2:
0x41: {  	s23 =	sadd.s32 s21, s16  }
0x42: {  	[sflag:s18] =	ssyncadd.s32 $0xFFFF8000;
	s24 =	smov.u32 s22;
	s25 =	sadd.s32 $0x40, s22  }
0x43: {  	[tilespmem:s4], [sflag:$0x1] =	stream.linear.gather [hbm4b:s23+s4], $0x200, $0x38;
	[tilespmem:$0x1C400] =	vst v63  }
0x44: {  	p0 =	sne.s32 s22, $0x4C0;
	_ =	swait.ge [sflag:s18], $0x200  }
0x45: {  	[sflag:s18] =	ssyncset.done $0x0  }
0x46: {  	s22 =	sadd.s32 s21, s15;
	s21 =	smov.u32 s24;
	[sflag:s18] =	ssyncadd.s32 $0xFFFFFE00  }
0x47: {  	[tilespmem:s19], [sflag:$0x1] =	stream.linear.gather [hbm4b:s22+s4], $0x200, $0x38;
	[tilespmem:$0x1C400] =	vst v63  }
0x48: {  	_ =	swait.ge [sflag:s18], $0x200  }
0x49: {  	[sflag:s18] =	ssyncset.done $0x0  }
0x4a: {  	[sflag:s18] =	ssyncadd.s32 $0xFFFFFE00  }
0x4b: {  	[tilespmem:s17], [sflag:$0x1] =	stream.indirect.gather [spmem:s2], $0x40, s4, s19, $0xb8;
	[tilespmem:$0x1C400] =	vst v63  }
0x4c: {  	_ =	swait.ge [sflag:s18], $0x8000  }
.Ltmp0:
0x4d: {  	[sflag:s18] =	ssyncset.done $0x0;
	(pc) =	sbr.rel @p0 .LBB2_2-.Ltmp0, $4  }
0x4e: {  	[sflag:s18] =	ssyncadd.s32 $0xFFFF8000  }
0x4f: {  	[spmem:s3] =	stream.indirect.scatter.add.f32 [tilespmem:s17], [sflag:$0x1], $0x40, s19, s19, $0xb8;
	[tilespmem:$0x1C400] =	vst v63  }
0x50: {  	_ =	swait.ge [sflag:s18], $0x8000  }
0x51: {  	s22 =	smov.u32 s25;
	[sflag:s18] =	ssyncset.done $0x0  }
0x52: {  	s22 =	sadd.s32 s21, s16;
	[sflag:s18] =	ssyncadd.s32 $0xFFFF8000  }
0x53: {  	[tilespmem:s4], [sflag:$0x1] =	stream.linear.gather [hbm4b:s22+s4], $0x200, $0x38;
	[tilespmem:$0x1C400] =	vst v63  }
0x54: {  	_ =	swait.ge [sflag:s18], $0x200  }
0x55: {  	[sflag:s18] =	ssyncset.done $0x0  }
0x56: {  	s31 =	sadd.s32 s21, s15;
	[sflag:s18] =	ssyncadd.s32 $0xFFFFFE00  }
0x57: {  	[tilespmem:s19], [sflag:$0x1] =	stream.linear.gather [hbm4b:s31+s4], $0x200, $0x38;
	[tilespmem:$0x1C400] =	vst v63  }
0x58: {  	_ =	swait.ge [sflag:s18], $0x200  }
0x59: {  	[sflag:s18] =	ssyncset.done $0x0  }
0x5a: {  	[sflag:s18] =	ssyncadd.s32 $0xFFFFFE00  }
0x5b: {  	[tilespmem:s17], [sflag:$0x1] =	stream.indirect.gather [spmem:s2], $0x40, s4, s19, $0xb8;
	[tilespmem:$0x1C400] =	vst v63  }
0x5c: {  	_ =	swait.ge [sflag:s18], $0x8000  }
0x5d: {  	[sflag:s18] =	ssyncset.done $0x0  }
0x5e: {  	[sflag:s18] =	ssyncadd.s32 $0xFFFF8000  }
0x5f: {  	[spmem:s3] =	stream.indirect.scatter.add.f32 [tilespmem:s17], [sflag:$0x1], $0x40, s19, s19, $0xb8;
	[tilespmem:$0x1C400] =	vst v63  }
0x60: {  	_ =	swait.ge [sflag:s18], $0x8000  }
0x61: {  	[sflag:s18] =	ssyncset.done $0x0  }
0x62: {  	[sflag:s18] =	ssyncadd.s32 $0xFFFF8000  }
0x63: {  	[bflag:$0x0] =	sbarrier.arrive $0xFFFF  }
0x64: {  	[tilespmem:s17], [sflag:$0x1] =	stream.linear.gather [spmem:s8], $0x5000, $0x38;
	[tilespmem:$0x1C400] =	vst v63  }
0x65: {  	_ =	swait.ge [sflag:s18], $0x5000  }
0x66: {  	[sflag:s18] =	ssyncset.done $0x0  }
0x67: {  	[sflag:s18] =	ssyncadd.s32 $0xFFFFB000  }
0x68: {  	[hbm4b:s12+s4] =	stream.linear.scatter [tilespmem:s17], [sflag:$0x1], $0x5000, $0x38;
	[tilespmem:$0x1C400] =	vst v63  }
0x69: {  	_ =	swait.ge [sflag:s18], $0x5000  }
0x6a: {  	[sflag:s18] =	ssyncset.done $0x0  }
0x6b: {  	[sflag:s18] =	ssyncadd.s32 $0xFFFFB000  }
0x6c: {  	[tilespmem:s17], [sflag:$0x1] =	stream.linear.gather [spmem:s11], $0x5000, $0x38;
	[tilespmem:$0x1C400] =	vst v63  }
0x6d: {  	s20 =	sadd.s32 $0x1, s20;
	_ =	swait.ge [sflag:s18], $0x5000  }
0x6e: {  	p0 =	sne.s32 s20, s14;
	[sflag:s18] =	ssyncset.done $0x0  }
.Ltmp1:
0x6f: {  	[sflag:s18] =	ssyncadd.s32 $0xFFFFB000;
	(pc) =	sbr.rel @p0 .LBB2_1-.Ltmp1, $4  }
0x70: {  	[hbm4b:s13+s4] =	stream.linear.scatter [tilespmem:s17], [sflag:$0x1], $0x5000, $0x38;
	[tilespmem:$0x1C400] =	vst v63  }
0x71: {  	_ =	swait.ge [sflag:s18], $0x5000  }
0x72: {  	[sflag:s18] =	ssyncset.done $0x0  }
0x73: {  	[sflag:s18] =	ssyncadd.s32 $0xFFFFB000  }
0x74: {  	_ =	sfence.sel $0x180000  }
0x75: {  	[bflag:$0x0] =	sbarrier.arrive $0xFFFF  }
0x76: {  	p0 =	sne.s32 s0, $0x0;
	_ =	strace $0x9000004D  }
0x77: {  	s0 =	sadd.s32 @!p0 $0x100000, s1;
	[bflag:$0x2] =	sbarrier.arrive $0xFFFF  }
0x78: {  	[sflag:s0] =	ssyncadd.tile.s32 @!p0 $0x1;
	_ =	shalt  }
.Lfunc_end2:
_tile_overlayer_lowered:
.L_overlay_start_2:
0x79: {  	(tag) =	ssettag $0x2  }
0x7a: {  	s0 =	rddreg [dreg:$0x0];
	s2 =	stileid.u32  }
0x7b: {  	s1 =	rddreg [dreg:$0x1];
	p0 =	sne.s32 s2, $0x0  }
0x7c: {  	s3 =	rddreg [dreg:$0x2];
	[bflag:$0x3] =	sbarrier.arrive $0xFFFF;
	s2 =	simm.s32 @!p0 $0x1C01  }
0x7d: {  	[timem:s3], [sflag:s2] =	dma.local @!p0 [hbm:s0], s1  }
0x7e: {  	s0 =	simm.s32 @!p0 $0x1  }
0x7f: {  	_ =	swait.ge @!p0 [sflag:s0], s1  }
0x80: {  	s1 =	ssub.s32 @!p0 $0x0, s1;
	[sflag:s0] =	ssyncset.done @!p0 $0x0  }
0x81: {  	[sflag:s0] =	ssyncadd.s32 @!p0 s1  }
0x82: {  	[bflag:$0x3] =	sbarrier.arrive $0xFFFF  }
0x83: {  	_ =	shalt  }

</sc_bundles>
